<compile_context>
chip_gen: v7x
topology: tpu7x:2x2x1
jax: 0.10.2.dev20260603
libtpu: 0.0.44.dev20260713+nightly
codegen_flags: <defaults>
</compile_context>

<pallas_src>
import functools

import jax
import jax.numpy as jnp
from jax import lax
from jax.experimental import pallas as pl
from jax.experimental.pallas import tpu as pltpu
from jax.experimental.pallas import tpu_sc as plsc

N = 10000
NP = 10112
E_RAW = 320000
E_TOT = E_RAW + N
C = 128
NS = 16
NCORES = 2
_BLOCKS = (E_TOT + (C * NS * NCORES) - 1) // (C * NS * NCORES)
_BLOCKS += _BLOCKS % 2
E_PAD = _BLOCKS * C * NS * NCORES
F_IN = 128
HID = 16
N_CLASSES = 40
RPT = NP // NS


def _sc_propagate_builder(compute_dis: bool):
    mesh = plsc.VectorSubcoreMesh(core_axis_name="c", subcore_axis_name="s")
    chunks16 = E_PAD // (NS * C)
    chunks32 = E_PAD // (NS * NCORES * C)

    if compute_dis:
        out_type = [jax.ShapeDtypeStruct((NCORES, NP, HID), jnp.float32),
                    jax.ShapeDtypeStruct((NP, HID), jnp.float32)]
    else:
        out_type = jax.ShapeDtypeStruct((NCORES, NP, HID), jnp.float32)

    scratch = [
        pltpu.VMEM((chunks32, C), jnp.int32),
        pltpu.VMEM((chunks32, C), jnp.int32),
        pltpu.VMEM((2, C, HID), jnp.float32),
        pltpu.VMEM((RPT, HID), jnp.float32),
        pltpu.VMEM((RPT, HID), jnp.float32),
        pltpu.VMEM((RPT, HID), jnp.float32),
        pltpu.VMEM_SHARED((NP, HID), jnp.float32),
        pltpu.VMEM_SHARED((NP, HID), jnp.float32),
        pltpu.SemaphoreType.DMA,
        pltpu.SemaphoreType.DMA,
        pltpu.SemaphoreType.DMA,
    ]
    if compute_dis:
        scratch.append(pltpu.VMEM((chunks16, C), jnp.int32))

    @functools.partial(pl.kernel, mesh=mesh, out_type=out_type,
                       scratch_types=scratch,
                       compiler_params=pltpu.CompilerParams(
                           use_tc_tiling_on_sc=False))
    def prop(*refs):
        if compute_dis:
            (row_h, col_h, y_h, out_h, dis_h,
             ridx_all, cidx_all, buf, dbuf, ybuf, zbuf, z_sh, acc_sh,
             gsem0, gsem1, ssem, degidx) = refs
        else:
            (row_h, col_h, y_h, dis_in_h, out_h,
             ridx_all, cidx_all, buf, dbuf, ybuf, zbuf, z_sh, acc_sh,
             gsem0, gsem1, ssem) = refs

        cid = lax.axis_index("c")
        sid = lax.axis_index("s")
        wid = sid * NCORES + cid
        node_base = sid * RPT

        def _zero_row(i, _):
            zbuf[i] = jnp.zeros((HID,), jnp.float32)
            return 0
        lax.fori_loop(0, RPT, _zero_row, 0)

        if compute_dis:
            pltpu.sync_copy(zbuf, acc_sh.at[pl.ds(node_base, RPT)])
            pltpu.sync_copy(col_h.at[pl.ds(sid * chunks16, chunks16)], degidx)

            ones = ybuf.at[pl.ds(0, C)]

            def _ones_row(i, _):
                ybuf[i] = jnp.ones((HID,), jnp.float32)
                return 0
            lax.fori_loop(0, C, _ones_row, 0)
            plsc.subcore_barrier()

            def _deg_group(g, _):
                for j in range(4):
                    pltpu.async_copy(ones, acc_sh.at[degidx.at[g * 4 + j]],
                                     ssem, add=True)
                for j in range(4):
                    pltpu.make_async_copy(
                        ones, acc_sh.at[degidx.at[g * 4 + j]], ssem).wait()
                return 0
            lax.fori_loop(0, chunks16 // 4, _deg_group, 0)
            plsc.subcore_barrier()

            pltpu.sync_copy(acc_sh.at[pl.ds(node_base, RPT)], dbuf)

            def _newton(i, _):
                x = dbuf[i]
                xi = lax.bitcast_convert_type(x, jnp.int32)
                yi = jnp.full((HID,), 0x5F3759DF, jnp.int32) - lax.shift_right_logical(
                    xi, jnp.full((HID,), 1, jnp.int32))
                y = lax.bitcast_convert_type(yi, jnp.float32)
                hx = x * jnp.full((HID,), 0.5, jnp.float32)
                for _it in range(3):
                    y = y * (jnp.full((HID,), 1.5, jnp.float32) - hx * y * y)
                dbuf[i] = y
                return 0
            lax.fori_loop(0, RPT, _newton, 0)

            @pl.when(cid == 0)
            def _():
                pltpu.sync_copy(dbuf, dis_h.at[pl.ds(node_base, RPT)])
            plsc.subcore_barrier()
        else:
            pltpu.sync_copy(dis_in_h.at[pl.ds(node_base, RPT)], dbuf)

        pltpu.sync_copy(y_h.at[pl.ds(node_base, RPT)], ybuf)

        def _scale_row(i, _):
            ybuf[i] = ybuf[i] * dbuf[i]
            return 0
        lax.fori_loop(0, RPT, _scale_row, 0)
        pltpu.sync_copy(ybuf, z_sh.at[pl.ds(node_base, RPT)])
        pltpu.sync_copy(zbuf, acc_sh.at[pl.ds(node_base, RPT)])
        plsc.subcore_barrier()

        cbase = wid * chunks32
        pltpu.sync_copy(row_h.at[pl.ds(cbase, chunks32)], ridx_all)
        pltpu.sync_copy(col_h.at[pl.ds(cbase, chunks32)], cidx_all)
        buf0, buf1 = buf.at[0], buf.at[1]
        npairs = chunks32 // 2

        pltpu.async_copy(z_sh.at[ridx_all.at[0]], buf0, gsem0)

        def _edge_pair(p, _):
            k0 = p * 2
            pltpu.make_async_copy(z_sh.at[ridx_all.at[k0]], buf0, gsem0).wait()
            pltpu.async_copy(z_sh.at[ridx_all.at[k0 + 1]], buf1, gsem1)
            pltpu.sync_copy(buf0, acc_sh.at[cidx_all.at[k0]], add=True)
            pltpu.make_async_copy(
                z_sh.at[ridx_all.at[k0 + 1]], buf1, gsem1).wait()

            @pl.when(p + 1 < npairs)
            def _():
                pltpu.async_copy(z_sh.at[ridx_all.at[k0 + 2]], buf0, gsem0)
            pltpu.sync_copy(buf1, acc_sh.at[cidx_all.at[k0 + 1]], add=True)
            return 0
        lax.fori_loop(0, npairs, _edge_pair, 0)
        plsc.subcore_barrier()

        pltpu.sync_copy(acc_sh.at[pl.ds(node_base, RPT)], ybuf)
        lax.fori_loop(0, RPT, _scale_row, 0)
        pltpu.sync_copy(ybuf, out_h.at[cid].at[pl.ds(node_base, RPT)])

    return prop


_prop_first = _sc_propagate_builder(compute_dis=True)
_prop_next = _sc_propagate_builder(compute_dis=False)



def _tc_mm1(x, w1):
    def body(x_ref, w_ref, o_ref):
        o_ref[...] = lax.dot_general(
            x_ref[...], w_ref[...], (((1,), (1,)), ((), ())),
            preferred_element_type=jnp.float32)
    return pl.pallas_call(
        body, out_shape=jax.ShapeDtypeStruct((NP, HID), jnp.float32))(x, w1)


def _tc_mid1(parts, b1, w2):
    def body(p_ref, b_ref, w_ref, h_ref, g_ref):
        h1 = jnp.maximum(p_ref[0] + p_ref[1] + b_ref[...], 0.0)
        h_ref[...] = h1
        g_ref[...] = lax.dot_general(
            h1, w_ref[...], (((1,), (1,)), ((), ())),
            preferred_element_type=jnp.float32)
    return pl.pallas_call(
        body, out_shape=[jax.ShapeDtypeStruct((NP, HID), jnp.float32),
                         jax.ShapeDtypeStruct((NP, HID), jnp.float32)])(
            parts, b1, w2)


def _tc_mid2(parts2, b2, h1, w_ih_f, w_hh_f, b_ih_f, b_hh_f,
             w_ih_b, w_hh_b, b_ih_b, b_hh_b, w_att, b_att):
    def cell(x_t, h, c, w_ih, w_hh, b_ih, b_hh):
        gates = lax.dot_general(x_t, w_ih, (((1,), (1,)), ((), ())),
                                preferred_element_type=jnp.float32) + b_ih
        if h is not None:
            gates = gates + lax.dot_general(
                h, w_hh, (((1,), (1,)), ((), ())),
                preferred_element_type=jnp.float32)
        gates = gates + b_hh
        i_g = jax.nn.sigmoid(gates[:, 0:32])
        f_g = jax.nn.sigmoid(gates[:, 32:64])
        g_g = jnp.tanh(gates[:, 64:96])
        o_g = jax.nn.sigmoid(gates[:, 96:128])
        c_new = (f_g * c if c is not None else 0.0) + i_g * g_g
        return o_g * jnp.tanh(c_new), c_new

    def body(p_ref, b2_ref, h1_ref, wif_ref, whf_ref, bif_ref, bhf_ref,
             wib_ref, whb_ref, bib_ref, bhb_ref, wa_ref, ba_ref, xj_ref):
        h1 = h1_ref[...]
        h2 = jnp.maximum(p_ref[0] + p_ref[1] + b2_ref[...], 0.0)
        wif, whf, bif, bhf = wif_ref[...], whf_ref[...], bif_ref[...], bhf_ref[...]
        wib, whb, bib, bhb = wib_ref[...], whb_ref[...], bib_ref[...], bhb_ref[...]
        hf0, cf0 = cell(h1, None, None, wif, whf, bif, bhf)
        hf1, _ = cell(h2, hf0, cf0, wif, whf, bif, bhf)
        hb1, cb1 = cell(h2, None, None, wib, whb, bib, bhb)
        hb0, _ = cell(h1, hb1, cb1, wib, whb, bib, bhb)
        wa = wa_ref[...]
        waf, wab = wa[:, :32], wa[:, 32:]
        ba = ba_ref[0, 0]
        a0 = (jnp.sum(hf0 * waf, axis=1) + jnp.sum(hb0 * wab, axis=1)) + ba
        a1 = (jnp.sum(hf1 * waf, axis=1) + jnp.sum(hb1 * wab, axis=1)) + ba
        m = jnp.maximum(a0, a1)
        e0 = jnp.exp(a0 - m)
        e1 = jnp.exp(a1 - m)
        s = e0 + e1
        xj_ref[...] = (e0 / s)[:, None] * h1 + (e1 / s)[:, None] * h2

    grid = 8
    rb = NP // grid
    full = lambda shape: pl.BlockSpec(shape, lambda i: (0,) * len(shape))
    return pl.pallas_call(
        body,
        grid=(grid,),
        in_specs=[
            pl.BlockSpec((2, rb, HID), lambda i: (0, i, 0)),
            full((1, HID)),
            pl.BlockSpec((rb, HID), lambda i: (i, 0)),
            full((128, HID)), full((128, 32)), full((1, 128)), full((1, 128)),
            full((128, HID)), full((128, 32)), full((1, 128)), full((1, 128)),
            full((1, 64)), full((1, 1)),
        ],
        out_specs=pl.BlockSpec((rb, HID), lambda i: (i, 0)),
        out_shape=jax.ShapeDtypeStruct((NP, HID), jnp.float32))(
            parts2, b2, h1, w_ih_f, w_hh_f, b_ih_f, b_hh_f,
            w_ih_b, w_hh_b, b_ih_b, b_hh_b, w_att, b_att)


def _tc_final(parts3, w3, b3):
    def body(p_ref, w_ref, b_ref, o_ref):
        xp = p_ref[0] + p_ref[1]
        logits = lax.dot_general(
            xp, w_ref[...], (((1,), (1,)), ((), ())),
            preferred_element_type=jnp.float32) + b_ref[...]
        m = jnp.max(logits, axis=1, keepdims=True)
        lo = logits - m
        o_ref[...] = lo - jnp.log(jnp.sum(jnp.exp(lo), axis=1, keepdims=True))
    return pl.pallas_call(
        body, out_shape=jax.ShapeDtypeStruct((NP, N_CLASSES), jnp.float32))(
            parts3, w3, b3)


def kernel(x, edge_index, W1, b1, W2, b2, w_ih_f, w_hh_f, b_ih_f, b_hh_f,
           w_ih_b, w_hh_b, b_ih_b, b_hh_b, W_att, b_att, W3, b3):
    x = jnp.pad(x, ((0, NP - N), (0, 0)))
    loops = jnp.arange(N, dtype=jnp.int32)
    n_fill = E_PAD - E_TOT
    fill = jnp.arange(n_fill, dtype=jnp.int32)
    fill_row = (fill * 37) % N
    fill_col = N + (fill % (NP - N))
    row = jnp.concatenate([edge_index[0], loops, fill_row]).astype(
        jnp.int32).reshape(E_PAD // C, C)
    col = jnp.concatenate([edge_index[1], loops, fill_col]).astype(
        jnp.int32).reshape(E_PAD // C, C)

    b1r = b1.reshape(1, HID)
    b2r = b2.reshape(1, HID)
    bif = b_ih_f.reshape(1, 128)
    bhf = b_hh_f.reshape(1, 128)
    bib = b_ih_b.reshape(1, 128)
    bhb = b_hh_b.reshape(1, 128)
    bar = b_att.reshape(1, 1)
    b3r = b3.reshape(1, N_CLASSES)

    y1 = _tc_mm1(x, W1)
    p1, dis2d = _prop_first(row, col, y1)
    h1, g2 = _tc_mid1(p1, b1r, W2)
    p2 = _prop_next(row, col, g2, dis2d)
    xj = _tc_mid2(p2, b2r, h1, w_ih_f, w_hh_f, bif, bhf,
                  w_ih_b, w_hh_b, bib, bhb, W_att, bar)
    p3 = _prop_next(row, col, xj, dis2d)
    out = _tc_final(p3, W3, b3r)
    return out[:N]

# --- scband reference (transcript-rebuilt; emitter-appended) ---
"""Pipeline reference for scband-gcn-jknet-48206712930326 (READ-ONLY COPY).

The authoritative reference and input builder live on the scoring server;
editing this copy changes nothing except your own understanding.
"""

import jax, jax.numpy as jnp
import numpy as np

N_NODES = 10000
N_EDGES = 320000
F_IN = 128
HID = 16
N_CLASSES = 40
LSTM_H = (4 * HID) // 2  # PyG JumpingKnowledge lstm: hidden = (num_layers*channels)//2 = 32


def _glorot(k, shape):
    fan_in = shape[-1]
    return jax.random.normal(k, shape, dtype=jnp.float32) * (1.0 / np.sqrt(fan_in))


def setup_inputs(seed: int = 0):
    key = jax.random.key(seed)
    ks = jax.random.split(key, 16)
    inp = {}
    inp["x"] = jax.random.normal(ks[0], (N_NODES, F_IN), dtype=jnp.float32)
    inp["edge_index"] = jax.random.randint(ks[1], (2, N_EDGES), 0, N_NODES, dtype=jnp.int32)
    inp["W1"] = _glorot(ks[2], (HID, F_IN))
    inp["b1"] = jnp.zeros((HID,), jnp.float32)
    inp["W2"] = _glorot(ks[3], (HID, HID))
    inp["b2"] = jnp.zeros((HID,), jnp.float32)
    inp["w_ih_f"] = _glorot(ks[4], (4 * LSTM_H, HID))
    inp["w_hh_f"] = _glorot(ks[5], (4 * LSTM_H, LSTM_H))
    inp["b_ih_f"] = jnp.zeros((4 * LSTM_H,), jnp.float32)
    inp["b_hh_f"] = jnp.zeros((4 * LSTM_H,), jnp.float32)
    inp["w_ih_b"] = _glorot(ks[6], (4 * LSTM_H, HID))
    inp["w_hh_b"] = _glorot(ks[7], (4 * LSTM_H, LSTM_H))
    inp["b_ih_b"] = jnp.zeros((4 * LSTM_H,), jnp.float32)
    inp["b_hh_b"] = jnp.zeros((4 * LSTM_H,), jnp.float32)
    inp["W_att"] = _glorot(ks[8], (1, 2 * LSTM_H))
    inp["b_att"] = jnp.zeros((1,), jnp.float32)
    inp["W3"] = _glorot(ks[9], (N_CLASSES, HID))
    inp["b3"] = jnp.zeros((N_CLASSES,), jnp.float32)
    return inp


def _gcn_norm(edge_index, num_nodes):
    # PyG gcn_norm: add self-loops, symmetric normalization deg^{-1/2} A deg^{-1/2}
    row = edge_index[0]
    col = edge_index[1]
    loop = jnp.arange(num_nodes, dtype=row.dtype)
    row = jnp.concatenate([row, loop])
    col = jnp.concatenate([col, loop])
    deg = jnp.zeros((num_nodes,), jnp.float32).at[col].add(1.0)
    dis = jnp.where(deg > 0, 1.0 / jnp.sqrt(deg), 0.0)
    norm = dis[row] * dis[col]
    return row, col, norm


def _propagate(x, row, col, norm, num_nodes):
    msg = x[row] * norm[:, None]
    return jnp.zeros((num_nodes, x.shape[1]), x.dtype).at[col].add(msg)


def _lstm_cell(x_t, h, c, w_ih, w_hh, b_ih, b_hh):
    gates = x_t @ w_ih.T + b_ih + h @ w_hh.T + b_hh
    i, f, g, o = jnp.split(gates, 4, axis=-1)
    c_new = jax.nn.sigmoid(f) * c + jax.nn.sigmoid(i) * jnp.tanh(g)
    h_new = jax.nn.sigmoid(o) * jnp.tanh(c_new)
    return h_new, c_new


def _bilstm(xs, w_ih_f, w_hh_f, b_ih_f, b_hh_f, w_ih_b, w_hh_b, b_ih_b, b_hh_b):
    n, L, _ = xs.shape
    h = jnp.zeros((n, LSTM_H), xs.dtype)
    c = jnp.zeros((n, LSTM_H), xs.dtype)
    outs_f = []
    for t in range(L):
        h, c = _lstm_cell(xs[:, t], h, c, w_ih_f, w_hh_f, b_ih_f, b_hh_f)
        outs_f.append(h)
    h = jnp.zeros((n, LSTM_H), xs.dtype)
    c = jnp.zeros((n, LSTM_H), xs.dtype)
    outs_b = [None] * L
    for t in range(L - 1, -1, -1):
        h, c = _lstm_cell(xs[:, t], h, c, w_ih_b, w_hh_b, b_ih_b, b_hh_b)
        outs_b[t] = h
    return jnp.stack([jnp.concatenate([outs_f[t], outs_b[t]], axis=-1) for t in range(L)], axis=1)


def reference(x, edge_index, W1, b1, W2, b2, w_ih_f, w_hh_f, b_ih_f, b_hh_f, w_ih_b, w_hh_b, b_ih_b, b_hh_b, W_att, b_att, W3, b3):
    n = x.shape[0]
    row, col, norm = _gcn_norm(edge_index, n)
    # GCNConv 1 (dropout skipped: eval mode)
    h1 = jax.nn.relu(_propagate(x @ W1.T, row, col, norm, n) + b1)
    # GCNConv 2
    h2 = jax.nn.relu(_propagate(h1 @ W2.T, row, col, norm, n) + b2)
    # JumpingKnowledge (lstm mode)
    xs = jnp.stack([h1, h2], axis=1)  # [n, 2, 16]
    seq = _bilstm(xs, w_ih_f, w_hh_f, b_ih_f, b_hh_f, w_ih_b, w_hh_b, b_ih_b, b_hh_b)  # [n, 2, 64]
    alpha = (seq @ W_att.T + b_att)[..., 0]  # [n, 2]
    alpha = jax.nn.softmax(alpha, axis=-1)
    xj = jnp.sum(xs * alpha[..., None], axis=1)  # [n, 16]
    # APPNP(K=1, alpha=0): single gcn-normalized propagation
    xp = _propagate(xj, row, col, norm, n)
    logits = xp @ W3.T + b3
    return jax.nn.log_softmax(logits, axis=1)

if __name__ == "__main__":
    import jax
    _d = setup_inputs()
    print(jax.jit(kernel)(*tuple(_d.values())))

</pallas_src>

<mosaic_0001>
#map = affine_map<(d0, d1) -> (0, 0)>
#map1 = affine_map<(d0, d1) -> (0, 0, 0)>
module attributes {stable_mosaic.version = 14 : i64} {
  func.func @prop(%arg0: i32, %arg1: i32, %arg2: memref<2624x128xi32, #tpu.memory_space<hbm>>, %arg3: memref<2624x128xi32, #tpu.memory_space<hbm>>, %arg4: memref<10112x16xf32, #tpu.memory_space<hbm>>, %arg5: memref<2x10112x16xf32, #tpu.memory_space<hbm>>, %arg6: memref<10112x16xf32, #tpu.memory_space<hbm>>, %arg7: memref<82x128xi32, #tpu.memory_space<vmem>>, %arg8: memref<82x128xi32, #tpu.memory_space<vmem>>, %arg9: memref<2x128x16xf32, #tpu.memory_space<vmem>>, %arg10: memref<632x16xf32, #tpu.memory_space<vmem>>, %arg11: memref<632x16xf32, #tpu.memory_space<vmem>>, %arg12: memref<632x16xf32, #tpu.memory_space<vmem>>, %arg13: memref<10112x16xf32, #tpu.memory_space<vmem_shared>>, %arg14: memref<10112x16xf32, #tpu.memory_space<vmem_shared>>, %arg15: memref<!tpu.dma_semaphore, #tpu.memory_space<semaphore_mem>>, %arg16: memref<!tpu.dma_semaphore, #tpu.memory_space<semaphore_mem>>, %arg17: memref<!tpu.dma_semaphore, #tpu.memory_space<semaphore_mem>>, %arg18: memref<164x128xi32, #tpu.memory_space<vmem>>) attributes {dimension_semantics = [#tpu.dimension_semantics<core_parallel>, #tpu.dimension_semantics<subcore_parallel>], iteration_bounds = array<i64: 2, 16>, scalar_prefetch = 0 : i64, scratch_operands = 12 : i64, tpu.core_type = #tpu.core_type<sc_vector_subcore>, window_params = [{transform_indices = #map}, {transform_indices = #map}, {transform_indices = #map}, {transform_indices = #map1}, {transform_indices = #map}]} {
    %mul3A = arith.constant 2 : i32
    %mul3A_0 = arith.muli %arg1, %mul3A : i32
    %add3A = arith.addi %mul3A_0, %arg0 : i32
    %mul3A_1 = arith.constant 632 : i32
    %mul3A_2 = arith.muli %arg1, %mul3A_1 : i32
    %scan3A = arith.constant 0 : i32
    %scan3A_3 = arith.constant 0 : i32
    %scan3A_4 = arith.constant 632 : i32
    %scan3A_5 = arith.addi %scan3A_3, %scan3A_4 : i32
    %scan3A_6 = arith.constant 1 : i32
    %scan3A_7 = scf.for %scan3A_74 = %scan3A_3 to %scan3A_5 step %scan3A_6 iter_args(%scan3A_75 = %scan3A) -> (i32)  : i32 {
      %broadcast_in_dim3A = arith.constant 0.000000e+00 : f32
      %broadcast_in_dim3A_76 = vector.broadcast %broadcast_in_dim3A : f32 to vector<16xf32>
      %swap3A = arith.index_cast %scan3A_74 : i32 to index
      %swap3A_77 = arith.constant 0 : index
      %swap3A_78 = tpu.vector_load %arg12[%swap3A, %swap3A_77] {strides = array<i32>} : memref<632x16xf32, #tpu.memory_space<vmem>>, vector<1x16xf32>,
      %swap3A_79 = vector.shape_cast %swap3A_78 : vector<1x16xf32> to vector<16xf32>
      %swap3A_80 = vector.shape_cast %broadcast_in_dim3A_76 : vector<16xf32> to vector<1x16xf32>
      tpu.vector_store %arg12[%swap3A, %swap3A_77], %swap3A_80 {strides = array<i32>} : memref<632x16xf32, #tpu.memory_space<vmem>>, vector<1x16xf32>,
      %scan3A_81 = arith.constant 0 : i32
      scf.yield %scan3A_81 : i32
    }
    %scan3A_8 = arith.constant 632 : i32
    "tpu.region"() ({
      %run_scoped3A = tpu.sem_alloc : memref<!tpu.dma_semaphore, #tpu.memory_space<semaphore_mem>>
      %dma_start3A_74 = arith.constant 0 : i32
      %dma_start3A_75 = tpu.memref_slice %arg14[%mul3A_2, %dma_start3A_74] : memref<10112x16xf32, #tpu.memory_space<vmem_shared>> -> memref<632x16xf32, #tpu.memory_space<vmem_shared>>
      %dma_start3A_76 = arith.constant 0 : i32
      %dma_start3A_77 = tpu.memref_slice %arg14[%mul3A_2, %dma_start3A_76] : memref<10112x16xf32, #tpu.memory_space<vmem_shared>> -> memref<632x16xf32, #tpu.memory_space<vmem_shared>>
      tpu.enqueue_dma source(%arg12 : memref<632x16xf32, #tpu.memory_space<vmem>>) target(%dma_start3A_77 : memref<632x16xf32, #tpu.memory_space<vmem_shared>>) target_semaphore(%run_scoped3A : memref<!tpu.dma_semaphore, #tpu.memory_space<semaphore_mem>>)
      %dma_wait3A = arith.constant 0 : i32
      %dma_wait3A_78 = tpu.memref_slice %arg14[%mul3A_2, %dma_wait3A] : memref<10112x16xf32, #tpu.memory_space<vmem_shared>> -> memref<632x16xf32, #tpu.memory_space<vmem_shared>>
      %dma_wait3A_79 = arith.constant 0 : i32
      %dma_wait3A_80 = tpu.memref_slice %arg14[%mul3A_2, %dma_wait3A_79] : memref<10112x16xf32, #tpu.memory_space<vmem_shared>> -> memref<632x16xf32, #tpu.memory_space<vmem_shared>>
      tpu.wait_dma2 semaphore(%run_scoped3A : memref<!tpu.dma_semaphore, #tpu.memory_space<semaphore_mem>>) src(%arg12 : memref<632x16xf32, #tpu.memory_space<vmem>>) dst(%dma_wait3A_80 : memref<632x16xf32, #tpu.memory_space<vmem_shared>>)
      tpu.yield
    }) : () -> ()
    %mul3A_9 = arith.constant 164 : i32
    %mul3A_10 = arith.muli %arg1, %mul3A_9 : i32
    "tpu.region"() ({
      %run_scoped3A = tpu.sem_alloc : memref<!tpu.dma_semaphore, #tpu.memory_space<semaphore_mem>>
      %dma_start3A_74 = arith.constant 0 : i32
      %dma_start3A_75 = tpu.memref_slice %arg3[%mul3A_10, %dma_start3A_74] : memref<2624x128xi32, #tpu.memory_space<hbm>> -> memref<164x128xi32, #tpu.memory_space<hbm>>
      %dma_start3A_76 = arith.constant 0 : i32
      %dma_start3A_77 = tpu.memref_slice %arg3[%mul3A_10, %dma_start3A_76] : memref<2624x128xi32, #tpu.memory_space<hbm>> -> memref<164x128xi32, #tpu.memory_space<hbm>>
      tpu.enqueue_dma source(%dma_start3A_77 : memref<164x128xi32, #tpu.memory_space<hbm>>) target(%arg18 : memref<164x128xi32, #tpu.memory_space<vmem>>) target_semaphore(%run_scoped3A : memref<!tpu.dma_semaphore, #tpu.memory_space<semaphore_mem>>)
      %dma_wait3A = arith.constant 0 : i32
      %dma_wait3A_78 = tpu.memref_slice %arg3[%mul3A_10, %dma_wait3A] : memref<2624x128xi32, #tpu.memory_space<hbm>> -> memref<164x128xi32, #tpu.memory_space<hbm>>
      %dma_wait3A_79 = arith.constant 0 : i32
      %dma_wait3A_80 = tpu.memref_slice %arg3[%mul3A_10, %dma_wait3A_79] : memref<2624x128xi32, #tpu.memory_space<hbm>> -> memref<164x128xi32, #tpu.memory_space<hbm>>
      tpu.wait_dma2 semaphore(%run_scoped3A : memref<!tpu.dma_semaphore, #tpu.memory_space<semaphore_mem>>) src(%dma_wait3A_80 : memref<164x128xi32, #tpu.memory_space<hbm>>) dst(%arg18 : memref<164x128xi32, #tpu.memory_space<vmem>>)
      tpu.yield
    }) : () -> ()
    %scan3A_11 = arith.constant 0 : i32
    %scan3A_12 = arith.constant 0 : i32
    %scan3A_13 = arith.constant 128 : i32
    %scan3A_14 = arith.addi %scan3A_12, %scan3A_13 : i32
    %scan3A_15 = arith.constant 1 : i32
    %scan3A_16 = scf.for %scan3A_74 = %scan3A_12 to %scan3A_14 step %scan3A_15 iter_args(%scan3A_75 = %scan3A_11) -> (i32)  : i32 {
      %broadcast_in_dim3A = arith.constant 1.000000e+00 : f32
      %broadcast_in_dim3A_76 = vector.broadcast %broadcast_in_dim3A : f32 to vector<16xf32>
      %swap3A = arith.index_cast %scan3A_74 : i32 to index
      %swap3A_77 = arith.constant 0 : index
      %swap3A_78 = tpu.vector_load %arg11[%swap3A, %swap3A_77] {strides = array<i32>} : memref<632x16xf32, #tpu.memory_space<vmem>>, vector<1x16xf32>,
      %swap3A_79 = vector.shape_cast %swap3A_78 : vector<1x16xf32> to vector<16xf32>
      %swap3A_80 = vector.shape_cast %broadcast_in_dim3A_76 : vector<16xf32> to vector<1x16xf32>
      tpu.vector_store %arg11[%swap3A, %swap3A_77], %swap3A_80 {strides = array<i32>} : memref<632x16xf32, #tpu.memory_space<vmem>>, vector<1x16xf32>,
      %scan3A_81 = arith.constant 0 : i32
      scf.yield %scan3A_81 : i32
    }
    %scan3A_17 = arith.constant 128 : i32
    %barrier3A = arith.constant 0 : index
    tpu.barrier barrier_id(%barrier3A)
    %scan3A_18 = arith.constant 0 : i32
    %scan3A_19 = arith.constant 0 : i32
    %scan3A_20 = arith.constant 41 : i32
    %scan3A_21 = arith.addi %scan3A_19, %scan3A_20 : i32
    %scan3A_22 = arith.constant 1 : i32
    %scan3A_23 = scf.for %scan3A_74 = %scan3A_19 to %scan3A_21 step %scan3A_22 iter_args(%scan3A_75 = %scan3A_18) -> (i32)  : i32 {
      %mul3A_76 = arith.constant 4 : i32
      %mul3A_77 = arith.muli %scan3A_74, %mul3A_76 : i32
      %add3A_78 = arith.constant 0 : i32
      %add3A_79 = arith.addi %mul3A_77, %add3A_78 : i32
      %dma_start3A_80 = arith.constant 0 : i32
      %dma_start3A_81 = arith.constant 0 : i32
      %dma_start3A_82 = tpu.memref_slice %arg11[%dma_start3A_80, %dma_start3A_81] : memref<632x16xf32, #tpu.memory_space<vmem>> -> memref<128x16xf32, #tpu.memory_space<vmem>>
      %dma_start3A_83 = arith.constant 0 : i32
      %dma_start3A_84 = tpu.memref_slice %arg18[%add3A_79, %dma_start3A_83] : memref<164x128xi32, #tpu.memory_space<vmem>> -> memref<1x128xi32, #tpu.memory_space<vmem>>
      %dma_start3A_85 = tpu.memref_squeeze %dma_start3A_84 : memref<1x128xi32, #tpu.memory_space<vmem>> -> memref<128xi32, #tpu.memory_space<vmem>>
      %dma_start3A_86 = arith.constant 0 : i32
      %dma_start3A_87 = arith.constant 0 : i32
      %dma_start3A_88 = tpu.memref_slice %arg14[%dma_start3A_86, %dma_start3A_87] : memref<10112x16xf32, #tpu.memory_space<vmem_shared>> -> memref<10112x16xf32, #tpu.memory_space<vmem_shared>>
      tpu.enqueue_indirect_dma source(%dma_start3A_82 : memref<128x16xf32, #tpu.memory_space<vmem>>) target(%dma_start3A_88 : memref<10112x16xf32, #tpu.memory_space<vmem_shared>>) offsets(%dma_start3A_85 : memref<128xi32, #tpu.memory_space<vmem>>) semaphore(%arg17 : memref<!tpu.dma_semaphore, #tpu.memory_space<semaphore_mem>>) {add = true}
      %mul3A_89 = arith.constant 4 : i32
      %mul3A_90 = arith.muli %scan3A_74, %mul3A_89 : i32
      %add3A_91 = arith.constant 1 : i32
      %add3A_92 = arith.addi %mul3A_90, %add3A_91 : i32
      %dma_start3A_93 = arith.constant 0 : i32
      %dma_start3A_94 = arith.constant 0 : i32
      %dma_start3A_95 = tpu.memref_slice %arg11[%dma_start3A_93, %dma_start3A_94] : memref<632x16xf32, #tpu.memory_space<vmem>> -> memref<128x16xf32, #tpu.memory_space<vmem>>
      %dma_start3A_96 = arith.constant 0 : i32
      %dma_start3A_97 = tpu.memref_slice %arg18[%add3A_92, %dma_start3A_96] : memref<164x128xi32, #tpu.memory_space<vmem>> -> memref<1x128xi32, #tpu.memory_space<vmem>>
      %dma_start3A_98 = tpu.memref_squeeze %dma_start3A_97 : memref<1x128xi32, #tpu.memory_space<vmem>> -> memref<128xi32, #tpu.memory_space<vmem>>
      %dma_start3A_99 = arith.constant 0 : i32
      %dma_start3A_100 = arith.constant 0 : i32
      %dma_start3A_101 = tpu.memref_slice %arg14[%dma_start3A_99, %dma_start3A_100] : memref<10112x16xf32, #tpu.memory_space<vmem_shared>> -> memref<10112x16xf32, #tpu.memory_space<vmem_shared>>
      tpu.enqueue_indirect_dma source(%dma_start3A_95 : memref<128x16xf32, #tpu.memory_space<vmem>>) target(%dma_start3A_101 : memref<10112x16xf32, #tpu.memory_space<vmem_shared>>) offsets(%dma_start3A_98 : memref<128xi32, #tpu.memory_space<vmem>>) semaphore(%arg17 : memref<!tpu.dma_semaphore, #tpu.memory_space<semaphore_mem>>) {add = true}
      %mul3A_102 = arith.constant 4 : i32
      %mul3A_103 = arith.muli %scan3A_74, %mul3A_102 : i32
      %add3A_104 = arith.constant 2 : i32
      %add3A_105 = arith.addi %mul3A_103, %add3A_104 : i32
      %dma_start3A_106 = arith.constant 0 : i32
      %dma_start3A_107 = arith.constant 0 : i32
      %dma_start3A_108 = tpu.memref_slice %arg11[%dma_start3A_106, %dma_start3A_107] : memref<632x16xf32, #tpu.memory_space<vmem>> -> memref<128x16xf32, #tpu.memory_space<vmem>>
      %dma_start3A_109 = arith.constant 0 : i32
      %dma_start3A_110 = tpu.memref_slice %arg18[%add3A_105, %dma_start3A_109] : memref<164x128xi32, #tpu.memory_space<vmem>> -> memref<1x128xi32, #tpu.memory_space<vmem>>
      %dma_start3A_111 = tpu.memref_squeeze %dma_start3A_110 : memref<1x128xi32, #tpu.memory_space<vmem>> -> memref<128xi32, #tpu.memory_space<vmem>>
      %dma_start3A_112 = arith.constant 0 : i32
      %dma_start3A_113 = arith.constant 0 : i32
      %dma_start3A_114 = tpu.memref_slice %arg14[%dma_start3A_112, %dma_start3A_113] : memref<10112x16xf32, #tpu.memory_space<vmem_shared>> -> memref<10112x16xf32, #tpu.memory_space<vmem_shared>>
      tpu.enqueue_indirect_dma source(%dma_start3A_108 : memref<128x16xf32, #tpu.memory_space<vmem>>) target(%dma_start3A_114 : memref<10112x16xf32, #tpu.memory_space<vmem_shared>>) offsets(%dma_start3A_111 : memref<128xi32, #tpu.memory_space<vmem>>) semaphore(%arg17 : memref<!tpu.dma_semaphore, #tpu.memory_space<semaphore_mem>>) {add = true}
      %mul3A_115 = arith.constant 4 : i32
      %mul3A_116 = arith.muli %scan3A_74, %mul3A_115 : i32
      %add3A_117 = arith.constant 3 : i32
      %add3A_118 = arith.addi %mul3A_116, %add3A_117 : i32
      %dma_start3A_119 = arith.constant 0 : i32
      %dma_start3A_120 = arith.constant 0 : i32
      %dma_start3A_121 = tpu.memref_slice %arg11[%dma_start3A_119, %dma_start3A_120] : memref<632x16xf32, #tpu.memory_space<vmem>> -> memref<128x16xf32, #tpu.memory_space<vmem>>
      %dma_start3A_122 = arith.constant 0 : i32
      %dma_start3A_123 = tpu.memref_slice %arg18[%add3A_118, %dma_start3A_122] : memref<164x128xi32, #tpu.memory_space<vmem>> -> memref<1x128xi32, #tpu.memory_space<vmem>>
      %dma_start3A_124 = tpu.memref_squeeze %dma_start3A_123 : memref<1x128xi32, #tpu.memory_space<vmem>> -> memref<128xi32, #tpu.memory_space<vmem>>
      %dma_start3A_125 = arith.constant 0 : i32
      %dma_start3A_126 = arith.constant 0 : i32
      %dma_start3A_127 = tpu.memref_slice %arg14[%dma_start3A_125, %dma_start3A_126] : memref<10112x16xf32, #tpu.memory_space<vmem_shared>> -> memref<10112x16xf32, #tpu.memory_space<vmem_shared>>
      tpu.enqueue_indirect_dma source(%dma_start3A_121 : memref<128x16xf32, #tpu.memory_space<vmem>>) target(%dma_start3A_127 : memref<10112x16xf32, #tpu.memory_space<vmem_shared>>) offsets(%dma_start3A_124 : memref<128xi32, #tpu.memory_space<vmem>>) semaphore(%arg17 : memref<!tpu.dma_semaphore, #tpu.memory_space<semaphore_mem>>) {add = true}
      %mul3A_128 = arith.constant 4 : i32
      %mul3A_129 = arith.muli %scan3A_74, %mul3A_128 : i32
      %add3A_130 = arith.constant 0 : i32
      %add3A_131 = arith.addi %mul3A_129, %add3A_130 : i32
      %dma_wait3A = arith.constant 0 : i32
      %dma_wait3A_132 = arith.constant 0 : i32
      %dma_wait3A_133 = tpu.memref_slice %arg11[%dma_wait3A, %dma_wait3A_132] : memref<632x16xf32, #tpu.memory_space<vmem>> -> memref<128x16xf32, #tpu.memory_space<vmem>>
      %dma_wait3A_134 = arith.constant 0 : i32
      %dma_wait3A_135 = tpu.memref_slice %arg18[%add3A_131, %dma_wait3A_134] : memref<164x128xi32, #tpu.memory_space<vmem>> -> memref<1x128xi32, #tpu.memory_space<vmem>>
      %dma_wait3A_136 = tpu.memref_squeeze %dma_wait3A_135 : memref<1x128xi32, #tpu.memory_space<vmem>> -> memref<128xi32, #tpu.memory_space<vmem>>
      %dma_wait3A_137 = arith.constant 0 : i32
      %dma_wait3A_138 = arith.constant 0 : i32
      %dma_wait3A_139 = tpu.memref_slice %arg14[%dma_wait3A_137, %dma_wait3A_138] : memref<10112x16xf32, #tpu.memory_space<vmem_shared>> -> memref<10112x16xf32, #tpu.memory_space<vmem_shared>>
      tpu.wait_indirect_dma semaphore(%arg17 : memref<!tpu.dma_semaphore, #tpu.memory_space<semaphore_mem>>) src(%dma_wait3A_133 : memref<128x16xf32, #tpu.memory_space<vmem>>) dst(%dma_wait3A_139 : memref<10112x16xf32, #tpu.memory_space<vmem_shared>>)
      %mul3A_140 = arith.constant 4 : i32
      %mul3A_141 = arith.muli %scan3A_74, %mul3A_140 : i32
      %add3A_142 = arith.constant 1 : i32
      %add3A_143 = arith.addi %mul3A_141, %add3A_142 : i32
      %dma_wait3A_144 = arith.constant 0 : i32
      %dma_wait3A_145 = arith.constant 0 : i32
      %dma_wait3A_146 = tpu.memref_slice %arg11[%dma_wait3A_144, %dma_wait3A_145] : memref<632x16xf32, #tpu.memory_space<vmem>> -> memref<128x16xf32, #tpu.memory_space<vmem>>
      %dma_wait3A_147 = arith.constant 0 : i32
      %dma_wait3A_148 = tpu.memref_slice %arg18[%add3A_143, %dma_wait3A_147] : memref<164x128xi32, #tpu.memory_space<vmem>> -> memref<1x128xi32, #tpu.memory_space<vmem>>
      %dma_wait3A_149 = tpu.memref_squeeze %dma_wait3A_148 : memref<1x128xi32, #tpu.memory_space<vmem>> -> memref<128xi32, #tpu.memory_space<vmem>>
      %dma_wait3A_150 = arith.constant 0 : i32
      %dma_wait3A_151 = arith.constant 0 : i32
      %dma_wait3A_152 = tpu.memref_slice %arg14[%dma_wait3A_150, %dma_wait3A_151] : memref<10112x16xf32, #tpu.memory_space<vmem_shared>> -> memref<10112x16xf32, #tpu.memory_space<vmem_shared>>
      tpu.wait_indirect_dma semaphore(%arg17 : memref<!tpu.dma_semaphore, #tpu.memory_space<semaphore_mem>>) src(%dma_wait3A_146 : memref<128x16xf32, #tpu.memory_space<vmem>>) dst(%dma_wait3A_152 : memref<10112x16xf32, #tpu.memory_space<vmem_shared>>)
      %mul3A_153 = arith.constant 4 : i32
      %mul3A_154 = arith.muli %scan3A_74, %mul3A_153 : i32
      %add3A_155 = arith.constant 2 : i32
      %add3A_156 = arith.addi %mul3A_154, %add3A_155 : i32
      %dma_wait3A_157 = arith.constant 0 : i32
      %dma_wait3A_158 = arith.constant 0 : i32
      %dma_wait3A_159 = tpu.memref_slice %arg11[%dma_wait3A_157, %dma_wait3A_158] : memref<632x16xf32, #tpu.memory_space<vmem>> -> memref<128x16xf32, #tpu.memory_space<vmem>>
      %dma_wait3A_160 = arith.constant 0 : i32
      %dma_wait3A_161 = tpu.memref_slice %arg18[%add3A_156, %dma_wait3A_160] : memref<164x128xi32, #tpu.memory_space<vmem>> -> memref<1x128xi32, #tpu.memory_space<vmem>>
      %dma_wait3A_162 = tpu.memref_squeeze %dma_wait3A_161 : memref<1x128xi32, #tpu.memory_space<vmem>> -> memref<128xi32, #tpu.memory_space<vmem>>
      %dma_wait3A_163 = arith.constant 0 : i32
      %dma_wait3A_164 = arith.constant 0 : i32
      %dma_wait3A_165 = tpu.memref_slice %arg14[%dma_wait3A_163, %dma_wait3A_164] : memref<10112x16xf32, #tpu.memory_space<vmem_shared>> -> memref<10112x16xf32, #tpu.memory_space<vmem_shared>>
      tpu.wait_indirect_dma semaphore(%arg17 : memref<!tpu.dma_semaphore, #tpu.memory_space<semaphore_mem>>) src(%dma_wait3A_159 : memref<128x16xf32, #tpu.memory_space<vmem>>) dst(%dma_wait3A_165 : memref<10112x16xf32, #tpu.memory_space<vmem_shared>>)
      %mul3A_166 = arith.constant 4 : i32
      %mul3A_167 = arith.muli %scan3A_74, %mul3A_166 : i32
      %add3A_168 = arith.constant 3 : i32
      %add3A_169 = arith.addi %mul3A_167, %add3A_168 : i32
      %dma_wait3A_170 = arith.constant 0 : i32
      %dma_wait3A_171 = arith.constant 0 : i32
      %dma_wait3A_172 = tpu.memref_slice %arg11[%dma_wait3A_170, %dma_wait3A_171] : memref<632x16xf32, #tpu.memory_space<vmem>> -> memref<128x16xf32, #tpu.memory_space<vmem>>
      %dma_wait3A_173 = arith.constant 0 : i32
      %dma_wait3A_174 = tpu.memref_slice %arg18[%add3A_169, %dma_wait3A_173] : memref<164x128xi32, #tpu.memory_space<vmem>> -> memref<1x128xi32, #tpu.memory_space<vmem>>
      %dma_wait3A_175 = tpu.memref_squeeze %dma_wait3A_174 : memref<1x128xi32, #tpu.memory_space<vmem>> -> memref<128xi32, #tpu.memory_space<vmem>>
      %dma_wait3A_176 = arith.constant 0 : i32
      %dma_wait3A_177 = arith.constant 0 : i32
      %dma_wait3A_178 = tpu.memref_slice %arg14[%dma_wait3A_176, %dma_wait3A_177] : memref<10112x16xf32, #tpu.memory_space<vmem_shared>> -> memref<10112x16xf32, #tpu.memory_space<vmem_shared>>
      tpu.wait_indirect_dma semaphore(%arg17 : memref<!tpu.dma_semaphore, #tpu.memory_space<semaphore_mem>>) src(%dma_wait3A_172 : memref<128x16xf32, #tpu.memory_space<vmem>>) dst(%dma_wait3A_178 : memref<10112x16xf32, #tpu.memory_space<vmem_shared>>)
      %scan3A_179 = arith.constant 0 : i32
      scf.yield %scan3A_179 : i32
    }
    %scan3A_24 = arith.constant 41 : i32
    %barrier3A_25 = arith.constant 0 : index
    tpu.barrier barrier_id(%barrier3A_25)
    "tpu.region"() ({
      %run_scoped3A = tpu.sem_alloc : memref<!tpu.dma_semaphore, #tpu.memory_space<semaphore_mem>>
      %dma_start3A_74 = arith.constant 0 : i32
      %dma_start3A_75 = tpu.memref_slice %arg14[%mul3A_2, %dma_start3A_74] : memref<10112x16xf32, #tpu.memory_space<vmem_shared>> -> memref<632x16xf32, #tpu.memory_space<vmem_shared>>
      %dma_start3A_76 = arith.constant 0 : i32
      %dma_start3A_77 = tpu.memref_slice %arg14[%mul3A_2, %dma_start3A_76] : memref<10112x16xf32, #tpu.memory_space<vmem_shared>> -> memref<632x16xf32, #tpu.memory_space<vmem_shared>>
      tpu.enqueue_dma source(%dma_start3A_77 : memref<632x16xf32, #tpu.memory_space<vmem_shared>>) target(%arg10 : memref<632x16xf32, #tpu.memory_space<vmem>>) target_semaphore(%run_scoped3A : memref<!tpu.dma_semaphore, #tpu.memory_space<semaphore_mem>>)
      %dma_wait3A = arith.constant 0 : i32
      %dma_wait3A_78 = tpu.memref_slice %arg14[%mul3A_2, %dma_wait3A] : memref<10112x16xf32, #tpu.memory_space<vmem_shared>> -> memref<632x16xf32, #tpu.memory_space<vmem_shared>>
      %dma_wait3A_79 = arith.constant 0 : i32
      %dma_wait3A_80 = tpu.memref_slice %arg14[%mul3A_2, %dma_wait3A_79] : memref<10112x16xf32, #tpu.memory_space<vmem_shared>> -> memref<632x16xf32, #tpu.memory_space<vmem_shared>>
      tpu.wait_dma2 semaphore(%run_scoped3A : memref<!tpu.dma_semaphore, #tpu.memory_space<semaphore_mem>>) src(%dma_wait3A_80 : memref<632x16xf32, #tpu.memory_space<vmem_shared>>) dst(%arg10 : memref<632x16xf32, #tpu.memory_space<vmem>>)
      tpu.yield
    }) : () -> ()
    %scan3A_26 = arith.constant 0 : i32
    %scan3A_27 = arith.constant 0 : i32
    %scan3A_28 = arith.constant 632 : i32
    %scan3A_29 = arith.addi %scan3A_27, %scan3A_28 : i32
    %scan3A_30 = arith.constant 1 : i32
    %scan3A_31 = scf.for %scan3A_74 = %scan3A_27 to %scan3A_29 step %scan3A_30 iter_args(%scan3A_75 = %scan3A_26) -> (i32)  : i32 {
      %get3A = arith.index_cast %scan3A_74 : i32 to index
      %get3A_76 = arith.constant 0 : index
      %get3A_77 = tpu.vector_load %arg10[%get3A, %get3A_76] {strides = array<i32>} : memref<632x16xf32, #tpu.memory_space<vmem>>, vector<1x16xf32>,
      %get3A_78 = vector.shape_cast %get3A_77 : vector<1x16xf32> to vector<16xf32>
      %bitcast_convert_type3A = tpu.bitcast %get3A_78 : vector<16xf32> -> vector<16xi32>
      %broadcast_in_dim3A = arith.constant 1597463007 : i32
      %broadcast_in_dim3A_79 = vector.broadcast %broadcast_in_dim3A : i32 to vector<16xi32>
      %broadcast_in_dim3A_80 = arith.constant 1 : i32
      %broadcast_in_dim3A_81 = vector.broadcast %broadcast_in_dim3A_80 : i32 to vector<16xi32>
      %shift_right_logical3A = arith.shrui %bitcast_convert_type3A, %broadcast_in_dim3A_81 : vector<16xi32>
      %sub3A = arith.subi %broadcast_in_dim3A_79, %shift_right_logical3A : vector<16xi32>
      %bitcast_convert_type3A_82 = tpu.bitcast %sub3A : vector<16xi32> -> vector<16xf32>
      %broadcast_in_dim3A_83 = arith.constant 5.000000e-01 : f32
      %broadcast_in_dim3A_84 = vector.broadcast %broadcast_in_dim3A_83 : f32 to vector<16xf32>
      %mul3A_85 = arith.mulf %get3A_78, %broadcast_in_dim3A_84 : vector<16xf32>
      %broadcast_in_dim3A_86 = arith.constant 1.500000e+00 : f32
      %broadcast_in_dim3A_87 = vector.broadcast %broadcast_in_dim3A_86 : f32 to vector<16xf32>
      %mul3A_88 = arith.mulf %mul3A_85, %bitcast_convert_type3A_82 : vector<16xf32>
      %mul3A_89 = arith.mulf %mul3A_88, %bitcast_convert_type3A_82 : vector<16xf32>
      %sub3A_90 = arith.subf %broadcast_in_dim3A_87, %mul3A_89 : vector<16xf32>
      %mul3A_91 = arith.mulf %bitcast_convert_type3A_82, %sub3A_90 : vector<16xf32>
      %broadcast_in_dim3A_92 = arith.constant 1.500000e+00 : f32
      %broadcast_in_dim3A_93 = vector.broadcast %broadcast_in_dim3A_92 : f32 to vector<16xf32>
      %mul3A_94 = arith.mulf %mul3A_85, %mul3A_91 : vector<16xf32>
      %mul3A_95 = arith.mulf %mul3A_94, %mul3A_91 : vector<16xf32>
      %sub3A_96 = arith.subf %broadcast_in_dim3A_93, %mul3A_95 : vector<16xf32>
      %mul3A_97 = arith.mulf %mul3A_91, %sub3A_96 : vector<16xf32>
      %broadcast_in_dim3A_98 = arith.constant 1.500000e+00 : f32
      %broadcast_in_dim3A_99 = vector.broadcast %broadcast_in_dim3A_98 : f32 to vector<16xf32>
      %mul3A_100 = arith.mulf %mul3A_85, %mul3A_97 : vector<16xf32>
      %mul3A_101 = arith.mulf %mul3A_100, %mul3A_97 : vector<16xf32>
      %sub3A_102 = arith.subf %broadcast_in_dim3A_99, %mul3A_101 : vector<16xf32>
      %mul3A_103 = arith.mulf %mul3A_97, %sub3A_102 : vector<16xf32>
      %swap3A = arith.index_cast %scan3A_74 : i32 to index
      %swap3A_104 = arith.constant 0 : index
      %swap3A_105 = tpu.vector_load %arg10[%swap3A, %swap3A_104] {strides = array<i32>} : memref<632x16xf32, #tpu.memory_space<vmem>>, vector<1x16xf32>,
      %swap3A_106 = vector.shape_cast %swap3A_105 : vector<1x16xf32> to vector<16xf32>
      %swap3A_107 = vector.shape_cast %mul3A_103 : vector<16xf32> to vector<1x16xf32>
      tpu.vector_store %arg10[%swap3A, %swap3A_104], %swap3A_107 {strides = array<i32>} : memref<632x16xf32, #tpu.memory_space<vmem>>, vector<1x16xf32>,
      %scan3A_108 = arith.constant 0 : i32
      scf.yield %scan3A_108 : i32
    }
    %scan3A_32 = arith.constant 632 : i32
    %eq3A = arith.constant 0 : i32
    %eq3A_33 = arith.cmpi eq, %arg0, %eq3A : i32
    %convert_element_type3A = arith.extui %eq3A_33 : i1 to i32
    %cond3A = arith.constant 0 : i32
    %cond3A_34 = arith.cmpi ne, %convert_element_type3A, %cond3A : i32
    scf.if %cond3A_34 {
      "tpu.region"() ({
        %run_scoped3A = tpu.sem_alloc : memref<!tpu.dma_semaphore, #tpu.memory_space<semaphore_mem>>
        %dma_start3A_74 = arith.constant 0 : i32
        %dma_start3A_75 = tpu.memref_slice %arg6[%mul3A_2, %dma_start3A_74] : memref<10112x16xf32, #tpu.memory_space<hbm>> -> memref<632x16xf32, #tpu.memory_space<hbm>>
        %dma_start3A_76 = arith.constant 0 : i32
        %dma_start3A_77 = tpu.memref_slice %arg6[%mul3A_2, %dma_start3A_76] : memref<10112x16xf32, #tpu.memory_space<hbm>> -> memref<632x16xf32, #tpu.memory_space<hbm>>
        tpu.enqueue_dma source(%arg10 : memref<632x16xf32, #tpu.memory_space<vmem>>) target(%dma_start3A_77 : memref<632x16xf32, #tpu.memory_space<hbm>>) target_semaphore(%run_scoped3A : memref<!tpu.dma_semaphore, #tpu.memory_space<semaphore_mem>>)
        %dma_wait3A = arith.constant 0 : i32
        %dma_wait3A_78 = tpu.memref_slice %arg6[%mul3A_2, %dma_wait3A] : memref<10112x16xf32, #tpu.memory_space<hbm>> -> memref<632x16xf32, #tpu.memory_space<hbm>>
        %dma_wait3A_79 = arith.constant 0 : i32
        %dma_wait3A_80 = tpu.memref_slice %arg6[%mul3A_2, %dma_wait3A_79] : memref<10112x16xf32, #tpu.memory_space<hbm>> -> memref<632x16xf32, #tpu.memory_space<hbm>>
        tpu.wait_dma2 semaphore(%run_scoped3A : memref<!tpu.dma_semaphore, #tpu.memory_space<semaphore_mem>>) src(%arg10 : memref<632x16xf32, #tpu.memory_space<vmem>>) dst(%dma_wait3A_80 : memref<632x16xf32, #tpu.memory_space<hbm>>)
        tpu.yield
      }) : () -> ()
    } else {
    }
    %barrier3A_35 = arith.constant 0 : index
    tpu.barrier barrier_id(%barrier3A_35)
    "tpu.region"() ({
      %run_scoped3A = tpu.sem_alloc : memref<!tpu.dma_semaphore, #tpu.memory_space<semaphore_mem>>
      %dma_start3A_74 = arith.constant 0 : i32
      %dma_start3A_75 = tpu.memref_slice %arg4[%mul3A_2, %dma_start3A_74] : memref<10112x16xf32, #tpu.memory_space<hbm>> -> memref<632x16xf32, #tpu.memory_space<hbm>>
      %dma_start3A_76 = arith.constant 0 : i32
      %dma_start3A_77 = tpu.memref_slice %arg4[%mul3A_2, %dma_start3A_76] : memref<10112x16xf32, #tpu.memory_space<hbm>> -> memref<632x16xf32, #tpu.memory_space<hbm>>
      tpu.enqueue_dma source(%dma_start3A_77 : memref<632x16xf32, #tpu.memory_space<hbm>>) target(%arg11 : memref<632x16xf32, #tpu.memory_space<vmem>>) target_semaphore(%run_scoped3A : memref<!tpu.dma_semaphore, #tpu.memory_space<semaphore_mem>>)
      %dma_wait3A = arith.constant 0 : i32
      %dma_wait3A_78 = tpu.memref_slice %arg4[%mul3A_2, %dma_wait3A] : memref<10112x16xf32, #tpu.memory_space<hbm>> -> memref<632x16xf32, #tpu.memory_space<hbm>>
      %dma_wait3A_79 = arith.constant 0 : i32
      %dma_wait3A_80 = tpu.memref_slice %arg4[%mul3A_2, %dma_wait3A_79] : memref<10112x16xf32, #tpu.memory_space<hbm>> -> memref<632x16xf32, #tpu.memory_space<hbm>>
      tpu.wait_dma2 semaphore(%run_scoped3A : memref<!tpu.dma_semaphore, #tpu.memory_space<semaphore_mem>>) src(%dma_wait3A_80 : memref<632x16xf32, #tpu.memory_space<hbm>>) dst(%arg11 : memref<632x16xf32, #tpu.memory_space<vmem>>)
      tpu.yield
    }) : () -> ()
    %scan3A_36 = arith.constant 0 : i32
    %scan3A_37 = arith.constant 0 : i32
    %scan3A_38 = arith.constant 632 : i32
    %scan3A_39 = arith.addi %scan3A_37, %scan3A_38 : i32
    %scan3A_40 = arith.constant 1 : i32
    %scan3A_41 = scf.for %scan3A_74 = %scan3A_37 to %scan3A_39 step %scan3A_40 iter_args(%scan3A_75 = %scan3A_36) -> (i32)  : i32 {
      %get3A = arith.index_cast %scan3A_74 : i32 to index
      %get3A_76 = arith.constant 0 : index
      %get3A_77 = tpu.vector_load %arg11[%get3A, %get3A_76] {strides = array<i32>} : memref<632x16xf32, #tpu.memory_space<vmem>>, vector<1x16xf32>,
      %get3A_78 = vector.shape_cast %get3A_77 : vector<1x16xf32> to vector<16xf32>
      %get3A_79 = arith.index_cast %scan3A_74 : i32 to index
      %get3A_80 = arith.constant 0 : index
      %get3A_81 = tpu.vector_load %arg10[%get3A_79, %get3A_80] {strides = array<i32>} : memref<632x16xf32, #tpu.memory_space<vmem>>, vector<1x16xf32>,
      %get3A_82 = vector.shape_cast %get3A_81 : vector<1x16xf32> to vector<16xf32>
      %mul3A_83 = arith.mulf %get3A_78, %get3A_82 : vector<16xf32>
      %swap3A = arith.index_cast %scan3A_74 : i32 to index
      %swap3A_84 = arith.constant 0 : index
      %swap3A_85 = tpu.vector_load %arg11[%swap3A, %swap3A_84] {strides = array<i32>} : memref<632x16xf32, #tpu.memory_space<vmem>>, vector<1x16xf32>,
      %swap3A_86 = vector.shape_cast %swap3A_85 : vector<1x16xf32> to vector<16xf32>
      %swap3A_87 = vector.shape_cast %mul3A_83 : vector<16xf32> to vector<1x16xf32>
      tpu.vector_store %arg11[%swap3A, %swap3A_84], %swap3A_87 {strides = array<i32>} : memref<632x16xf32, #tpu.memory_space<vmem>>, vector<1x16xf32>,
      %scan3A_88 = arith.constant 0 : i32
      scf.yield %scan3A_88 : i32
    }
    %scan3A_42 = arith.constant 632 : i32
    "tpu.region"() ({
      %run_scoped3A = tpu.sem_alloc : memref<!tpu.dma_semaphore, #tpu.memory_space<semaphore_mem>>
      %dma_start3A_74 = arith.constant 0 : i32
      %dma_start3A_75 = tpu.memref_slice %arg13[%mul3A_2, %dma_start3A_74] : memref<10112x16xf32, #tpu.memory_space<vmem_shared>> -> memref<632x16xf32, #tpu.memory_space<vmem_shared>>
      %dma_start3A_76 = arith.constant 0 : i32
      %dma_start3A_77 = tpu.memref_slice %arg13[%mul3A_2, %dma_start3A_76] : memref<10112x16xf32, #tpu.memory_space<vmem_shared>> -> memref<632x16xf32, #tpu.memory_space<vmem_shared>>
      tpu.enqueue_dma source(%arg11 : memref<632x16xf32, #tpu.memory_space<vmem>>) target(%dma_start3A_77 : memref<632x16xf32, #tpu.memory_space<vmem_shared>>) target_semaphore(%run_scoped3A : memref<!tpu.dma_semaphore, #tpu.memory_space<semaphore_mem>>)
      %dma_wait3A = arith.constant 0 : i32
      %dma_wait3A_78 = tpu.memref_slice %arg13[%mul3A_2, %dma_wait3A] : memref<10112x16xf32, #tpu.memory_space<vmem_shared>> -> memref<632x16xf32, #tpu.memory_space<vmem_shared>>
      %dma_wait3A_79 = arith.constant 0 : i32
      %dma_wait3A_80 = tpu.memref_slice %arg13[%mul3A_2, %dma_wait3A_79] : memref<10112x16xf32, #tpu.memory_space<vmem_shared>> -> memref<632x16xf32, #tpu.memory_space<vmem_shared>>
      tpu.wait_dma2 semaphore(%run_scoped3A : memref<!tpu.dma_semaphore, #tpu.memory_space<semaphore_mem>>) src(%arg11 : memref<632x16xf32, #tpu.memory_space<vmem>>) dst(%dma_wait3A_80 : memref<632x16xf32, #tpu.memory_space<vmem_shared>>)
      tpu.yield
    }) : () -> ()
    "tpu.region"() ({
      %run_scoped3A = tpu.sem_alloc : memref<!tpu.dma_semaphore, #tpu.memory_space<semaphore_mem>>
      %dma_start3A_74 = arith.constant 0 : i32
      %dma_start3A_75 = tpu.memref_slice %arg14[%mul3A_2, %dma_start3A_74] : memref<10112x16xf32, #tpu.memory_space<vmem_shared>> -> memref<632x16xf32, #tpu.memory_space<vmem_shared>>
      %dma_start3A_76 = arith.constant 0 : i32
      %dma_start3A_77 = tpu.memref_slice %arg14[%mul3A_2, %dma_start3A_76] : memref<10112x16xf32, #tpu.memory_space<vmem_shared>> -> memref<632x16xf32, #tpu.memory_space<vmem_shared>>
      tpu.enqueue_dma source(%arg12 : memref<632x16xf32, #tpu.memory_space<vmem>>) target(%dma_start3A_77 : memref<632x16xf32, #tpu.memory_space<vmem_shared>>) target_semaphore(%run_scoped3A : memref<!tpu.dma_semaphore, #tpu.memory_space<semaphore_mem>>)
      %dma_wait3A = arith.constant 0 : i32
      %dma_wait3A_78 = tpu.memref_slice %arg14[%mul3A_2, %dma_wait3A] : memref<10112x16xf32, #tpu.memory_space<vmem_shared>> -> memref<632x16xf32, #tpu.memory_space<vmem_shared>>
      %dma_wait3A_79 = arith.constant 0 : i32
      %dma_wait3A_80 = tpu.memref_slice %arg14[%mul3A_2, %dma_wait3A_79] : memref<10112x16xf32, #tpu.memory_space<vmem_shared>> -> memref<632x16xf32, #tpu.memory_space<vmem_shared>>
      tpu.wait_dma2 semaphore(%run_scoped3A : memref<!tpu.dma_semaphore, #tpu.memory_space<semaphore_mem>>) src(%arg12 : memref<632x16xf32, #tpu.memory_space<vmem>>) dst(%dma_wait3A_80 : memref<632x16xf32, #tpu.memory_space<vmem_shared>>)
      tpu.yield
    }) : () -> ()
    %barrier3A_43 = arith.constant 0 : index
    tpu.barrier barrier_id(%barrier3A_43)
    %mul3A_44 = arith.constant 82 : i32
    %mul3A_45 = arith.muli %add3A, %mul3A_44 : i32
    "tpu.region"() ({
      %run_scoped3A = tpu.sem_alloc : memref<!tpu.dma_semaphore, #tpu.memory_space<semaphore_mem>>
      %dma_start3A_74 = arith.constant 0 : i32
      %dma_start3A_75 = tpu.memref_slice %arg2[%mul3A_45, %dma_start3A_74] : memref<2624x128xi32, #tpu.memory_space<hbm>> -> memref<82x128xi32, #tpu.memory_space<hbm>>
      %dma_start3A_76 = arith.constant 0 : i32
      %dma_start3A_77 = tpu.memref_slice %arg2[%mul3A_45, %dma_start3A_76] : memref<2624x128xi32, #tpu.memory_space<hbm>> -> memref<82x128xi32, #tpu.memory_space<hbm>>
      tpu.enqueue_dma source(%dma_start3A_77 : memref<82x128xi32, #tpu.memory_space<hbm>>) target(%arg7 : memref<82x128xi32, #tpu.memory_space<vmem>>) target_semaphore(%run_scoped3A : memref<!tpu.dma_semaphore, #tpu.memory_space<semaphore_mem>>)
      %dma_wait3A = arith.constant 0 : i32
      %dma_wait3A_78 = tpu.memref_slice %arg2[%mul3A_45, %dma_wait3A] : memref<2624x128xi32, #tpu.memory_space<hbm>> -> memref<82x128xi32, #tpu.memory_space<hbm>>
      %dma_wait3A_79 = arith.constant 0 : i32
      %dma_wait3A_80 = tpu.memref_slice %arg2[%mul3A_45, %dma_wait3A_79] : memref<2624x128xi32, #tpu.memory_space<hbm>> -> memref<82x128xi32, #tpu.memory_space<hbm>>
      tpu.wait_dma2 semaphore(%run_scoped3A : memref<!tpu.dma_semaphore, #tpu.memory_space<semaphore_mem>>) src(%dma_wait3A_80 : memref<82x128xi32, #tpu.memory_space<hbm>>) dst(%arg7 : memref<82x128xi32, #tpu.memory_space<vmem>>)
      tpu.yield
    }) : () -> ()
    "tpu.region"() ({
      %run_scoped3A = tpu.sem_alloc : memref<!tpu.dma_semaphore, #tpu.memory_space<semaphore_mem>>
      %dma_start3A_74 = arith.constant 0 : i32
      %dma_start3A_75 = tpu.memref_slice %arg3[%mul3A_45, %dma_start3A_74] : memref<2624x128xi32, #tpu.memory_space<hbm>> -> memref<82x128xi32, #tpu.memory_space<hbm>>
      %dma_start3A_76 = arith.constant 0 : i32
      %dma_start3A_77 = tpu.memref_slice %arg3[%mul3A_45, %dma_start3A_76] : memref<2624x128xi32, #tpu.memory_space<hbm>> -> memref<82x128xi32, #tpu.memory_space<hbm>>
      tpu.enqueue_dma source(%dma_start3A_77 : memref<82x128xi32, #tpu.memory_space<hbm>>) target(%arg8 : memref<82x128xi32, #tpu.memory_space<vmem>>) target_semaphore(%run_scoped3A : memref<!tpu.dma_semaphore, #tpu.memory_space<semaphore_mem>>)
      %dma_wait3A = arith.constant 0 : i32
      %dma_wait3A_78 = tpu.memref_slice %arg3[%mul3A_45, %dma_wait3A] : memref<2624x128xi32, #tpu.memory_space<hbm>> -> memref<82x128xi32, #tpu.memory_space<hbm>>
      %dma_wait3A_79 = arith.constant 0 : i32
      %dma_wait3A_80 = tpu.memref_slice %arg3[%mul3A_45, %dma_wait3A_79] : memref<2624x128xi32, #tpu.memory_space<hbm>> -> memref<82x128xi32, #tpu.memory_space<hbm>>
      tpu.wait_dma2 semaphore(%run_scoped3A : memref<!tpu.dma_semaphore, #tpu.memory_space<semaphore_mem>>) src(%dma_wait3A_80 : memref<82x128xi32, #tpu.memory_space<hbm>>) dst(%arg8 : memref<82x128xi32, #tpu.memory_space<vmem>>)
      tpu.yield
    }) : () -> ()
    %dma_start3A = arith.constant 0 : i32
    %dma_start3A_46 = arith.constant 0 : i32
    %dma_start3A_47 = arith.constant 0 : i32
    %dma_start3A_48 = arith.constant 0 : i32
    %dma_start3A_49 = tpu.memref_slice %arg9[%dma_start3A_46, %dma_start3A_47, %dma_start3A_48] : memref<2x128x16xf32, #tpu.memory_space<vmem>> -> memref<1x128x16xf32, #tpu.memory_space<vmem>>
    %dma_start3A_50 = tpu.memref_squeeze %dma_start3A_49 : memref<1x128x16xf32, #tpu.memory_space<vmem>> -> memref<128x16xf32, #tpu.memory_space<vmem>>
    %dma_start3A_51 = arith.constant 0 : i32
    %dma_start3A_52 = tpu.memref_slice %arg7[%dma_start3A, %dma_start3A_51] : memref<82x128xi32, #tpu.memory_space<vmem>> -> memref<1x128xi32, #tpu.memory_space<vmem>>
    %dma_start3A_53 = tpu.memref_squeeze %dma_start3A_52 : memref<1x128xi32, #tpu.memory_space<vmem>> -> memref<128xi32, #tpu.memory_space<vmem>>
    %dma_start3A_54 = arith.constant 0 : i32
    %dma_start3A_55 = arith.constant 0 : i32
    %dma_start3A_56 = tpu.memref_slice %arg13[%dma_start3A_54, %dma_start3A_55] : memref<10112x16xf32, #tpu.memory_space<vmem_shared>> -> memref<10112x16xf32, #tpu.memory_space<vmem_shared>>
    tpu.enqueue_indirect_dma source(%dma_start3A_56 : memref<10112x16xf32, #tpu.memory_space<vmem_shared>>) target(%dma_start3A_50 : memref<128x16xf32, #tpu.memory_space<vmem>>) offsets(%dma_start3A_53 : memref<128xi32, #tpu.memory_space<vmem>>) semaphore(%arg15 : memref<!tpu.dma_semaphore, #tpu.memory_space<semaphore_mem>>)
    %scan3A_57 = arith.constant 0 : i32
    %scan3A_58 = arith.constant 1 : i32
    %scan3A_59 = arith.constant 0 : i32
    %scan3A_60 = arith.constant 0 : i32
    %scan3A_61 = arith.constant 41 : i32
    %scan3A_62 = arith.addi %scan3A_60, %scan3A_61 : i32
    %scan3A_63 = arith.constant 1 : i32
    %scan3A_64 = scf.for %scan3A_74 = %scan3A_60 to %scan3A_62 step %scan3A_63 iter_args(%scan3A_75 = %scan3A_59) -> (i32)  : i32 {
      %mul3A_76 = arith.constant 2 : i32
      %mul3A_77 = arith.muli %scan3A_74, %mul3A_76 : i32
      %dma_wait3A = arith.constant 0 : i32
      %dma_wait3A_78 = arith.constant 0 : i32
      %dma_wait3A_79 = tpu.memref_slice %arg9[%scan3A_57, %dma_wait3A, %dma_wait3A_78] : memref<2x128x16xf32, #tpu.memory_space<vmem>> -> memref<1x128x16xf32, #tpu.memory_space<vmem>>
      %dma_wait3A_80 = tpu.memref_squeeze %dma_wait3A_79 : memref<1x128x16xf32, #tpu.memory_space<vmem>> -> memref<128x16xf32, #tpu.memory_space<vmem>>
      %dma_wait3A_81 = arith.constant 0 : i32
      %dma_wait3A_82 = tpu.memref_slice %arg7[%mul3A_77, %dma_wait3A_81] : memref<82x128xi32, #tpu.memory_space<vmem>> -> memref<1x128xi32, #tpu.memory_space<vmem>>
      %dma_wait3A_83 = tpu.memref_squeeze %dma_wait3A_82 : memref<1x128xi32, #tpu.memory_space<vmem>> -> memref<128xi32, #tpu.memory_space<vmem>>
      %dma_wait3A_84 = arith.constant 0 : i32
      %dma_wait3A_85 = arith.constant 0 : i32
      %dma_wait3A_86 = tpu.memref_slice %arg13[%dma_wait3A_84, %dma_wait3A_85] : memref<10112x16xf32, #tpu.memory_space<vmem_shared>> -> memref<10112x16xf32, #tpu.memory_space<vmem_shared>>
      tpu.wait_indirect_dma semaphore(%arg15 : memref<!tpu.dma_semaphore, #tpu.memory_space<semaphore_mem>>) src(%dma_wait3A_86 : memref<10112x16xf32, #tpu.memory_space<vmem_shared>>) dst(%dma_wait3A_80 : memref<128x16xf32, #tpu.memory_space<vmem>>)
      %add3A_87 = arith.constant 1 : i32
      %add3A_88 = arith.addi %mul3A_77, %add3A_87 : i32
      %dma_start3A_89 = arith.constant 0 : i32
      %dma_start3A_90 = arith.constant 0 : i32
      %dma_start3A_91 = tpu.memref_slice %arg9[%scan3A_58, %dma_start3A_89, %dma_start3A_90] : memref<2x128x16xf32, #tpu.memory_space<vmem>> -> memref<1x128x16xf32, #tpu.memory_space<vmem>>
      %dma_start3A_92 = tpu.memref_squeeze %dma_start3A_91 : memref<1x128x16xf32, #tpu.memory_space<vmem>> -> memref<128x16xf32, #tpu.memory_space<vmem>>
      %dma_start3A_93 = arith.constant 0 : i32
      %dma_start3A_94 = tpu.memref_slice %arg7[%add3A_88, %dma_start3A_93] : memref<82x128xi32, #tpu.memory_space<vmem>> -> memref<1x128xi32, #tpu.memory_space<vmem>>
      %dma_start3A_95 = tpu.memref_squeeze %dma_start3A_94 : memref<1x128xi32, #tpu.memory_space<vmem>> -> memref<128xi32, #tpu.memory_space<vmem>>
      %dma_start3A_96 = arith.constant 0 : i32
      %dma_start3A_97 = arith.constant 0 : i32
      %dma_start3A_98 = tpu.memref_slice %arg13[%dma_start3A_96, %dma_start3A_97] : memref<10112x16xf32, #tpu.memory_space<vmem_shared>> -> memref<10112x16xf32, #tpu.memory_space<vmem_shared>>
      tpu.enqueue_indirect_dma source(%dma_start3A_98 : memref<10112x16xf32, #tpu.memory_space<vmem_shared>>) target(%dma_start3A_92 : memref<128x16xf32, #tpu.memory_space<vmem>>) offsets(%dma_start3A_95 : memref<128xi32, #tpu.memory_space<vmem>>) semaphore(%arg16 : memref<!tpu.dma_semaphore, #tpu.memory_space<semaphore_mem>>)
      "tpu.region"() ({
        %run_scoped3A = tpu.sem_alloc : memref<!tpu.dma_semaphore, #tpu.memory_space<semaphore_mem>>
        %dma_start3A_120 = arith.constant 0 : i32
        %dma_start3A_121 = arith.constant 0 : i32
        %dma_start3A_122 = tpu.memref_slice %arg9[%scan3A_57, %dma_start3A_120, %dma_start3A_121] : memref<2x128x16xf32, #tpu.memory_space<vmem>> -> memref<1x128x16xf32, #tpu.memory_space<vmem>>
        %dma_start3A_123 = tpu.memref_squeeze %dma_start3A_122 : memref<1x128x16xf32, #tpu.memory_space<vmem>> -> memref<128x16xf32, #tpu.memory_space<vmem>>
        %dma_start3A_124 = arith.constant 0 : i32
        %dma_start3A_125 = tpu.memref_slice %arg8[%mul3A_77, %dma_start3A_124] : memref<82x128xi32, #tpu.memory_space<vmem>> -> memref<1x128xi32, #tpu.memory_space<vmem>>
        %dma_start3A_126 = tpu.memref_squeeze %dma_start3A_125 : memref<1x128xi32, #tpu.memory_space<vmem>> -> memref<128xi32, #tpu.memory_space<vmem>>
        %dma_start3A_127 = arith.constant 0 : i32
        %dma_start3A_128 = arith.constant 0 : i32
        %dma_start3A_129 = tpu.memref_slice %arg14[%dma_start3A_127, %dma_start3A_128] : memref<10112x16xf32, #tpu.memory_space<vmem_shared>> -> memref<10112x16xf32, #tpu.memory_space<vmem_shared>>
        tpu.enqueue_indirect_dma source(%dma_start3A_123 : memref<128x16xf32, #tpu.memory_space<vmem>>) target(%dma_start3A_129 : memref<10112x16xf32, #tpu.memory_space<vmem_shared>>) offsets(%dma_start3A_126 : memref<128xi32, #tpu.memory_space<vmem>>) semaphore(%run_scoped3A : memref<!tpu.dma_semaphore, #tpu.memory_space<semaphore_mem>>) {add = true}
        %dma_wait3A_130 = arith.constant 0 : i32
        %dma_wait3A_131 = arith.constant 0 : i32
        %dma_wait3A_132 = tpu.memref_slice %arg9[%scan3A_57, %dma_wait3A_130, %dma_wait3A_131] : memref<2x128x16xf32, #tpu.memory_space<vmem>> -> memref<1x128x16xf32, #tpu.memory_space<vmem>>
        %dma_wait3A_133 = tpu.memref_squeeze %dma_wait3A_132 : memref<1x128x16xf32, #tpu.memory_space<vmem>> -> memref<128x16xf32, #tpu.memory_space<vmem>>
        %dma_wait3A_134 = arith.constant 0 : i32
        %dma_wait3A_135 = tpu.memref_slice %arg8[%mul3A_77, %dma_wait3A_134] : memref<82x128xi32, #tpu.memory_space<vmem>> -> memref<1x128xi32, #tpu.memory_space<vmem>>
        %dma_wait3A_136 = tpu.memref_squeeze %dma_wait3A_135 : memref<1x128xi32, #tpu.memory_space<vmem>> -> memref<128xi32, #tpu.memory_space<vmem>>
        %dma_wait3A_137 = arith.constant 0 : i32
        %dma_wait3A_138 = arith.constant 0 : i32
        %dma_wait3A_139 = tpu.memref_slice %arg14[%dma_wait3A_137, %dma_wait3A_138] : memref<10112x16xf32, #tpu.memory_space<vmem_shared>> -> memref<10112x16xf32, #tpu.memory_space<vmem_shared>>
        tpu.wait_indirect_dma semaphore(%run_scoped3A : memref<!tpu.dma_semaphore, #tpu.memory_space<semaphore_mem>>) src(%dma_wait3A_133 : memref<128x16xf32, #tpu.memory_space<vmem>>) dst(%dma_wait3A_139 : memref<10112x16xf32, #tpu.memory_space<vmem_shared>>)
        tpu.yield
      }) : () -> ()
      %add3A_99 = arith.constant 1 : i32
      %add3A_100 = arith.addi %mul3A_77, %add3A_99 : i32
      %dma_wait3A_101 = arith.constant 0 : i32
      %dma_wait3A_102 = arith.constant 0 : i32
      %dma_wait3A_103 = tpu.memref_slice %arg9[%scan3A_58, %dma_wait3A_101, %dma_wait3A_102] : memref<2x128x16xf32, #tpu.memory_space<vmem>> -> memref<1x128x16xf32, #tpu.memory_space<vmem>>
      %dma_wait3A_104 = tpu.memref_squeeze %dma_wait3A_103 : memref<1x128x16xf32, #tpu.memory_space<vmem>> -> memref<128x16xf32, #tpu.memory_space<vmem>>
      %dma_wait3A_105 = arith.constant 0 : i32
      %dma_wait3A_106 = tpu.memref_slice %arg7[%add3A_100, %dma_wait3A_105] : memref<82x128xi32, #tpu.memory_space<vmem>> -> memref<1x128xi32, #tpu.memory_space<vmem>>
      %dma_wait3A_107 = tpu.memref_squeeze %dma_wait3A_106 : memref<1x128xi32, #tpu.memory_space<vmem>> -> memref<128xi32, #tpu.memory_space<vmem>>
      %dma_wait3A_108 = arith.constant 0 : i32
      %dma_wait3A_109 = arith.constant 0 : i32
      %dma_wait3A_110 = tpu.memref_slice %arg13[%dma_wait3A_108, %dma_wait3A_109] : memref<10112x16xf32, #tpu.memory_space<vmem_shared>> -> memref<10112x16xf32, #tpu.memory_space<vmem_shared>>
      tpu.wait_indirect_dma semaphore(%arg16 : memref<!tpu.dma_semaphore, #tpu.memory_space<semaphore_mem>>) src(%dma_wait3A_110 : memref<10112x16xf32, #tpu.memory_space<vmem_shared>>) dst(%dma_wait3A_104 : memref<128x16xf32, #tpu.memory_space<vmem>>)
      %add3A_111 = arith.constant 1 : i32
      %add3A_112 = arith.addi %scan3A_74, %add3A_111 : i32
      %lt3A = arith.constant 41 : i32
      %lt3A_113 = arith.cmpi slt, %add3A_112, %lt3A : i32
      %convert_element_type3A_114 = arith.extui %lt3A_113 : i1 to i32
      %cond3A_115 = arith.constant 0 : i32
      %cond3A_116 = arith.cmpi ne, %convert_element_type3A_114, %cond3A_115 : i32
      scf.if %cond3A_116 {
        %add3A_120 = arith.constant 2 : i32
        %add3A_121 = arith.addi %mul3A_77, %add3A_120 : i32
        %dma_start3A_122 = arith.constant 0 : i32
        %dma_start3A_123 = arith.constant 0 : i32
        %dma_start3A_124 = tpu.memref_slice %arg9[%scan3A_57, %dma_start3A_122, %dma_start3A_123] : memref<2x128x16xf32, #tpu.memory_space<vmem>> -> memref<1x128x16xf32, #tpu.memory_space<vmem>>
        %dma_start3A_125 = tpu.memref_squeeze %dma_start3A_124 : memref<1x128x16xf32, #tpu.memory_space<vmem>> -> memref<128x16xf32, #tpu.memory_space<vmem>>
        %dma_start3A_126 = arith.constant 0 : i32
        %dma_start3A_127 = tpu.memref_slice %arg7[%add3A_121, %dma_start3A_126] : memref<82x128xi32, #tpu.memory_space<vmem>> -> memref<1x128xi32, #tpu.memory_space<vmem>>
        %dma_start3A_128 = tpu.memref_squeeze %dma_start3A_127 : memref<1x128xi32, #tpu.memory_space<vmem>> -> memref<128xi32, #tpu.memory_space<vmem>>
        %dma_start3A_129 = arith.constant 0 : i32
        %dma_start3A_130 = arith.constant 0 : i32
        %dma_start3A_131 = tpu.memref_slice %arg13[%dma_start3A_129, %dma_start3A_130] : memref<10112x16xf32, #tpu.memory_space<vmem_shared>> -> memref<10112x16xf32, #tpu.memory_space<vmem_shared>>
        tpu.enqueue_indirect_dma source(%dma_start3A_131 : memref<10112x16xf32, #tpu.memory_space<vmem_shared>>) target(%dma_start3A_125 : memref<128x16xf32, #tpu.memory_space<vmem>>) offsets(%dma_start3A_128 : memref<128xi32, #tpu.memory_space<vmem>>) semaphore(%arg15 : memref<!tpu.dma_semaphore, #tpu.memory_space<semaphore_mem>>)
      } else {
      }
      %add3A_117 = arith.constant 1 : i32
      %add3A_118 = arith.addi %mul3A_77, %add3A_117 : i32
      "tpu.region"() ({
        %run_scoped3A = tpu.sem_alloc : memref<!tpu.dma_semaphore, #tpu.memory_space<semaphore_mem>>
        %dma_start3A_120 = arith.constant 0 : i32
        %dma_start3A_121 = arith.constant 0 : i32
        %dma_start3A_122 = tpu.memref_slice %arg9[%scan3A_58, %dma_start3A_120, %dma_start3A_121] : memref<2x128x16xf32, #tpu.memory_space<vmem>> -> memref<1x128x16xf32, #tpu.memory_space<vmem>>
        %dma_start3A_123 = tpu.memref_squeeze %dma_start3A_122 : memref<1x128x16xf32, #tpu.memory_space<vmem>> -> memref<128x16xf32, #tpu.memory_space<vmem>>
        %dma_start3A_124 = arith.constant 0 : i32
        %dma_start3A_125 = tpu.memref_slice %arg8[%add3A_118, %dma_start3A_124] : memref<82x128xi32, #tpu.memory_space<vmem>> -> memref<1x128xi32, #tpu.memory_space<vmem>>
        %dma_start3A_126 = tpu.memref_squeeze %dma_start3A_125 : memref<1x128xi32, #tpu.memory_space<vmem>> -> memref<128xi32, #tpu.memory_space<vmem>>
        %dma_start3A_127 = arith.constant 0 : i32
        %dma_start3A_128 = arith.constant 0 : i32
        %dma_start3A_129 = tpu.memref_slice %arg14[%dma_start3A_127, %dma_start3A_128] : memref<10112x16xf32, #tpu.memory_space<vmem_shared>> -> memref<10112x16xf32, #tpu.memory_space<vmem_shared>>
        tpu.enqueue_indirect_dma source(%dma_start3A_123 : memref<128x16xf32, #tpu.memory_space<vmem>>) target(%dma_start3A_129 : memref<10112x16xf32, #tpu.memory_space<vmem_shared>>) offsets(%dma_start3A_126 : memref<128xi32, #tpu.memory_space<vmem>>) semaphore(%run_scoped3A : memref<!tpu.dma_semaphore, #tpu.memory_space<semaphore_mem>>) {add = true}
        %dma_wait3A_130 = arith.constant 0 : i32
        %dma_wait3A_131 = arith.constant 0 : i32
        %dma_wait3A_132 = tpu.memref_slice %arg9[%scan3A_58, %dma_wait3A_130, %dma_wait3A_131] : memref<2x128x16xf32, #tpu.memory_space<vmem>> -> memref<1x128x16xf32, #tpu.memory_space<vmem>>
        %dma_wait3A_133 = tpu.memref_squeeze %dma_wait3A_132 : memref<1x128x16xf32, #tpu.memory_space<vmem>> -> memref<128x16xf32, #tpu.memory_space<vmem>>
        %dma_wait3A_134 = arith.constant 0 : i32
        %dma_wait3A_135 = tpu.memref_slice %arg8[%add3A_118, %dma_wait3A_134] : memref<82x128xi32, #tpu.memory_space<vmem>> -> memref<1x128xi32, #tpu.memory_space<vmem>>
        %dma_wait3A_136 = tpu.memref_squeeze %dma_wait3A_135 : memref<1x128xi32, #tpu.memory_space<vmem>> -> memref<128xi32, #tpu.memory_space<vmem>>
        %dma_wait3A_137 = arith.constant 0 : i32
        %dma_wait3A_138 = arith.constant 0 : i32
        %dma_wait3A_139 = tpu.memref_slice %arg14[%dma_wait3A_137, %dma_wait3A_138] : memref<10112x16xf32, #tpu.memory_space<vmem_shared>> -> memref<10112x16xf32, #tpu.memory_space<vmem_shared>>
        tpu.wait_indirect_dma semaphore(%run_scoped3A : memref<!tpu.dma_semaphore, #tpu.memory_space<semaphore_mem>>) src(%dma_wait3A_133 : memref<128x16xf32, #tpu.memory_space<vmem>>) dst(%dma_wait3A_139 : memref<10112x16xf32, #tpu.memory_space<vmem_shared>>)
        tpu.yield
      }) : () -> ()
      %scan3A_119 = arith.constant 0 : i32
      scf.yield %scan3A_119 : i32
    }
    %scan3A_65 = arith.constant 41 : i32
    %barrier3A_66 = arith.constant 0 : index
    tpu.barrier barrier_id(%barrier3A_66)
    "tpu.region"() ({
      %run_scoped3A = tpu.sem_alloc : memref<!tpu.dma_semaphore, #tpu.memory_space<semaphore_mem>>
      %dma_start3A_74 = arith.constant 0 : i32
      %dma_start3A_75 = tpu.memref_slice %arg14[%mul3A_2, %dma_start3A_74] : memref<10112x16xf32, #tpu.memory_space<vmem_shared>> -> memref<632x16xf32, #tpu.memory_space<vmem_shared>>
      %dma_start3A_76 = arith.constant 0 : i32
      %dma_start3A_77 = tpu.memref_slice %arg14[%mul3A_2, %dma_start3A_76] : memref<10112x16xf32, #tpu.memory_space<vmem_shared>> -> memref<632x16xf32, #tpu.memory_space<vmem_shared>>
      tpu.enqueue_dma source(%dma_start3A_77 : memref<632x16xf32, #tpu.memory_space<vmem_shared>>) target(%arg11 : memref<632x16xf32, #tpu.memory_space<vmem>>) target_semaphore(%run_scoped3A : memref<!tpu.dma_semaphore, #tpu.memory_space<semaphore_mem>>)
      %dma_wait3A = arith.constant 0 : i32
      %dma_wait3A_78 = tpu.memref_slice %arg14[%mul3A_2, %dma_wait3A] : memref<10112x16xf32, #tpu.memory_space<vmem_shared>> -> memref<632x16xf32, #tpu.memory_space<vmem_shared>>
      %dma_wait3A_79 = arith.constant 0 : i32
      %dma_wait3A_80 = tpu.memref_slice %arg14[%mul3A_2, %dma_wait3A_79] : memref<10112x16xf32, #tpu.memory_space<vmem_shared>> -> memref<632x16xf32, #tpu.memory_space<vmem_shared>>
      tpu.wait_dma2 semaphore(%run_scoped3A : memref<!tpu.dma_semaphore, #tpu.memory_space<semaphore_mem>>) src(%dma_wait3A_80 : memref<632x16xf32, #tpu.memory_space<vmem_shared>>) dst(%arg11 : memref<632x16xf32, #tpu.memory_space<vmem>>)
      tpu.yield
    }) : () -> ()
    %scan3A_67 = arith.constant 0 : i32
    %scan3A_68 = arith.constant 0 : i32
    %scan3A_69 = arith.constant 632 : i32
    %scan3A_70 = arith.addi %scan3A_68, %scan3A_69 : i32
    %scan3A_71 = arith.constant 1 : i32
    %scan3A_72 = scf.for %scan3A_74 = %scan3A_68 to %scan3A_70 step %scan3A_71 iter_args(%scan3A_75 = %scan3A_67) -> (i32)  : i32 {
      %get3A = arith.index_cast %scan3A_74 : i32 to index
      %get3A_76 = arith.constant 0 : index
      %get3A_77 = tpu.vector_load %arg11[%get3A, %get3A_76] {strides = array<i32>} : memref<632x16xf32, #tpu.memory_space<vmem>>, vector<1x16xf32>,
      %get3A_78 = vector.shape_cast %get3A_77 : vector<1x16xf32> to vector<16xf32>
      %get3A_79 = arith.index_cast %scan3A_74 : i32 to index
      %get3A_80 = arith.constant 0 : index
      %get3A_81 = tpu.vector_load %arg10[%get3A_79, %get3A_80] {strides = array<i32>} : memref<632x16xf32, #tpu.memory_space<vmem>>, vector<1x16xf32>,
      %get3A_82 = vector.shape_cast %get3A_81 : vector<1x16xf32> to vector<16xf32>
      %mul3A_83 = arith.mulf %get3A_78, %get3A_82 : vector<16xf32>
      %swap3A = arith.index_cast %scan3A_74 : i32 to index
      %swap3A_84 = arith.constant 0 : index
      %swap3A_85 = tpu.vector_load %arg11[%swap3A, %swap3A_84] {strides = array<i32>} : memref<632x16xf32, #tpu.memory_space<vmem>>, vector<1x16xf32>,
      %swap3A_86 = vector.shape_cast %swap3A_85 : vector<1x16xf32> to vector<16xf32>
      %swap3A_87 = vector.shape_cast %mul3A_83 : vector<16xf32> to vector<1x16xf32>
      tpu.vector_store %arg11[%swap3A, %swap3A_84], %swap3A_87 {strides = array<i32>} : memref<632x16xf32, #tpu.memory_space<vmem>>, vector<1x16xf32>,
      %scan3A_88 = arith.constant 0 : i32
      scf.yield %scan3A_88 : i32
    }
    %scan3A_73 = arith.constant 632 : i32
    "tpu.region"() ({
      %run_scoped3A = tpu.sem_alloc : memref<!tpu.dma_semaphore, #tpu.memory_space<semaphore_mem>>
      %dma_start3A_74 = arith.constant 0 : i32
      %dma_start3A_75 = arith.constant 0 : i32
      %dma_start3A_76 = tpu.memref_slice %arg5[%arg0, %dma_start3A_74, %dma_start3A_75] : memref<2x10112x16xf32, #tpu.memory_space<hbm>> -> memref<1x10112x16xf32, #tpu.memory_space<hbm>>
      %dma_start3A_77 = tpu.memref_squeeze %dma_start3A_76 : memref<1x10112x16xf32, #tpu.memory_space<hbm>> -> memref<10112x16xf32, #tpu.memory_space<hbm>>
      %dma_start3A_78 = arith.constant 0 : i32
      %dma_start3A_79 = tpu.memref_slice %dma_start3A_77[%mul3A_2, %dma_start3A_78] : memref<10112x16xf32, #tpu.memory_space<hbm>> -> memref<632x16xf32, #tpu.memory_space<hbm>>
      %dma_start3A_80 = arith.constant 0 : i32
      %dma_start3A_81 = arith.constant 0 : i32
      %dma_start3A_82 = tpu.memref_slice %arg5[%arg0, %dma_start3A_80, %dma_start3A_81] : memref<2x10112x16xf32, #tpu.memory_space<hbm>> -> memref<1x10112x16xf32, #tpu.memory_space<hbm>>
      %dma_start3A_83 = tpu.memref_squeeze %dma_start3A_82 : memref<1x10112x16xf32, #tpu.memory_space<hbm>> -> memref<10112x16xf32, #tpu.memory_space<hbm>>
      %dma_start3A_84 = arith.constant 0 : i32
      %dma_start3A_85 = tpu.memref_slice %dma_start3A_83[%mul3A_2, %dma_start3A_84] : memref<10112x16xf32, #tpu.memory_space<hbm>> -> memref<632x16xf32, #tpu.memory_space<hbm>>
      tpu.enqueue_dma source(%arg11 : memref<632x16xf32, #tpu.memory_space<vmem>>) target(%dma_start3A_85 : memref<632x16xf32, #tpu.memory_space<hbm>>) target_semaphore(%run_scoped3A : memref<!tpu.dma_semaphore, #tpu.memory_space<semaphore_mem>>)
      %dma_wait3A = arith.constant 0 : i32
      %dma_wait3A_86 = arith.constant 0 : i32
      %dma_wait3A_87 = tpu.memref_slice %arg5[%arg0, %dma_wait3A, %dma_wait3A_86] : memref<2x10112x16xf32, #tpu.memory_space<hbm>> -> memref<1x10112x16xf32, #tpu.memory_space<hbm>>
      %dma_wait3A_88 = tpu.memref_squeeze %dma_wait3A_87 : memref<1x10112x16xf32, #tpu.memory_space<hbm>> -> memref<10112x16xf32, #tpu.memory_space<hbm>>
      %dma_wait3A_89 = arith.constant 0 : i32
      %dma_wait3A_90 = tpu.memref_slice %dma_wait3A_88[%mul3A_2, %dma_wait3A_89] : memref<10112x16xf32, #tpu.memory_space<hbm>> -> memref<632x16xf32, #tpu.memory_space<hbm>>
      %dma_wait3A_91 = arith.constant 0 : i32
      %dma_wait3A_92 = arith.constant 0 : i32
      %dma_wait3A_93 = tpu.memref_slice %arg5[%arg0, %dma_wait3A_91, %dma_wait3A_92] : memref<2x10112x16xf32, #tpu.memory_space<hbm>> -> memref<1x10112x16xf32, #tpu.memory_space<hbm>>
      %dma_wait3A_94 = tpu.memref_squeeze %dma_wait3A_93 : memref<1x10112x16xf32, #tpu.memory_space<hbm>> -> memref<10112x16xf32, #tpu.memory_space<hbm>>
      %dma_wait3A_95 = arith.constant 0 : i32
      %dma_wait3A_96 = tpu.memref_slice %dma_wait3A_94[%mul3A_2, %dma_wait3A_95] : memref<10112x16xf32, #tpu.memory_space<hbm>> -> memref<632x16xf32, #tpu.memory_space<hbm>>
      tpu.wait_dma2 semaphore(%run_scoped3A : memref<!tpu.dma_semaphore, #tpu.memory_space<semaphore_mem>>) src(%arg11 : memref<632x16xf32, #tpu.memory_space<vmem>>) dst(%dma_wait3A_96 : memref<632x16xf32, #tpu.memory_space<hbm>>)
      tpu.yield
    }) : () -> ()
    return
  }
}

#map = affine_map<(d0, d1) -> (0, 0)>
#map1 = affine_map<(d0, d1) -> (0, 0, 0)>
module attributes {stable_mosaic.version = 14 : i64} {
  func.func @prop(%arg0: i32, %arg1: i32, %arg2: memref<2624x128xi32, #tpu.memory_space<hbm>>, %arg3: memref<2624x128xi32, #tpu.memory_space<hbm>>, %arg4: memref<10112x16xf32, #tpu.memory_space<hbm>>, %arg5: memref<10112x16xf32, #tpu.memory_space<hbm>>, %arg6: memref<2x10112x16xf32, #tpu.memory_space<hbm>>, %arg7: memref<82x128xi32, #tpu.memory_space<vmem>>, %arg8: memref<82x128xi32, #tpu.memory_space<vmem>>, %arg9: memref<2x128x16xf32, #tpu.memory_space<vmem>>, %arg10: memref<632x16xf32, #tpu.memory_space<vmem>>, %arg11: memref<632x16xf32, #tpu.memory_space<vmem>>, %arg12: memref<632x16xf32, #tpu.memory_space<vmem>>, %arg13: memref<10112x16xf32, #tpu.memory_space<vmem_shared>>, %arg14: memref<10112x16xf32, #tpu.memory_space<vmem_shared>>, %arg15: memref<!tpu.dma_semaphore, #tpu.memory_space<semaphore_mem>>, %arg16: memref<!tpu.dma_semaphore, #tpu.memory_space<semaphore_mem>>, %arg17: memref<!tpu.dma_semaphore, #tpu.memory_space<semaphore_mem>>) attributes {dimension_semantics = [#tpu.dimension_semantics<core_parallel>, #tpu.dimension_semantics<subcore_parallel>], iteration_bounds = array<i64: 2, 16>, scalar_prefetch = 0 : i64, scratch_operands = 11 : i64, tpu.core_type = #tpu.core_type<sc_vector_subcore>, window_params = [{transform_indices = #map}, {transform_indices = #map}, {transform_indices = #map}, {transform_indices = #map}, {transform_indices = #map1}]} {
    %mul3A = arith.constant 2 : i32
    %mul3A_0 = arith.muli %arg1, %mul3A : i32
    %add3A = arith.addi %mul3A_0, %arg0 : i32
    %mul3A_1 = arith.constant 632 : i32
    %mul3A_2 = arith.muli %arg1, %mul3A_1 : i32
    %scan3A = arith.constant 0 : i32
    %scan3A_3 = arith.constant 0 : i32
    %scan3A_4 = arith.constant 632 : i32
    %scan3A_5 = arith.addi %scan3A_3, %scan3A_4 : i32
    %scan3A_6 = arith.constant 1 : i32
    %scan3A_7 = scf.for %scan3A_46 = %scan3A_3 to %scan3A_5 step %scan3A_6 iter_args(%scan3A_47 = %scan3A) -> (i32)  : i32 {
      %broadcast_in_dim3A = arith.constant 0.000000e+00 : f32
      %broadcast_in_dim3A_48 = vector.broadcast %broadcast_in_dim3A : f32 to vector<16xf32>
      %swap3A = arith.index_cast %scan3A_46 : i32 to index
      %swap3A_49 = arith.constant 0 : index
      %swap3A_50 = tpu.vector_load %arg12[%swap3A, %swap3A_49] {strides = array<i32>} : memref<632x16xf32, #tpu.memory_space<vmem>>, vector<1x16xf32>,
      %swap3A_51 = vector.shape_cast %swap3A_50 : vector<1x16xf32> to vector<16xf32>
      %swap3A_52 = vector.shape_cast %broadcast_in_dim3A_48 : vector<16xf32> to vector<1x16xf32>
      tpu.vector_store %arg12[%swap3A, %swap3A_49], %swap3A_52 {strides = array<i32>} : memref<632x16xf32, #tpu.memory_space<vmem>>, vector<1x16xf32>,
      %scan3A_53 = arith.constant 0 : i32
      scf.yield %scan3A_53 : i32
    }
    %scan3A_8 = arith.constant 632 : i32
    "tpu.region"() ({
      %run_scoped3A = tpu.sem_alloc : memref<!tpu.dma_semaphore, #tpu.memory_space<semaphore_mem>>
      %dma_start3A_46 = arith.constant 0 : i32
      %dma_start3A_47 = tpu.memref_slice %arg5[%mul3A_2, %dma_start3A_46] : memref<10112x16xf32, #tpu.memory_space<hbm>> -> memref<632x16xf32, #tpu.memory_space<hbm>>
      %dma_start3A_48 = arith.constant 0 : i32
      %dma_start3A_49 = tpu.memref_slice %arg5[%mul3A_2, %dma_start3A_48] : memref<10112x16xf32, #tpu.memory_space<hbm>> -> memref<632x16xf32, #tpu.memory_space<hbm>>
      tpu.enqueue_dma source(%dma_start3A_49 : memref<632x16xf32, #tpu.memory_space<hbm>>) target(%arg10 : memref<632x16xf32, #tpu.memory_space<vmem>>) target_semaphore(%run_scoped3A : memref<!tpu.dma_semaphore, #tpu.memory_space<semaphore_mem>>)
      %dma_wait3A = arith.constant 0 : i32
      %dma_wait3A_50 = tpu.memref_slice %arg5[%mul3A_2, %dma_wait3A] : memref<10112x16xf32, #tpu.memory_space<hbm>> -> memref<632x16xf32, #tpu.memory_space<hbm>>
      %dma_wait3A_51 = arith.constant 0 : i32
      %dma_wait3A_52 = tpu.memref_slice %arg5[%mul3A_2, %dma_wait3A_51] : memref<10112x16xf32, #tpu.memory_space<hbm>> -> memref<632x16xf32, #tpu.memory_space<hbm>>
      tpu.wait_dma2 semaphore(%run_scoped3A : memref<!tpu.dma_semaphore, #tpu.memory_space<semaphore_mem>>) src(%dma_wait3A_52 : memref<632x16xf32, #tpu.memory_space<hbm>>) dst(%arg10 : memref<632x16xf32, #tpu.memory_space<vmem>>)
      tpu.yield
    }) : () -> ()
    "tpu.region"() ({
      %run_scoped3A = tpu.sem_alloc : memref<!tpu.dma_semaphore, #tpu.memory_space<semaphore_mem>>
      %dma_start3A_46 = arith.constant 0 : i32
      %dma_start3A_47 = tpu.memref_slice %arg4[%mul3A_2, %dma_start3A_46] : memref<10112x16xf32, #tpu.memory_space<hbm>> -> memref<632x16xf32, #tpu.memory_space<hbm>>
      %dma_start3A_48 = arith.constant 0 : i32
      %dma_start3A_49 = tpu.memref_slice %arg4[%mul3A_2, %dma_start3A_48] : memref<10112x16xf32, #tpu.memory_space<hbm>> -> memref<632x16xf32, #tpu.memory_space<hbm>>
      tpu.enqueue_dma source(%dma_start3A_49 : memref<632x16xf32, #tpu.memory_space<hbm>>) target(%arg11 : memref<632x16xf32, #tpu.memory_space<vmem>>) target_semaphore(%run_scoped3A : memref<!tpu.dma_semaphore, #tpu.memory_space<semaphore_mem>>)
      %dma_wait3A = arith.constant 0 : i32
      %dma_wait3A_50 = tpu.memref_slice %arg4[%mul3A_2, %dma_wait3A] : memref<10112x16xf32, #tpu.memory_space<hbm>> -> memref<632x16xf32, #tpu.memory_space<hbm>>
      %dma_wait3A_51 = arith.constant 0 : i32
      %dma_wait3A_52 = tpu.memref_slice %arg4[%mul3A_2, %dma_wait3A_51] : memref<10112x16xf32, #tpu.memory_space<hbm>> -> memref<632x16xf32, #tpu.memory_space<hbm>>
      tpu.wait_dma2 semaphore(%run_scoped3A : memref<!tpu.dma_semaphore, #tpu.memory_space<semaphore_mem>>) src(%dma_wait3A_52 : memref<632x16xf32, #tpu.memory_space<hbm>>) dst(%arg11 : memref<632x16xf32, #tpu.memory_space<vmem>>)
      tpu.yield
    }) : () -> ()
    %scan3A_9 = arith.constant 0 : i32
    %scan3A_10 = arith.constant 0 : i32
    %scan3A_11 = arith.constant 632 : i32
    %scan3A_12 = arith.addi %scan3A_10, %scan3A_11 : i32
    %scan3A_13 = arith.constant 1 : i32
    %scan3A_14 = scf.for %scan3A_46 = %scan3A_10 to %scan3A_12 step %scan3A_13 iter_args(%scan3A_47 = %scan3A_9) -> (i32)  : i32 {
      %get3A = arith.index_cast %scan3A_46 : i32 to index
      %get3A_48 = arith.constant 0 : index
      %get3A_49 = tpu.vector_load %arg11[%get3A, %get3A_48] {strides = array<i32>} : memref<632x16xf32, #tpu.memory_space<vmem>>, vector<1x16xf32>,
      %get3A_50 = vector.shape_cast %get3A_49 : vector<1x16xf32> to vector<16xf32>
      %get3A_51 = arith.index_cast %scan3A_46 : i32 to index
      %get3A_52 = arith.constant 0 : index
      %get3A_53 = tpu.vector_load %arg10[%get3A_51, %get3A_52] {strides = array<i32>} : memref<632x16xf32, #tpu.memory_space<vmem>>, vector<1x16xf32>,
      %get3A_54 = vector.shape_cast %get3A_53 : vector<1x16xf32> to vector<16xf32>
      %mul3A_55 = arith.mulf %get3A_50, %get3A_54 : vector<16xf32>
      %swap3A = arith.index_cast %scan3A_46 : i32 to index
      %swap3A_56 = arith.constant 0 : index
      %swap3A_57 = tpu.vector_load %arg11[%swap3A, %swap3A_56] {strides = array<i32>} : memref<632x16xf32, #tpu.memory_space<vmem>>, vector<1x16xf32>,
      %swap3A_58 = vector.shape_cast %swap3A_57 : vector<1x16xf32> to vector<16xf32>
      %swap3A_59 = vector.shape_cast %mul3A_55 : vector<16xf32> to vector<1x16xf32>
      tpu.vector_store %arg11[%swap3A, %swap3A_56], %swap3A_59 {strides = array<i32>} : memref<632x16xf32, #tpu.memory_space<vmem>>, vector<1x16xf32>,
      %scan3A_60 = arith.constant 0 : i32
      scf.yield %scan3A_60 : i32
    }
    %scan3A_15 = arith.constant 632 : i32
    "tpu.region"() ({
      %run_scoped3A = tpu.sem_alloc : memref<!tpu.dma_semaphore, #tpu.memory_space<semaphore_mem>>
      %dma_start3A_46 = arith.constant 0 : i32
      %dma_start3A_47 = tpu.memref_slice %arg13[%mul3A_2, %dma_start3A_46] : memref<10112x16xf32, #tpu.memory_space<vmem_shared>> -> memref<632x16xf32, #tpu.memory_space<vmem_shared>>
      %dma_start3A_48 = arith.constant 0 : i32
      %dma_start3A_49 = tpu.memref_slice %arg13[%mul3A_2, %dma_start3A_48] : memref<10112x16xf32, #tpu.memory_space<vmem_shared>> -> memref<632x16xf32, #tpu.memory_space<vmem_shared>>
      tpu.enqueue_dma source(%arg11 : memref<632x16xf32, #tpu.memory_space<vmem>>) target(%dma_start3A_49 : memref<632x16xf32, #tpu.memory_space<vmem_shared>>) target_semaphore(%run_scoped3A : memref<!tpu.dma_semaphore, #tpu.memory_space<semaphore_mem>>)
      %dma_wait3A = arith.constant 0 : i32
      %dma_wait3A_50 = tpu.memref_slice %arg13[%mul3A_2, %dma_wait3A] : memref<10112x16xf32, #tpu.memory_space<vmem_shared>> -> memref<632x16xf32, #tpu.memory_space<vmem_shared>>
      %dma_wait3A_51 = arith.constant 0 : i32
      %dma_wait3A_52 = tpu.memref_slice %arg13[%mul3A_2, %dma_wait3A_51] : memref<10112x16xf32, #tpu.memory_space<vmem_shared>> -> memref<632x16xf32, #tpu.memory_space<vmem_shared>>
      tpu.wait_dma2 semaphore(%run_scoped3A : memref<!tpu.dma_semaphore, #tpu.memory_space<semaphore_mem>>) src(%arg11 : memref<632x16xf32, #tpu.memory_space<vmem>>) dst(%dma_wait3A_52 : memref<632x16xf32, #tpu.memory_space<vmem_shared>>)
      tpu.yield
    }) : () -> ()
    "tpu.region"() ({
      %run_scoped3A = tpu.sem_alloc : memref<!tpu.dma_semaphore, #tpu.memory_space<semaphore_mem>>
      %dma_start3A_46 = arith.constant 0 : i32
      %dma_start3A_47 = tpu.memref_slice %arg14[%mul3A_2, %dma_start3A_46] : memref<10112x16xf32, #tpu.memory_space<vmem_shared>> -> memref<632x16xf32, #tpu.memory_space<vmem_shared>>
      %dma_start3A_48 = arith.constant 0 : i32
      %dma_start3A_49 = tpu.memref_slice %arg14[%mul3A_2, %dma_start3A_48] : memref<10112x16xf32, #tpu.memory_space<vmem_shared>> -> memref<632x16xf32, #tpu.memory_space<vmem_shared>>
      tpu.enqueue_dma source(%arg12 : memref<632x16xf32, #tpu.memory_space<vmem>>) target(%dma_start3A_49 : memref<632x16xf32, #tpu.memory_space<vmem_shared>>) target_semaphore(%run_scoped3A : memref<!tpu.dma_semaphore, #tpu.memory_space<semaphore_mem>>)
      %dma_wait3A = arith.constant 0 : i32
      %dma_wait3A_50 = tpu.memref_slice %arg14[%mul3A_2, %dma_wait3A] : memref<10112x16xf32, #tpu.memory_space<vmem_shared>> -> memref<632x16xf32, #tpu.memory_space<vmem_shared>>
      %dma_wait3A_51 = arith.constant 0 : i32
      %dma_wait3A_52 = tpu.memref_slice %arg14[%mul3A_2, %dma_wait3A_51] : memref<10112x16xf32, #tpu.memory_space<vmem_shared>> -> memref<632x16xf32, #tpu.memory_space<vmem_shared>>
      tpu.wait_dma2 semaphore(%run_scoped3A : memref<!tpu.dma_semaphore, #tpu.memory_space<semaphore_mem>>) src(%arg12 : memref<632x16xf32, #tpu.memory_space<vmem>>) dst(%dma_wait3A_52 : memref<632x16xf32, #tpu.memory_space<vmem_shared>>)
      tpu.yield
    }) : () -> ()
    %barrier3A = arith.constant 0 : index
    tpu.barrier barrier_id(%barrier3A)
    %mul3A_16 = arith.constant 82 : i32
    %mul3A_17 = arith.muli %add3A, %mul3A_16 : i32
    "tpu.region"() ({
      %run_scoped3A = tpu.sem_alloc : memref<!tpu.dma_semaphore, #tpu.memory_space<semaphore_mem>>
      %dma_start3A_46 = arith.constant 0 : i32
      %dma_start3A_47 = tpu.memref_slice %arg2[%mul3A_17, %dma_start3A_46] : memref<2624x128xi32, #tpu.memory_space<hbm>> -> memref<82x128xi32, #tpu.memory_space<hbm>>
      %dma_start3A_48 = arith.constant 0 : i32
      %dma_start3A_49 = tpu.memref_slice %arg2[%mul3A_17, %dma_start3A_48] : memref<2624x128xi32, #tpu.memory_space<hbm>> -> memref<82x128xi32, #tpu.memory_space<hbm>>
      tpu.enqueue_dma source(%dma_start3A_49 : memref<82x128xi32, #tpu.memory_space<hbm>>) target(%arg7 : memref<82x128xi32, #tpu.memory_space<vmem>>) target_semaphore(%run_scoped3A : memref<!tpu.dma_semaphore, #tpu.memory_space<semaphore_mem>>)
      %dma_wait3A = arith.constant 0 : i32
      %dma_wait3A_50 = tpu.memref_slice %arg2[%mul3A_17, %dma_wait3A] : memref<2624x128xi32, #tpu.memory_space<hbm>> -> memref<82x128xi32, #tpu.memory_space<hbm>>
      %dma_wait3A_51 = arith.constant 0 : i32
      %dma_wait3A_52 = tpu.memref_slice %arg2[%mul3A_17, %dma_wait3A_51] : memref<2624x128xi32, #tpu.memory_space<hbm>> -> memref<82x128xi32, #tpu.memory_space<hbm>>
      tpu.wait_dma2 semaphore(%run_scoped3A : memref<!tpu.dma_semaphore, #tpu.memory_space<semaphore_mem>>) src(%dma_wait3A_52 : memref<82x128xi32, #tpu.memory_space<hbm>>) dst(%arg7 : memref<82x128xi32, #tpu.memory_space<vmem>>)
      tpu.yield
    }) : () -> ()
    "tpu.region"() ({
      %run_scoped3A = tpu.sem_alloc : memref<!tpu.dma_semaphore, #tpu.memory_space<semaphore_mem>>
      %dma_start3A_46 = arith.constant 0 : i32
      %dma_start3A_47 = tpu.memref_slice %arg3[%mul3A_17, %dma_start3A_46] : memref<2624x128xi32, #tpu.memory_space<hbm>> -> memref<82x128xi32, #tpu.memory_space<hbm>>
      %dma_start3A_48 = arith.constant 0 : i32
      %dma_start3A_49 = tpu.memref_slice %arg3[%mul3A_17, %dma_start3A_48] : memref<2624x128xi32, #tpu.memory_space<hbm>> -> memref<82x128xi32, #tpu.memory_space<hbm>>
      tpu.enqueue_dma source(%dma_start3A_49 : memref<82x128xi32, #tpu.memory_space<hbm>>) target(%arg8 : memref<82x128xi32, #tpu.memory_space<vmem>>) target_semaphore(%run_scoped3A : memref<!tpu.dma_semaphore, #tpu.memory_space<semaphore_mem>>)
      %dma_wait3A = arith.constant 0 : i32
      %dma_wait3A_50 = tpu.memref_slice %arg3[%mul3A_17, %dma_wait3A] : memref<2624x128xi32, #tpu.memory_space<hbm>> -> memref<82x128xi32, #tpu.memory_space<hbm>>
      %dma_wait3A_51 = arith.constant 0 : i32
      %dma_wait3A_52 = tpu.memref_slice %arg3[%mul3A_17, %dma_wait3A_51] : memref<2624x128xi32, #tpu.memory_space<hbm>> -> memref<82x128xi32, #tpu.memory_space<hbm>>
      tpu.wait_dma2 semaphore(%run_scoped3A : memref<!tpu.dma_semaphore, #tpu.memory_space<semaphore_mem>>) src(%dma_wait3A_52 : memref<82x128xi32, #tpu.memory_space<hbm>>) dst(%arg8 : memref<82x128xi32, #tpu.memory_space<vmem>>)
      tpu.yield
    }) : () -> ()
    %dma_start3A = arith.constant 0 : i32
    %dma_start3A_18 = arith.constant 0 : i32
    %dma_start3A_19 = arith.constant 0 : i32
    %dma_start3A_20 = arith.constant 0 : i32
    %dma_start3A_21 = tpu.memref_slice %arg9[%dma_start3A_18, %dma_start3A_19, %dma_start3A_20] : memref<2x128x16xf32, #tpu.memory_space<vmem>> -> memref<1x128x16xf32, #tpu.memory_space<vmem>>
    %dma_start3A_22 = tpu.memref_squeeze %dma_start3A_21 : memref<1x128x16xf32, #tpu.memory_space<vmem>> -> memref<128x16xf32, #tpu.memory_space<vmem>>
    %dma_start3A_23 = arith.constant 0 : i32
    %dma_start3A_24 = tpu.memref_slice %arg7[%dma_start3A, %dma_start3A_23] : memref<82x128xi32, #tpu.memory_space<vmem>> -> memref<1x128xi32, #tpu.memory_space<vmem>>
    %dma_start3A_25 = tpu.memref_squeeze %dma_start3A_24 : memref<1x128xi32, #tpu.memory_space<vmem>> -> memref<128xi32, #tpu.memory_space<vmem>>
    %dma_start3A_26 = arith.constant 0 : i32
    %dma_start3A_27 = arith.constant 0 : i32
    %dma_start3A_28 = tpu.memref_slice %arg13[%dma_start3A_26, %dma_start3A_27] : memref<10112x16xf32, #tpu.memory_space<vmem_shared>> -> memref<10112x16xf32, #tpu.memory_space<vmem_shared>>
    tpu.enqueue_indirect_dma source(%dma_start3A_28 : memref<10112x16xf32, #tpu.memory_space<vmem_shared>>) target(%dma_start3A_22 : memref<128x16xf32, #tpu.memory_space<vmem>>) offsets(%dma_start3A_25 : memref<128xi32, #tpu.memory_space<vmem>>) semaphore(%arg15 : memref<!tpu.dma_semaphore, #tpu.memory_space<semaphore_mem>>)
    %scan3A_29 = arith.constant 0 : i32
    %scan3A_30 = arith.constant 1 : i32
    %scan3A_31 = arith.constant 0 : i32
    %scan3A_32 = arith.constant 0 : i32
    %scan3A_33 = arith.constant 41 : i32
    %scan3A_34 = arith.addi %scan3A_32, %scan3A_33 : i32
    %scan3A_35 = arith.constant 1 : i32
    %scan3A_36 = scf.for %scan3A_46 = %scan3A_32 to %scan3A_34 step %scan3A_35 iter_args(%scan3A_47 = %scan3A_31) -> (i32)  : i32 {
      %mul3A_48 = arith.constant 2 : i32
      %mul3A_49 = arith.muli %scan3A_46, %mul3A_48 : i32
      %dma_wait3A = arith.constant 0 : i32
      %dma_wait3A_50 = arith.constant 0 : i32
      %dma_wait3A_51 = tpu.memref_slice %arg9[%scan3A_29, %dma_wait3A, %dma_wait3A_50] : memref<2x128x16xf32, #tpu.memory_space<vmem>> -> memref<1x128x16xf32, #tpu.memory_space<vmem>>
      %dma_wait3A_52 = tpu.memref_squeeze %dma_wait3A_51 : memref<1x128x16xf32, #tpu.memory_space<vmem>> -> memref<128x16xf32, #tpu.memory_space<vmem>>
      %dma_wait3A_53 = arith.constant 0 : i32
      %dma_wait3A_54 = tpu.memref_slice %arg7[%mul3A_49, %dma_wait3A_53] : memref<82x128xi32, #tpu.memory_space<vmem>> -> memref<1x128xi32, #tpu.memory_space<vmem>>
      %dma_wait3A_55 = tpu.memref_squeeze %dma_wait3A_54 : memref<1x128xi32, #tpu.memory_space<vmem>> -> memref<128xi32, #tpu.memory_space<vmem>>
      %dma_wait3A_56 = arith.constant 0 : i32
      %dma_wait3A_57 = arith.constant 0 : i32
      %dma_wait3A_58 = tpu.memref_slice %arg13[%dma_wait3A_56, %dma_wait3A_57] : memref<10112x16xf32, #tpu.memory_space<vmem_shared>> -> memref<10112x16xf32, #tpu.memory_space<vmem_shared>>
      tpu.wait_indirect_dma semaphore(%arg15 : memref<!tpu.dma_semaphore, #tpu.memory_space<semaphore_mem>>) src(%dma_wait3A_58 : memref<10112x16xf32, #tpu.memory_space<vmem_shared>>) dst(%dma_wait3A_52 : memref<128x16xf32, #tpu.memory_space<vmem>>)
      %add3A_59 = arith.constant 1 : i32
      %add3A_60 = arith.addi %mul3A_49, %add3A_59 : i32
      %dma_start3A_61 = arith.constant 0 : i32
      %dma_start3A_62 = arith.constant 0 : i32
      %dma_start3A_63 = tpu.memref_slice %arg9[%scan3A_30, %dma_start3A_61, %dma_start3A_62] : memref<2x128x16xf32, #tpu.memory_space<vmem>> -> memref<1x128x16xf32, #tpu.memory_space<vmem>>
      %dma_start3A_64 = tpu.memref_squeeze %dma_start3A_63 : memref<1x128x16xf32, #tpu.memory_space<vmem>> -> memref<128x16xf32, #tpu.memory_space<vmem>>
      %dma_start3A_65 = arith.constant 0 : i32
      %dma_start3A_66 = tpu.memref_slice %arg7[%add3A_60, %dma_start3A_65] : memref<82x128xi32, #tpu.memory_space<vmem>> -> memref<1x128xi32, #tpu.memory_space<vmem>>
      %dma_start3A_67 = tpu.memref_squeeze %dma_start3A_66 : memref<1x128xi32, #tpu.memory_space<vmem>> -> memref<128xi32, #tpu.memory_space<vmem>>
      %dma_start3A_68 = arith.constant 0 : i32
      %dma_start3A_69 = arith.constant 0 : i32
      %dma_start3A_70 = tpu.memref_slice %arg13[%dma_start3A_68, %dma_start3A_69] : memref<10112x16xf32, #tpu.memory_space<vmem_shared>> -> memref<10112x16xf32, #tpu.memory_space<vmem_shared>>
      tpu.enqueue_indirect_dma source(%dma_start3A_70 : memref<10112x16xf32, #tpu.memory_space<vmem_shared>>) target(%dma_start3A_64 : memref<128x16xf32, #tpu.memory_space<vmem>>) offsets(%dma_start3A_67 : memref<128xi32, #tpu.memory_space<vmem>>) semaphore(%arg16 : memref<!tpu.dma_semaphore, #tpu.memory_space<semaphore_mem>>)
      "tpu.region"() ({
        %run_scoped3A = tpu.sem_alloc : memref<!tpu.dma_semaphore, #tpu.memory_space<semaphore_mem>>
        %dma_start3A_90 = arith.constant 0 : i32
        %dma_start3A_91 = arith.constant 0 : i32
        %dma_start3A_92 = tpu.memref_slice %arg9[%scan3A_29, %dma_start3A_90, %dma_start3A_91] : memref<2x128x16xf32, #tpu.memory_space<vmem>> -> memref<1x128x16xf32, #tpu.memory_space<vmem>>
        %dma_start3A_93 = tpu.memref_squeeze %dma_start3A_92 : memref<1x128x16xf32, #tpu.memory_space<vmem>> -> memref<128x16xf32, #tpu.memory_space<vmem>>
        %dma_start3A_94 = arith.constant 0 : i32
        %dma_start3A_95 = tpu.memref_slice %arg8[%mul3A_49, %dma_start3A_94] : memref<82x128xi32, #tpu.memory_space<vmem>> -> memref<1x128xi32, #tpu.memory_space<vmem>>
        %dma_start3A_96 = tpu.memref_squeeze %dma_start3A_95 : memref<1x128xi32, #tpu.memory_space<vmem>> -> memref<128xi32, #tpu.memory_space<vmem>>
        %dma_start3A_97 = arith.constant 0 : i32
        %dma_start3A_98 = arith.constant 0 : i32
        %dma_start3A_99 = tpu.memref_slice %arg14[%dma_start3A_97, %dma_start3A_98] : memref<10112x16xf32, #tpu.memory_space<vmem_shared>> -> memref<10112x16xf32, #tpu.memory_space<vmem_shared>>
        tpu.enqueue_indirect_dma source(%dma_start3A_93 : memref<128x16xf32, #tpu.memory_space<vmem>>) target(%dma_start3A_99 : memref<10112x16xf32, #tpu.memory_space<vmem_shared>>) offsets(%dma_start3A_96 : memref<128xi32, #tpu.memory_space<vmem>>) semaphore(%run_scoped3A : memref<!tpu.dma_semaphore, #tpu.memory_space<semaphore_mem>>) {add = true}
        %dma_wait3A_100 = arith.constant 0 : i32
        %dma_wait3A_101 = arith.constant 0 : i32
        %dma_wait3A_102 = tpu.memref_slice %arg9[%scan3A_29, %dma_wait3A_100, %dma_wait3A_101] : memref<2x128x16xf32, #tpu.memory_space<vmem>> -> memref<1x128x16xf32, #tpu.memory_space<vmem>>
        %dma_wait3A_103 = tpu.memref_squeeze %dma_wait3A_102 : memref<1x128x16xf32, #tpu.memory_space<vmem>> -> memref<128x16xf32, #tpu.memory_space<vmem>>
        %dma_wait3A_104 = arith.constant 0 : i32
        %dma_wait3A_105 = tpu.memref_slice %arg8[%mul3A_49, %dma_wait3A_104] : memref<82x128xi32, #tpu.memory_space<vmem>> -> memref<1x128xi32, #tpu.memory_space<vmem>>
        %dma_wait3A_106 = tpu.memref_squeeze %dma_wait3A_105 : memref<1x128xi32, #tpu.memory_space<vmem>> -> memref<128xi32, #tpu.memory_space<vmem>>
        %dma_wait3A_107 = arith.constant 0 : i32
        %dma_wait3A_108 = arith.constant 0 : i32
        %dma_wait3A_109 = tpu.memref_slice %arg14[%dma_wait3A_107, %dma_wait3A_108] : memref<10112x16xf32, #tpu.memory_space<vmem_shared>> -> memref<10112x16xf32, #tpu.memory_space<vmem_shared>>
        tpu.wait_indirect_dma semaphore(%run_scoped3A : memref<!tpu.dma_semaphore, #tpu.memory_space<semaphore_mem>>) src(%dma_wait3A_103 : memref<128x16xf32, #tpu.memory_space<vmem>>) dst(%dma_wait3A_109 : memref<10112x16xf32, #tpu.memory_space<vmem_shared>>)
        tpu.yield
      }) : () -> ()
      %add3A_71 = arith.constant 1 : i32
      %add3A_72 = arith.addi %mul3A_49, %add3A_71 : i32
      %dma_wait3A_73 = arith.constant 0 : i32
      %dma_wait3A_74 = arith.constant 0 : i32
      %dma_wait3A_75 = tpu.memref_slice %arg9[%scan3A_30, %dma_wait3A_73, %dma_wait3A_74] : memref<2x128x16xf32, #tpu.memory_space<vmem>> -> memref<1x128x16xf32, #tpu.memory_space<vmem>>
      %dma_wait3A_76 = tpu.memref_squeeze %dma_wait3A_75 : memref<1x128x16xf32, #tpu.memory_space<vmem>> -> memref<128x16xf32, #tpu.memory_space<vmem>>
      %dma_wait3A_77 = arith.constant 0 : i32
      %dma_wait3A_78 = tpu.memref_slice %arg7[%add3A_72, %dma_wait3A_77] : memref<82x128xi32, #tpu.memory_space<vmem>> -> memref<1x128xi32, #tpu.memory_space<vmem>>
      %dma_wait3A_79 = tpu.memref_squeeze %dma_wait3A_78 : memref<1x128xi32, #tpu.memory_space<vmem>> -> memref<128xi32, #tpu.memory_space<vmem>>
      %dma_wait3A_80 = arith.constant 0 : i32
      %dma_wait3A_81 = arith.constant 0 : i32
      %dma_wait3A_82 = tpu.memref_slice %arg13[%dma_wait3A_80, %dma_wait3A_81] : memref<10112x16xf32, #tpu.memory_space<vmem_shared>> -> memref<10112x16xf32, #tpu.memory_space<vmem_shared>>
      tpu.wait_indirect_dma semaphore(%arg16 : memref<!tpu.dma_semaphore, #tpu.memory_space<semaphore_mem>>) src(%dma_wait3A_82 : memref<10112x16xf32, #tpu.memory_space<vmem_shared>>) dst(%dma_wait3A_76 : memref<128x16xf32, #tpu.memory_space<vmem>>)
      %add3A_83 = arith.constant 1 : i32
      %add3A_84 = arith.addi %scan3A_46, %add3A_83 : i32
      %lt3A = arith.constant 41 : i32
      %lt3A_85 = arith.cmpi slt, %add3A_84, %lt3A : i32
      %convert_element_type3A = arith.extui %lt3A_85 : i1 to i32
      %cond3A = arith.constant 0 : i32
      %cond3A_86 = arith.cmpi ne, %convert_element_type3A, %cond3A : i32
      scf.if %cond3A_86 {
        %add3A_90 = arith.constant 2 : i32
        %add3A_91 = arith.addi %mul3A_49, %add3A_90 : i32
        %dma_start3A_92 = arith.constant 0 : i32
        %dma_start3A_93 = arith.constant 0 : i32
        %dma_start3A_94 = tpu.memref_slice %arg9[%scan3A_29, %dma_start3A_92, %dma_start3A_93] : memref<2x128x16xf32, #tpu.memory_space<vmem>> -> memref<1x128x16xf32, #tpu.memory_space<vmem>>
        %dma_start3A_95 = tpu.memref_squeeze %dma_start3A_94 : memref<1x128x16xf32, #tpu.memory_space<vmem>> -> memref<128x16xf32, #tpu.memory_space<vmem>>
        %dma_start3A_96 = arith.constant 0 : i32
        %dma_start3A_97 = tpu.memref_slice %arg7[%add3A_91, %dma_start3A_96] : memref<82x128xi32, #tpu.memory_space<vmem>> -> memref<1x128xi32, #tpu.memory_space<vmem>>
        %dma_start3A_98 = tpu.memref_squeeze %dma_start3A_97 : memref<1x128xi32, #tpu.memory_space<vmem>> -> memref<128xi32, #tpu.memory_space<vmem>>
        %dma_start3A_99 = arith.constant 0 : i32
        %dma_start3A_100 = arith.constant 0 : i32
        %dma_start3A_101 = tpu.memref_slice %arg13[%dma_start3A_99, %dma_start3A_100] : memref<10112x16xf32, #tpu.memory_space<vmem_shared>> -> memref<10112x16xf32, #tpu.memory_space<vmem_shared>>
        tpu.enqueue_indirect_dma source(%dma_start3A_101 : memref<10112x16xf32, #tpu.memory_space<vmem_shared>>) target(%dma_start3A_95 : memref<128x16xf32, #tpu.memory_space<vmem>>) offsets(%dma_start3A_98 : memref<128xi32, #tpu.memory_space<vmem>>) semaphore(%arg15 : memref<!tpu.dma_semaphore, #tpu.memory_space<semaphore_mem>>)
      } else {
      }
      %add3A_87 = arith.constant 1 : i32
      %add3A_88 = arith.addi %mul3A_49, %add3A_87 : i32
      "tpu.region"() ({
        %run_scoped3A = tpu.sem_alloc : memref<!tpu.dma_semaphore, #tpu.memory_space<semaphore_mem>>
        %dma_start3A_90 = arith.constant 0 : i32
        %dma_start3A_91 = arith.constant 0 : i32
        %dma_start3A_92 = tpu.memref_slice %arg9[%scan3A_30, %dma_start3A_90, %dma_start3A_91] : memref<2x128x16xf32, #tpu.memory_space<vmem>> -> memref<1x128x16xf32, #tpu.memory_space<vmem>>
        %dma_start3A_93 = tpu.memref_squeeze %dma_start3A_92 : memref<1x128x16xf32, #tpu.memory_space<vmem>> -> memref<128x16xf32, #tpu.memory_space<vmem>>
        %dma_start3A_94 = arith.constant 0 : i32
        %dma_start3A_95 = tpu.memref_slice %arg8[%add3A_88, %dma_start3A_94] : memref<82x128xi32, #tpu.memory_space<vmem>> -> memref<1x128xi32, #tpu.memory_space<vmem>>
        %dma_start3A_96 = tpu.memref_squeeze %dma_start3A_95 : memref<1x128xi32, #tpu.memory_space<vmem>> -> memref<128xi32, #tpu.memory_space<vmem>>
        %dma_start3A_97 = arith.constant 0 : i32
        %dma_start3A_98 = arith.constant 0 : i32
        %dma_start3A_99 = tpu.memref_slice %arg14[%dma_start3A_97, %dma_start3A_98] : memref<10112x16xf32, #tpu.memory_space<vmem_shared>> -> memref<10112x16xf32, #tpu.memory_space<vmem_shared>>
        tpu.enqueue_indirect_dma source(%dma_start3A_93 : memref<128x16xf32, #tpu.memory_space<vmem>>) target(%dma_start3A_99 : memref<10112x16xf32, #tpu.memory_space<vmem_shared>>) offsets(%dma_start3A_96 : memref<128xi32, #tpu.memory_space<vmem>>) semaphore(%run_scoped3A : memref<!tpu.dma_semaphore, #tpu.memory_space<semaphore_mem>>) {add = true}
        %dma_wait3A_100 = arith.constant 0 : i32
        %dma_wait3A_101 = arith.constant 0 : i32
        %dma_wait3A_102 = tpu.memref_slice %arg9[%scan3A_30, %dma_wait3A_100, %dma_wait3A_101] : memref<2x128x16xf32, #tpu.memory_space<vmem>> -> memref<1x128x16xf32, #tpu.memory_space<vmem>>
        %dma_wait3A_103 = tpu.memref_squeeze %dma_wait3A_102 : memref<1x128x16xf32, #tpu.memory_space<vmem>> -> memref<128x16xf32, #tpu.memory_space<vmem>>
        %dma_wait3A_104 = arith.constant 0 : i32
        %dma_wait3A_105 = tpu.memref_slice %arg8[%add3A_88, %dma_wait3A_104] : memref<82x128xi32, #tpu.memory_space<vmem>> -> memref<1x128xi32, #tpu.memory_space<vmem>>
        %dma_wait3A_106 = tpu.memref_squeeze %dma_wait3A_105 : memref<1x128xi32, #tpu.memory_space<vmem>> -> memref<128xi32, #tpu.memory_space<vmem>>
        %dma_wait3A_107 = arith.constant 0 : i32
        %dma_wait3A_108 = arith.constant 0 : i32
        %dma_wait3A_109 = tpu.memref_slice %arg14[%dma_wait3A_107, %dma_wait3A_108] : memref<10112x16xf32, #tpu.memory_space<vmem_shared>> -> memref<10112x16xf32, #tpu.memory_space<vmem_shared>>
        tpu.wait_indirect_dma semaphore(%run_scoped3A : memref<!tpu.dma_semaphore, #tpu.memory_space<semaphore_mem>>) src(%dma_wait3A_103 : memref<128x16xf32, #tpu.memory_space<vmem>>) dst(%dma_wait3A_109 : memref<10112x16xf32, #tpu.memory_space<vmem_shared>>)
        tpu.yield
      }) : () -> ()
      %scan3A_89 = arith.constant 0 : i32
      scf.yield %scan3A_89 : i32
    }
    %scan3A_37 = arith.constant 41 : i32
    %barrier3A_38 = arith.constant 0 : index
    tpu.barrier barrier_id(%barrier3A_38)
    "tpu.region"() ({
      %run_scoped3A = tpu.sem_alloc : memref<!tpu.dma_semaphore, #tpu.memory_space<semaphore_mem>>
      %dma_start3A_46 = arith.constant 0 : i32
      %dma_start3A_47 = tpu.memref_slice %arg14[%mul3A_2, %dma_start3A_46] : memref<10112x16xf32, #tpu.memory_space<vmem_shared>> -> memref<632x16xf32, #tpu.memory_space<vmem_shared>>
      %dma_start3A_48 = arith.constant 0 : i32
      %dma_start3A_49 = tpu.memref_slice %arg14[%mul3A_2, %dma_start3A_48] : memref<10112x16xf32, #tpu.memory_space<vmem_shared>> -> memref<632x16xf32, #tpu.memory_space<vmem_shared>>
      tpu.enqueue_dma source(%dma_start3A_49 : memref<632x16xf32, #tpu.memory_space<vmem_shared>>) target(%arg11 : memref<632x16xf32, #tpu.memory_space<vmem>>) target_semaphore(%run_scoped3A : memref<!tpu.dma_semaphore, #tpu.memory_space<semaphore_mem>>)
      %dma_wait3A = arith.constant 0 : i32
      %dma_wait3A_50 = tpu.memref_slice %arg14[%mul3A_2, %dma_wait3A] : memref<10112x16xf32, #tpu.memory_space<vmem_shared>> -> memref<632x16xf32, #tpu.memory_space<vmem_shared>>
      %dma_wait3A_51 = arith.constant 0 : i32
      %dma_wait3A_52 = tpu.memref_slice %arg14[%mul3A_2, %dma_wait3A_51] : memref<10112x16xf32, #tpu.memory_space<vmem_shared>> -> memref<632x16xf32, #tpu.memory_space<vmem_shared>>
      tpu.wait_dma2 semaphore(%run_scoped3A : memref<!tpu.dma_semaphore, #tpu.memory_space<semaphore_mem>>) src(%dma_wait3A_52 : memref<632x16xf32, #tpu.memory_space<vmem_shared>>) dst(%arg11 : memref<632x16xf32, #tpu.memory_space<vmem>>)
      tpu.yield
    }) : () -> ()
    %scan3A_39 = arith.constant 0 : i32
    %scan3A_40 = arith.constant 0 : i32
    %scan3A_41 = arith.constant 632 : i32
    %scan3A_42 = arith.addi %scan3A_40, %scan3A_41 : i32
    %scan3A_43 = arith.constant 1 : i32
    %scan3A_44 = scf.for %scan3A_46 = %scan3A_40 to %scan3A_42 step %scan3A_43 iter_args(%scan3A_47 = %scan3A_39) -> (i32)  : i32 {
      %get3A = arith.index_cast %scan3A_46 : i32 to index
      %get3A_48 = arith.constant 0 : index
      %get3A_49 = tpu.vector_load %arg11[%get3A, %get3A_48] {strides = array<i32>} : memref<632x16xf32, #tpu.memory_space<vmem>>, vector<1x16xf32>,
      %get3A_50 = vector.shape_cast %get3A_49 : vector<1x16xf32> to vector<16xf32>
      %get3A_51 = arith.index_cast %scan3A_46 : i32 to index
      %get3A_52 = arith.constant 0 : index
      %get3A_53 = tpu.vector_load %arg10[%get3A_51, %get3A_52] {strides = array<i32>} : memref<632x16xf32, #tpu.memory_space<vmem>>, vector<1x16xf32>,
      %get3A_54 = vector.shape_cast %get3A_53 : vector<1x16xf32> to vector<16xf32>
      %mul3A_55 = arith.mulf %get3A_50, %get3A_54 : vector<16xf32>
      %swap3A = arith.index_cast %scan3A_46 : i32 to index
      %swap3A_56 = arith.constant 0 : index
      %swap3A_57 = tpu.vector_load %arg11[%swap3A, %swap3A_56] {strides = array<i32>} : memref<632x16xf32, #tpu.memory_space<vmem>>, vector<1x16xf32>,
      %swap3A_58 = vector.shape_cast %swap3A_57 : vector<1x16xf32> to vector<16xf32>
      %swap3A_59 = vector.shape_cast %mul3A_55 : vector<16xf32> to vector<1x16xf32>
      tpu.vector_store %arg11[%swap3A, %swap3A_56], %swap3A_59 {strides = array<i32>} : memref<632x16xf32, #tpu.memory_space<vmem>>, vector<1x16xf32>,
      %scan3A_60 = arith.constant 0 : i32
      scf.yield %scan3A_60 : i32
    }
    %scan3A_45 = arith.constant 632 : i32
    "tpu.region"() ({
      %run_scoped3A = tpu.sem_alloc : memref<!tpu.dma_semaphore, #tpu.memory_space<semaphore_mem>>
      %dma_start3A_46 = arith.constant 0 : i32
      %dma_start3A_47 = arith.constant 0 : i32
      %dma_start3A_48 = tpu.memref_slice %arg6[%arg0, %dma_start3A_46, %dma_start3A_47] : memref<2x10112x16xf32, #tpu.memory_space<hbm>> -> memref<1x10112x16xf32, #tpu.memory_space<hbm>>
      %dma_start3A_49 = tpu.memref_squeeze %dma_start3A_48 : memref<1x10112x16xf32, #tpu.memory_space<hbm>> -> memref<10112x16xf32, #tpu.memory_space<hbm>>
      %dma_start3A_50 = arith.constant 0 : i32
      %dma_start3A_51 = tpu.memref_slice %dma_start3A_49[%mul3A_2, %dma_start3A_50] : memref<10112x16xf32, #tpu.memory_space<hbm>> -> memref<632x16xf32, #tpu.memory_space<hbm>>
      %dma_start3A_52 = arith.constant 0 : i32
      %dma_start3A_53 = arith.constant 0 : i32
      %dma_start3A_54 = tpu.memref_slice %arg6[%arg0, %dma_start3A_52, %dma_start3A_53] : memref<2x10112x16xf32, #tpu.memory_space<hbm>> -> memref<1x10112x16xf32, #tpu.memory_space<hbm>>
      %dma_start3A_55 = tpu.memref_squeeze %dma_start3A_54 : memref<1x10112x16xf32, #tpu.memory_space<hbm>> -> memref<10112x16xf32, #tpu.memory_space<hbm>>
      %dma_start3A_56 = arith.constant 0 : i32
      %dma_start3A_57 = tpu.memref_slice %dma_start3A_55[%mul3A_2, %dma_start3A_56] : memref<10112x16xf32, #tpu.memory_space<hbm>> -> memref<632x16xf32, #tpu.memory_space<hbm>>
      tpu.enqueue_dma source(%arg11 : memref<632x16xf32, #tpu.memory_space<vmem>>) target(%dma_start3A_57 : memref<632x16xf32, #tpu.memory_space<hbm>>) target_semaphore(%run_scoped3A : memref<!tpu.dma_semaphore, #tpu.memory_space<semaphore_mem>>)
      %dma_wait3A = arith.constant 0 : i32
      %dma_wait3A_58 = arith.constant 0 : i32
      %dma_wait3A_59 = tpu.memref_slice %arg6[%arg0, %dma_wait3A, %dma_wait3A_58] : memref<2x10112x16xf32, #tpu.memory_space<hbm>> -> memref<1x10112x16xf32, #tpu.memory_space<hbm>>
      %dma_wait3A_60 = tpu.memref_squeeze %dma_wait3A_59 : memref<1x10112x16xf32, #tpu.memory_space<hbm>> -> memref<10112x16xf32, #tpu.memory_space<hbm>>
      %dma_wait3A_61 = arith.constant 0 : i32
      %dma_wait3A_62 = tpu.memref_slice %dma_wait3A_60[%mul3A_2, %dma_wait3A_61] : memref<10112x16xf32, #tpu.memory_space<hbm>> -> memref<632x16xf32, #tpu.memory_space<hbm>>
      %dma_wait3A_63 = arith.constant 0 : i32
      %dma_wait3A_64 = arith.constant 0 : i32
      %dma_wait3A_65 = tpu.memref_slice %arg6[%arg0, %dma_wait3A_63, %dma_wait3A_64] : memref<2x10112x16xf32, #tpu.memory_space<hbm>> -> memref<1x10112x16xf32, #tpu.memory_space<hbm>>
      %dma_wait3A_66 = tpu.memref_squeeze %dma_wait3A_65 : memref<1x10112x16xf32, #tpu.memory_space<hbm>> -> memref<10112x16xf32, #tpu.memory_space<hbm>>
      %dma_wait3A_67 = arith.constant 0 : i32
      %dma_wait3A_68 = tpu.memref_slice %dma_wait3A_66[%mul3A_2, %dma_wait3A_67] : memref<10112x16xf32, #tpu.memory_space<hbm>> -> memref<632x16xf32, #tpu.memory_space<hbm>>
      tpu.wait_dma2 semaphore(%run_scoped3A : memref<!tpu.dma_semaphore, #tpu.memory_space<semaphore_mem>>) src(%arg11 : memref<632x16xf32, #tpu.memory_space<vmem>>) dst(%dma_wait3A_68 : memref<632x16xf32, #tpu.memory_space<hbm>>)
      tpu.yield
    }) : () -> ()
    return
  }
}

#map = affine_map<(d0, d1) -> (0, 0)>
#map1 = affine_map<(d0, d1) -> (0, 0, 0)>
module attributes {stable_mosaic.version = 14 : i64} {
  func.func @prop(%arg0: i32, %arg1: i32, %arg2: memref<2624x128xi32, #tpu.memory_space<hbm>>, %arg3: memref<2624x128xi32, #tpu.memory_space<hbm>>, %arg4: memref<10112x16xf32, #tpu.memory_space<hbm>>, %arg5: memref<10112x16xf32, #tpu.memory_space<hbm>>, %arg6: memref<2x10112x16xf32, #tpu.memory_space<hbm>>, %arg7: memref<82x128xi32, #tpu.memory_space<vmem>>, %arg8: memref<82x128xi32, #tpu.memory_space<vmem>>, %arg9: memref<2x128x16xf32, #tpu.memory_space<vmem>>, %arg10: memref<632x16xf32, #tpu.memory_space<vmem>>, %arg11: memref<632x16xf32, #tpu.memory_space<vmem>>, %arg12: memref<632x16xf32, #tpu.memory_space<vmem>>, %arg13: memref<10112x16xf32, #tpu.memory_space<vmem_shared>>, %arg14: memref<10112x16xf32, #tpu.memory_space<vmem_shared>>, %arg15: memref<!tpu.dma_semaphore, #tpu.memory_space<semaphore_mem>>, %arg16: memref<!tpu.dma_semaphore, #tpu.memory_space<semaphore_mem>>, %arg17: memref<!tpu.dma_semaphore, #tpu.memory_space<semaphore_mem>>) attributes {dimension_semantics = [#tpu.dimension_semantics<core_parallel>, #tpu.dimension_semantics<subcore_parallel>], iteration_bounds = array<i64: 2, 16>, scalar_prefetch = 0 : i64, scratch_operands = 11 : i64, tpu.core_type = #tpu.core_type<sc_vector_subcore>, window_params = [{transform_indices = #map}, {transform_indices = #map}, {transform_indices = #map}, {transform_indices = #map}, {transform_indices = #map1}]} {
    %mul3A = arith.constant 2 : i32
    %mul3A_0 = arith.muli %arg1, %mul3A : i32
    %add3A = arith.addi %mul3A_0, %arg0 : i32
    %mul3A_1 = arith.constant 632 : i32
    %mul3A_2 = arith.muli %arg1, %mul3A_1 : i32
    %scan3A = arith.constant 0 : i32
    %scan3A_3 = arith.constant 0 : i32
    %scan3A_4 = arith.constant 632 : i32
    %scan3A_5 = arith.addi %scan3A_3, %scan3A_4 : i32
    %scan3A_6 = arith.constant 1 : i32
    %scan3A_7 = scf.for %scan3A_46 = %scan3A_3 to %scan3A_5 step %scan3A_6 iter_args(%scan3A_47 = %scan3A) -> (i32)  : i32 {
      %broadcast_in_dim3A = arith.constant 0.000000e+00 : f32
      %broadcast_in_dim3A_48 = vector.broadcast %broadcast_in_dim3A : f32 to vector<16xf32>
      %swap3A = arith.index_cast %scan3A_46 : i32 to index
      %swap3A_49 = arith.constant 0 : index
      %swap3A_50 = tpu.vector_load %arg12[%swap3A, %swap3A_49] {strides = array<i32>} : memref<632x16xf32, #tpu.memory_space<vmem>>, vector<1x16xf32>,
      %swap3A_51 = vector.shape_cast %swap3A_50 : vector<1x16xf32> to vector<16xf32>
      %swap3A_52 = vector.shape_cast %broadcast_in_dim3A_48 : vector<16xf32> to vector<1x16xf32>
      tpu.vector_store %arg12[%swap3A, %swap3A_49], %swap3A_52 {strides = array<i32>} : memref<632x16xf32, #tpu.memory_space<vmem>>, vector<1x16xf32>,
      %scan3A_53 = arith.constant 0 : i32
      scf.yield %scan3A_53 : i32
    }
    %scan3A_8 = arith.constant 632 : i32
    "tpu.region"() ({
      %run_scoped3A = tpu.sem_alloc : memref<!tpu.dma_semaphore, #tpu.memory_space<semaphore_mem>>
      %dma_start3A_46 = arith.constant 0 : i32
      %dma_start3A_47 = tpu.memref_slice %arg5[%mul3A_2, %dma_start3A_46] : memref<10112x16xf32, #tpu.memory_space<hbm>> -> memref<632x16xf32, #tpu.memory_space<hbm>>
      %dma_start3A_48 = arith.constant 0 : i32
      %dma_start3A_49 = tpu.memref_slice %arg5[%mul3A_2, %dma_start3A_48] : memref<10112x16xf32, #tpu.memory_space<hbm>> -> memref<632x16xf32, #tpu.memory_space<hbm>>
      tpu.enqueue_dma source(%dma_start3A_49 : memref<632x16xf32, #tpu.memory_space<hbm>>) target(%arg10 : memref<632x16xf32, #tpu.memory_space<vmem>>) target_semaphore(%run_scoped3A : memref<!tpu.dma_semaphore, #tpu.memory_space<semaphore_mem>>)
      %dma_wait3A = arith.constant 0 : i32
      %dma_wait3A_50 = tpu.memref_slice %arg5[%mul3A_2, %dma_wait3A] : memref<10112x16xf32, #tpu.memory_space<hbm>> -> memref<632x16xf32, #tpu.memory_space<hbm>>
      %dma_wait3A_51 = arith.constant 0 : i32
      %dma_wait3A_52 = tpu.memref_slice %arg5[%mul3A_2, %dma_wait3A_51] : memref<10112x16xf32, #tpu.memory_space<hbm>> -> memref<632x16xf32, #tpu.memory_space<hbm>>
      tpu.wait_dma2 semaphore(%run_scoped3A : memref<!tpu.dma_semaphore, #tpu.memory_space<semaphore_mem>>) src(%dma_wait3A_52 : memref<632x16xf32, #tpu.memory_space<hbm>>) dst(%arg10 : memref<632x16xf32, #tpu.memory_space<vmem>>)
      tpu.yield
    }) : () -> ()
    "tpu.region"() ({
      %run_scoped3A = tpu.sem_alloc : memref<!tpu.dma_semaphore, #tpu.memory_space<semaphore_mem>>
      %dma_start3A_46 = arith.constant 0 : i32
      %dma_start3A_47 = tpu.memref_slice %arg4[%mul3A_2, %dma_start3A_46] : memref<10112x16xf32, #tpu.memory_space<hbm>> -> memref<632x16xf32, #tpu.memory_space<hbm>>
      %dma_start3A_48 = arith.constant 0 : i32
      %dma_start3A_49 = tpu.memref_slice %arg4[%mul3A_2, %dma_start3A_48] : memref<10112x16xf32, #tpu.memory_space<hbm>> -> memref<632x16xf32, #tpu.memory_space<hbm>>
      tpu.enqueue_dma source(%dma_start3A_49 : memref<632x16xf32, #tpu.memory_space<hbm>>) target(%arg11 : memref<632x16xf32, #tpu.memory_space<vmem>>) target_semaphore(%run_scoped3A : memref<!tpu.dma_semaphore, #tpu.memory_space<semaphore_mem>>)
      %dma_wait3A = arith.constant 0 : i32
      %dma_wait3A_50 = tpu.memref_slice %arg4[%mul3A_2, %dma_wait3A] : memref<10112x16xf32, #tpu.memory_space<hbm>> -> memref<632x16xf32, #tpu.memory_space<hbm>>
      %dma_wait3A_51 = arith.constant 0 : i32
      %dma_wait3A_52 = tpu.memref_slice %arg4[%mul3A_2, %dma_wait3A_51] : memref<10112x16xf32, #tpu.memory_space<hbm>> -> memref<632x16xf32, #tpu.memory_space<hbm>>
      tpu.wait_dma2 semaphore(%run_scoped3A : memref<!tpu.dma_semaphore, #tpu.memory_space<semaphore_mem>>) src(%dma_wait3A_52 : memref<632x16xf32, #tpu.memory_space<hbm>>) dst(%arg11 : memref<632x16xf32, #tpu.memory_space<vmem>>)
      tpu.yield
    }) : () -> ()
    %scan3A_9 = arith.constant 0 : i32
    %scan3A_10 = arith.constant 0 : i32
    %scan3A_11 = arith.constant 632 : i32
    %scan3A_12 = arith.addi %scan3A_10, %scan3A_11 : i32
    %scan3A_13 = arith.constant 1 : i32
    %scan3A_14 = scf.for %scan3A_46 = %scan3A_10 to %scan3A_12 step %scan3A_13 iter_args(%scan3A_47 = %scan3A_9) -> (i32)  : i32 {
      %get3A = arith.index_cast %scan3A_46 : i32 to index
      %get3A_48 = arith.constant 0 : index
      %get3A_49 = tpu.vector_load %arg11[%get3A, %get3A_48] {strides = array<i32>} : memref<632x16xf32, #tpu.memory_space<vmem>>, vector<1x16xf32>,
      %get3A_50 = vector.shape_cast %get3A_49 : vector<1x16xf32> to vector<16xf32>
      %get3A_51 = arith.index_cast %scan3A_46 : i32 to index
      %get3A_52 = arith.constant 0 : index
      %get3A_53 = tpu.vector_load %arg10[%get3A_51, %get3A_52] {strides = array<i32>} : memref<632x16xf32, #tpu.memory_space<vmem>>, vector<1x16xf32>,
      %get3A_54 = vector.shape_cast %get3A_53 : vector<1x16xf32> to vector<16xf32>
      %mul3A_55 = arith.mulf %get3A_50, %get3A_54 : vector<16xf32>
      %swap3A = arith.index_cast %scan3A_46 : i32 to index
      %swap3A_56 = arith.constant 0 : index
      %swap3A_57 = tpu.vector_load %arg11[%swap3A, %swap3A_56] {strides = array<i32>} : memref<632x16xf32, #tpu.memory_space<vmem>>, vector<1x16xf32>,
      %swap3A_58 = vector.shape_cast %swap3A_57 : vector<1x16xf32> to vector<16xf32>
      %swap3A_59 = vector.shape_cast %mul3A_55 : vector<16xf32> to vector<1x16xf32>
      tpu.vector_store %arg11[%swap3A, %swap3A_56], %swap3A_59 {strides = array<i32>} : memref<632x16xf32, #tpu.memory_space<vmem>>, vector<1x16xf32>,
      %scan3A_60 = arith.constant 0 : i32
      scf.yield %scan3A_60 : i32
    }
    %scan3A_15 = arith.constant 632 : i32
    "tpu.region"() ({
      %run_scoped3A = tpu.sem_alloc : memref<!tpu.dma_semaphore, #tpu.memory_space<semaphore_mem>>
      %dma_start3A_46 = arith.constant 0 : i32
      %dma_start3A_47 = tpu.memref_slice %arg13[%mul3A_2, %dma_start3A_46] : memref<10112x16xf32, #tpu.memory_space<vmem_shared>> -> memref<632x16xf32, #tpu.memory_space<vmem_shared>>
      %dma_start3A_48 = arith.constant 0 : i32
      %dma_start3A_49 = tpu.memref_slice %arg13[%mul3A_2, %dma_start3A_48] : memref<10112x16xf32, #tpu.memory_space<vmem_shared>> -> memref<632x16xf32, #tpu.memory_space<vmem_shared>>
      tpu.enqueue_dma source(%arg11 : memref<632x16xf32, #tpu.memory_space<vmem>>) target(%dma_start3A_49 : memref<632x16xf32, #tpu.memory_space<vmem_shared>>) target_semaphore(%run_scoped3A : memref<!tpu.dma_semaphore, #tpu.memory_space<semaphore_mem>>)
      %dma_wait3A = arith.constant 0 : i32
      %dma_wait3A_50 = tpu.memref_slice %arg13[%mul3A_2, %dma_wait3A] : memref<10112x16xf32, #tpu.memory_space<vmem_shared>> -> memref<632x16xf32, #tpu.memory_space<vmem_shared>>
      %dma_wait3A_51 = arith.constant 0 : i32
      %dma_wait3A_52 = tpu.memref_slice %arg13[%mul3A_2, %dma_wait3A_51] : memref<10112x16xf32, #tpu.memory_space<vmem_shared>> -> memref<632x16xf32, #tpu.memory_space<vmem_shared>>
      tpu.wait_dma2 semaphore(%run_scoped3A : memref<!tpu.dma_semaphore, #tpu.memory_space<semaphore_mem>>) src(%arg11 : memref<632x16xf32, #tpu.memory_space<vmem>>) dst(%dma_wait3A_52 : memref<632x16xf32, #tpu.memory_space<vmem_shared>>)
      tpu.yield
    }) : () -> ()
    "tpu.region"() ({
      %run_scoped3A = tpu.sem_alloc : memref<!tpu.dma_semaphore, #tpu.memory_space<semaphore_mem>>
      %dma_start3A_46 = arith.constant 0 : i32
      %dma_start3A_47 = tpu.memref_slice %arg14[%mul3A_2, %dma_start3A_46] : memref<10112x16xf32, #tpu.memory_space<vmem_shared>> -> memref<632x16xf32, #tpu.memory_space<vmem_shared>>
      %dma_start3A_48 = arith.constant 0 : i32
      %dma_start3A_49 = tpu.memref_slice %arg14[%mul3A_2, %dma_start3A_48] : memref<10112x16xf32, #tpu.memory_space<vmem_shared>> -> memref<632x16xf32, #tpu.memory_space<vmem_shared>>
      tpu.enqueue_dma source(%arg12 : memref<632x16xf32, #tpu.memory_space<vmem>>) target(%dma_start3A_49 : memref<632x16xf32, #tpu.memory_space<vmem_shared>>) target_semaphore(%run_scoped3A : memref<!tpu.dma_semaphore, #tpu.memory_space<semaphore_mem>>)
      %dma_wait3A = arith.constant 0 : i32
      %dma_wait3A_50 = tpu.memref_slice %arg14[%mul3A_2, %dma_wait3A] : memref<10112x16xf32, #tpu.memory_space<vmem_shared>> -> memref<632x16xf32, #tpu.memory_space<vmem_shared>>
      %dma_wait3A_51 = arith.constant 0 : i32
      %dma_wait3A_52 = tpu.memref_slice %arg14[%mul3A_2, %dma_wait3A_51] : memref<10112x16xf32, #tpu.memory_space<vmem_shared>> -> memref<632x16xf32, #tpu.memory_space<vmem_shared>>
      tpu.wait_dma2 semaphore(%run_scoped3A : memref<!tpu.dma_semaphore, #tpu.memory_space<semaphore_mem>>) src(%arg12 : memref<632x16xf32, #tpu.memory_space<vmem>>) dst(%dma_wait3A_52 : memref<632x16xf32, #tpu.memory_space<vmem_shared>>)
      tpu.yield
    }) : () -> ()
    %barrier3A = arith.constant 0 : index
    tpu.barrier barrier_id(%barrier3A)
    %mul3A_16 = arith.constant 82 : i32
    %mul3A_17 = arith.muli %add3A, %mul3A_16 : i32
    "tpu.region"() ({
      %run_scoped3A = tpu.sem_alloc : memref<!tpu.dma_semaphore, #tpu.memory_space<semaphore_mem>>
      %dma_start3A_46 = arith.constant 0 : i32
      %dma_start3A_47 = tpu.memref_slice %arg2[%mul3A_17, %dma_start3A_46] : memref<2624x128xi32, #tpu.memory_space<hbm>> -> memref<82x128xi32, #tpu.memory_space<hbm>>
      %dma_start3A_48 = arith.constant 0 : i32
      %dma_start3A_49 = tpu.memref_slice %arg2[%mul3A_17, %dma_start3A_48] : memref<2624x128xi32, #tpu.memory_space<hbm>> -> memref<82x128xi32, #tpu.memory_space<hbm>>
      tpu.enqueue_dma source(%dma_start3A_49 : memref<82x128xi32, #tpu.memory_space<hbm>>) target(%arg7 : memref<82x128xi32, #tpu.memory_space<vmem>>) target_semaphore(%run_scoped3A : memref<!tpu.dma_semaphore, #tpu.memory_space<semaphore_mem>>)
      %dma_wait3A = arith.constant 0 : i32
      %dma_wait3A_50 = tpu.memref_slice %arg2[%mul3A_17, %dma_wait3A] : memref<2624x128xi32, #tpu.memory_space<hbm>> -> memref<82x128xi32, #tpu.memory_space<hbm>>
      %dma_wait3A_51 = arith.constant 0 : i32
      %dma_wait3A_52 = tpu.memref_slice %arg2[%mul3A_17, %dma_wait3A_51] : memref<2624x128xi32, #tpu.memory_space<hbm>> -> memref<82x128xi32, #tpu.memory_space<hbm>>
      tpu.wait_dma2 semaphore(%run_scoped3A : memref<!tpu.dma_semaphore, #tpu.memory_space<semaphore_mem>>) src(%dma_wait3A_52 : memref<82x128xi32, #tpu.memory_space<hbm>>) dst(%arg7 : memref<82x128xi32, #tpu.memory_space<vmem>>)
      tpu.yield
    }) : () -> ()
    "tpu.region"() ({
      %run_scoped3A = tpu.sem_alloc : memref<!tpu.dma_semaphore, #tpu.memory_space<semaphore_mem>>
      %dma_start3A_46 = arith.constant 0 : i32
      %dma_start3A_47 = tpu.memref_slice %arg3[%mul3A_17, %dma_start3A_46] : memref<2624x128xi32, #tpu.memory_space<hbm>> -> memref<82x128xi32, #tpu.memory_space<hbm>>
      %dma_start3A_48 = arith.constant 0 : i32
      %dma_start3A_49 = tpu.memref_slice %arg3[%mul3A_17, %dma_start3A_48] : memref<2624x128xi32, #tpu.memory_space<hbm>> -> memref<82x128xi32, #tpu.memory_space<hbm>>
      tpu.enqueue_dma source(%dma_start3A_49 : memref<82x128xi32, #tpu.memory_space<hbm>>) target(%arg8 : memref<82x128xi32, #tpu.memory_space<vmem>>) target_semaphore(%run_scoped3A : memref<!tpu.dma_semaphore, #tpu.memory_space<semaphore_mem>>)
      %dma_wait3A = arith.constant 0 : i32
      %dma_wait3A_50 = tpu.memref_slice %arg3[%mul3A_17, %dma_wait3A] : memref<2624x128xi32, #tpu.memory_space<hbm>> -> memref<82x128xi32, #tpu.memory_space<hbm>>
      %dma_wait3A_51 = arith.constant 0 : i32
      %dma_wait3A_52 = tpu.memref_slice %arg3[%mul3A_17, %dma_wait3A_51] : memref<2624x128xi32, #tpu.memory_space<hbm>> -> memref<82x128xi32, #tpu.memory_space<hbm>>
      tpu.wait_dma2 semaphore(%run_scoped3A : memref<!tpu.dma_semaphore, #tpu.memory_space<semaphore_mem>>) src(%dma_wait3A_52 : memref<82x128xi32, #tpu.memory_space<hbm>>) dst(%arg8 : memref<82x128xi32, #tpu.memory_space<vmem>>)
      tpu.yield
    }) : () -> ()
    %dma_start3A = arith.constant 0 : i32
    %dma_start3A_18 = arith.constant 0 : i32
    %dma_start3A_19 = arith.constant 0 : i32
    %dma_start3A_20 = arith.constant 0 : i32
    %dma_start3A_21 = tpu.memref_slice %arg9[%dma_start3A_18, %dma_start3A_19, %dma_start3A_20] : memref<2x128x16xf32, #tpu.memory_space<vmem>> -> memref<1x128x16xf32, #tpu.memory_space<vmem>>
    %dma_start3A_22 = tpu.memref_squeeze %dma_start3A_21 : memref<1x128x16xf32, #tpu.memory_space<vmem>> -> memref<128x16xf32, #tpu.memory_space<vmem>>
    %dma_start3A_23 = arith.constant 0 : i32
    %dma_start3A_24 = tpu.memref_slice %arg7[%dma_start3A, %dma_start3A_23] : memref<82x128xi32, #tpu.memory_space<vmem>> -> memref<1x128xi32, #tpu.memory_space<vmem>>
    %dma_start3A_25 = tpu.memref_squeeze %dma_start3A_24 : memref<1x128xi32, #tpu.memory_space<vmem>> -> memref<128xi32, #tpu.memory_space<vmem>>
    %dma_start3A_26 = arith.constant 0 : i32
    %dma_start3A_27 = arith.constant 0 : i32
    %dma_start3A_28 = tpu.memref_slice %arg13[%dma_start3A_26, %dma_start3A_27] : memref<10112x16xf32, #tpu.memory_space<vmem_shared>> -> memref<10112x16xf32, #tpu.memory_space<vmem_shared>>
    tpu.enqueue_indirect_dma source(%dma_start3A_28 : memref<10112x16xf32, #tpu.memory_space<vmem_shared>>) target(%dma_start3A_22 : memref<128x16xf32, #tpu.memory_space<vmem>>) offsets(%dma_start3A_25 : memref<128xi32, #tpu.memory_space<vmem>>) semaphore(%arg15 : memref<!tpu.dma_semaphore, #tpu.memory_space<semaphore_mem>>)
    %scan3A_29 = arith.constant 0 : i32
    %scan3A_30 = arith.constant 1 : i32
    %scan3A_31 = arith.constant 0 : i32
    %scan3A_32 = arith.constant 0 : i32
    %scan3A_33 = arith.constant 41 : i32
    %scan3A_34 = arith.addi %scan3A_32, %scan3A_33 : i32
    %scan3A_35 = arith.constant 1 : i32
    %scan3A_36 = scf.for %scan3A_46 = %scan3A_32 to %scan3A_34 step %scan3A_35 iter_args(%scan3A_47 = %scan3A_31) -> (i32)  : i32 {
      %mul3A_48 = arith.constant 2 : i32
      %mul3A_49 = arith.muli %scan3A_46, %mul3A_48 : i32
      %dma_wait3A = arith.constant 0 : i32
      %dma_wait3A_50 = arith.constant 0 : i32
      %dma_wait3A_51 = tpu.memref_slice %arg9[%scan3A_29, %dma_wait3A, %dma_wait3A_50] : memref<2x128x16xf32, #tpu.memory_space<vmem>> -> memref<1x128x16xf32, #tpu.memory_space<vmem>>
      %dma_wait3A_52 = tpu.memref_squeeze %dma_wait3A_51 : memref<1x128x16xf32, #tpu.memory_space<vmem>> -> memref<128x16xf32, #tpu.memory_space<vmem>>
      %dma_wait3A_53 = arith.constant 0 : i32
      %dma_wait3A_54 = tpu.memref_slice %arg7[%mul3A_49, %dma_wait3A_53] : memref<82x128xi32, #tpu.memory_space<vmem>> -> memref<1x128xi32, #tpu.memory_space<vmem>>
      %dma_wait3A_55 = tpu.memref_squeeze %dma_wait3A_54 : memref<1x128xi32, #tpu.memory_space<vmem>> -> memref<128xi32, #tpu.memory_space<vmem>>
      %dma_wait3A_56 = arith.constant 0 : i32
      %dma_wait3A_57 = arith.constant 0 : i32
      %dma_wait3A_58 = tpu.memref_slice %arg13[%dma_wait3A_56, %dma_wait3A_57] : memref<10112x16xf32, #tpu.memory_space<vmem_shared>> -> memref<10112x16xf32, #tpu.memory_space<vmem_shared>>
      tpu.wait_indirect_dma semaphore(%arg15 : memref<!tpu.dma_semaphore, #tpu.memory_space<semaphore_mem>>) src(%dma_wait3A_58 : memref<10112x16xf32, #tpu.memory_space<vmem_shared>>) dst(%dma_wait3A_52 : memref<128x16xf32, #tpu.memory_space<vmem>>)
      %add3A_59 = arith.constant 1 : i32
      %add3A_60 = arith.addi %mul3A_49, %add3A_59 : i32
      %dma_start3A_61 = arith.constant 0 : i32
      %dma_start3A_62 = arith.constant 0 : i32
      %dma_start3A_63 = tpu.memref_slice %arg9[%scan3A_30, %dma_start3A_61, %dma_start3A_62] : memref<2x128x16xf32, #tpu.memory_space<vmem>> -> memref<1x128x16xf32, #tpu.memory_space<vmem>>
      %dma_start3A_64 = tpu.memref_squeeze %dma_start3A_63 : memref<1x128x16xf32, #tpu.memory_space<vmem>> -> memref<128x16xf32, #tpu.memory_space<vmem>>
      %dma_start3A_65 = arith.constant 0 : i32
      %dma_start3A_66 = tpu.memref_slice %arg7[%add3A_60, %dma_start3A_65] : memref<82x128xi32, #tpu.memory_space<vmem>> -> memref<1x128xi32, #tpu.memory_space<vmem>>
      %dma_start3A_67 = tpu.memref_squeeze %dma_start3A_66 : memref<1x128xi32, #tpu.memory_space<vmem>> -> memref<128xi32, #tpu.memory_space<vmem>>
      %dma_start3A_68 = arith.constant 0 : i32
      %dma_start3A_69 = arith.constant 0 : i32
      %dma_start3A_70 = tpu.memref_slice %arg13[%dma_start3A_68, %dma_start3A_69] : memref<10112x16xf32, #tpu.memory_space<vmem_shared>> -> memref<10112x16xf32, #tpu.memory_space<vmem_shared>>
      tpu.enqueue_indirect_dma source(%dma_start3A_70 : memref<10112x16xf32, #tpu.memory_space<vmem_shared>>) target(%dma_start3A_64 : memref<128x16xf32, #tpu.memory_space<vmem>>) offsets(%dma_start3A_67 : memref<128xi32, #tpu.memory_space<vmem>>) semaphore(%arg16 : memref<!tpu.dma_semaphore, #tpu.memory_space<semaphore_mem>>)
      "tpu.region"() ({
        %run_scoped3A = tpu.sem_alloc : memref<!tpu.dma_semaphore, #tpu.memory_space<semaphore_mem>>
        %dma_start3A_90 = arith.constant 0 : i32
        %dma_start3A_91 = arith.constant 0 : i32
        %dma_start3A_92 = tpu.memref_slice %arg9[%scan3A_29, %dma_start3A_90, %dma_start3A_91] : memref<2x128x16xf32, #tpu.memory_space<vmem>> -> memref<1x128x16xf32, #tpu.memory_space<vmem>>
        %dma_start3A_93 = tpu.memref_squeeze %dma_start3A_92 : memref<1x128x16xf32, #tpu.memory_space<vmem>> -> memref<128x16xf32, #tpu.memory_space<vmem>>
        %dma_start3A_94 = arith.constant 0 : i32
        %dma_start3A_95 = tpu.memref_slice %arg8[%mul3A_49, %dma_start3A_94] : memref<82x128xi32, #tpu.memory_space<vmem>> -> memref<1x128xi32, #tpu.memory_space<vmem>>
        %dma_start3A_96 = tpu.memref_squeeze %dma_start3A_95 : memref<1x128xi32, #tpu.memory_space<vmem>> -> memref<128xi32, #tpu.memory_space<vmem>>
        %dma_start3A_97 = arith.constant 0 : i32
        %dma_start3A_98 = arith.constant 0 : i32
        %dma_start3A_99 = tpu.memref_slice %arg14[%dma_start3A_97, %dma_start3A_98] : memref<10112x16xf32, #tpu.memory_space<vmem_shared>> -> memref<10112x16xf32, #tpu.memory_space<vmem_shared>>
        tpu.enqueue_indirect_dma source(%dma_start3A_93 : memref<128x16xf32, #tpu.memory_space<vmem>>) target(%dma_start3A_99 : memref<10112x16xf32, #tpu.memory_space<vmem_shared>>) offsets(%dma_start3A_96 : memref<128xi32, #tpu.memory_space<vmem>>) semaphore(%run_scoped3A : memref<!tpu.dma_semaphore, #tpu.memory_space<semaphore_mem>>) {add = true}
        %dma_wait3A_100 = arith.constant 0 : i32
        %dma_wait3A_101 = arith.constant 0 : i32
        %dma_wait3A_102 = tpu.memref_slice %arg9[%scan3A_29, %dma_wait3A_100, %dma_wait3A_101] : memref<2x128x16xf32, #tpu.memory_space<vmem>> -> memref<1x128x16xf32, #tpu.memory_space<vmem>>
        %dma_wait3A_103 = tpu.memref_squeeze %dma_wait3A_102 : memref<1x128x16xf32, #tpu.memory_space<vmem>> -> memref<128x16xf32, #tpu.memory_space<vmem>>
        %dma_wait3A_104 = arith.constant 0 : i32
        %dma_wait3A_105 = tpu.memref_slice %arg8[%mul3A_49, %dma_wait3A_104] : memref<82x128xi32, #tpu.memory_space<vmem>> -> memref<1x128xi32, #tpu.memory_space<vmem>>
        %dma_wait3A_106 = tpu.memref_squeeze %dma_wait3A_105 : memref<1x128xi32, #tpu.memory_space<vmem>> -> memref<128xi32, #tpu.memory_space<vmem>>
        %dma_wait3A_107 = arith.constant 0 : i32
        %dma_wait3A_108 = arith.constant 0 : i32
        %dma_wait3A_109 = tpu.memref_slice %arg14[%dma_wait3A_107, %dma_wait3A_108] : memref<10112x16xf32, #tpu.memory_space<vmem_shared>> -> memref<10112x16xf32, #tpu.memory_space<vmem_shared>>
        tpu.wait_indirect_dma semaphore(%run_scoped3A : memref<!tpu.dma_semaphore, #tpu.memory_space<semaphore_mem>>) src(%dma_wait3A_103 : memref<128x16xf32, #tpu.memory_space<vmem>>) dst(%dma_wait3A_109 : memref<10112x16xf32, #tpu.memory_space<vmem_shared>>)
        tpu.yield
      }) : () -> ()
      %add3A_71 = arith.constant 1 : i32
      %add3A_72 = arith.addi %mul3A_49, %add3A_71 : i32
      %dma_wait3A_73 = arith.constant 0 : i32
      %dma_wait3A_74 = arith.constant 0 : i32
      %dma_wait3A_75 = tpu.memref_slice %arg9[%scan3A_30, %dma_wait3A_73, %dma_wait3A_74] : memref<2x128x16xf32, #tpu.memory_space<vmem>> -> memref<1x128x16xf32, #tpu.memory_space<vmem>>
      %dma_wait3A_76 = tpu.memref_squeeze %dma_wait3A_75 : memref<1x128x16xf32, #tpu.memory_space<vmem>> -> memref<128x16xf32, #tpu.memory_space<vmem>>
      %dma_wait3A_77 = arith.constant 0 : i32
      %dma_wait3A_78 = tpu.memref_slice %arg7[%add3A_72, %dma_wait3A_77] : memref<82x128xi32, #tpu.memory_space<vmem>> -> memref<1x128xi32, #tpu.memory_space<vmem>>
      %dma_wait3A_79 = tpu.memref_squeeze %dma_wait3A_78 : memref<1x128xi32, #tpu.memory_space<vmem>> -> memref<128xi32, #tpu.memory_space<vmem>>
      %dma_wait3A_80 = arith.constant 0 : i32
      %dma_wait3A_81 = arith.constant 0 : i32
      %dma_wait3A_82 = tpu.memref_slice %arg13[%dma_wait3A_80, %dma_wait3A_81] : memref<10112x16xf32, #tpu.memory_space<vmem_shared>> -> memref<10112x16xf32, #tpu.memory_space<vmem_shared>>
      tpu.wait_indirect_dma semaphore(%arg16 : memref<!tpu.dma_semaphore, #tpu.memory_space<semaphore_mem>>) src(%dma_wait3A_82 : memref<10112x16xf32, #tpu.memory_space<vmem_shared>>) dst(%dma_wait3A_76 : memref<128x16xf32, #tpu.memory_space<vmem>>)
      %add3A_83 = arith.constant 1 : i32
      %add3A_84 = arith.addi %scan3A_46, %add3A_83 : i32
      %lt3A = arith.constant 41 : i32
      %lt3A_85 = arith.cmpi slt, %add3A_84, %lt3A : i32
      %convert_element_type3A = arith.extui %lt3A_85 : i1 to i32
      %cond3A = arith.constant 0 : i32
      %cond3A_86 = arith.cmpi ne, %convert_element_type3A, %cond3A : i32
      scf.if %cond3A_86 {
        %add3A_90 = arith.constant 2 : i32
        %add3A_91 = arith.addi %mul3A_49, %add3A_90 : i32
        %dma_start3A_92 = arith.constant 0 : i32
        %dma_start3A_93 = arith.constant 0 : i32
        %dma_start3A_94 = tpu.memref_slice %arg9[%scan3A_29, %dma_start3A_92, %dma_start3A_93] : memref<2x128x16xf32, #tpu.memory_space<vmem>> -> memref<1x128x16xf32, #tpu.memory_space<vmem>>
        %dma_start3A_95 = tpu.memref_squeeze %dma_start3A_94 : memref<1x128x16xf32, #tpu.memory_space<vmem>> -> memref<128x16xf32, #tpu.memory_space<vmem>>
        %dma_start3A_96 = arith.constant 0 : i32
        %dma_start3A_97 = tpu.memref_slice %arg7[%add3A_91, %dma_start3A_96] : memref<82x128xi32, #tpu.memory_space<vmem>> -> memref<1x128xi32, #tpu.memory_space<vmem>>
        %dma_start3A_98 = tpu.memref_squeeze %dma_start3A_97 : memref<1x128xi32, #tpu.memory_space<vmem>> -> memref<128xi32, #tpu.memory_space<vmem>>
        %dma_start3A_99 = arith.constant 0 : i32
        %dma_start3A_100 = arith.constant 0 : i32
        %dma_start3A_101 = tpu.memref_slice %arg13[%dma_start3A_99, %dma_start3A_100] : memref<10112x16xf32, #tpu.memory_space<vmem_shared>> -> memref<10112x16xf32, #tpu.memory_space<vmem_shared>>
        tpu.enqueue_indirect_dma source(%dma_start3A_101 : memref<10112x16xf32, #tpu.memory_space<vmem_shared>>) target(%dma_start3A_95 : memref<128x16xf32, #tpu.memory_space<vmem>>) offsets(%dma_start3A_98 : memref<128xi32, #tpu.memory_space<vmem>>) semaphore(%arg15 : memref<!tpu.dma_semaphore, #tpu.memory_space<semaphore_mem>>)
      } else {
      }
      %add3A_87 = arith.constant 1 : i32
      %add3A_88 = arith.addi %mul3A_49, %add3A_87 : i32
      "tpu.region"() ({
        %run_scoped3A = tpu.sem_alloc : memref<!tpu.dma_semaphore, #tpu.memory_space<semaphore_mem>>
        %dma_start3A_90 = arith.constant 0 : i32
        %dma_start3A_91 = arith.constant 0 : i32
        %dma_start3A_92 = tpu.memref_slice %arg9[%scan3A_30, %dma_start3A_90, %dma_start3A_91] : memref<2x128x16xf32, #tpu.memory_space<vmem>> -> memref<1x128x16xf32, #tpu.memory_space<vmem>>
        %dma_start3A_93 = tpu.memref_squeeze %dma_start3A_92 : memref<1x128x16xf32, #tpu.memory_space<vmem>> -> memref<128x16xf32, #tpu.memory_space<vmem>>
        %dma_start3A_94 = arith.constant 0 : i32
        %dma_start3A_95 = tpu.memref_slice %arg8[%add3A_88, %dma_start3A_94] : memref<82x128xi32, #tpu.memory_space<vmem>> -> memref<1x128xi32, #tpu.memory_space<vmem>>
        %dma_start3A_96 = tpu.memref_squeeze %dma_start3A_95 : memref<1x128xi32, #tpu.memory_space<vmem>> -> memref<128xi32, #tpu.memory_space<vmem>>
        %dma_start3A_97 = arith.constant 0 : i32
        %dma_start3A_98 = arith.constant 0 : i32
        %dma_start3A_99 = tpu.memref_slice %arg14[%dma_start3A_97, %dma_start3A_98] : memref<10112x16xf32, #tpu.memory_space<vmem_shared>> -> memref<10112x16xf32, #tpu.memory_space<vmem_shared>>
        tpu.enqueue_indirect_dma source(%dma_start3A_93 : memref<128x16xf32, #tpu.memory_space<vmem>>) target(%dma_start3A_99 : memref<10112x16xf32, #tpu.memory_space<vmem_shared>>) offsets(%dma_start3A_96 : memref<128xi32, #tpu.memory_space<vmem>>) semaphore(%run_scoped3A : memref<!tpu.dma_semaphore, #tpu.memory_space<semaphore_mem>>) {add = true}
        %dma_wait3A_100 = arith.constant 0 : i32
        %dma_wait3A_101 = arith.constant 0 : i32
        %dma_wait3A_102 = tpu.memref_slice %arg9[%scan3A_30, %dma_wait3A_100, %dma_wait3A_101] : memref<2x128x16xf32, #tpu.memory_space<vmem>> -> memref<1x128x16xf32, #tpu.memory_space<vmem>>
        %dma_wait3A_103 = tpu.memref_squeeze %dma_wait3A_102 : memref<1x128x16xf32, #tpu.memory_space<vmem>> -> memref<128x16xf32, #tpu.memory_space<vmem>>
        %dma_wait3A_104 = arith.constant 0 : i32
        %dma_wait3A_105 = tpu.memref_slice %arg8[%add3A_88, %dma_wait3A_104] : memref<82x128xi32, #tpu.memory_space<vmem>> -> memref<1x128xi32, #tpu.memory_space<vmem>>
        %dma_wait3A_106 = tpu.memref_squeeze %dma_wait3A_105 : memref<1x128xi32, #tpu.memory_space<vmem>> -> memref<128xi32, #tpu.memory_space<vmem>>
        %dma_wait3A_107 = arith.constant 0 : i32
        %dma_wait3A_108 = arith.constant 0 : i32
        %dma_wait3A_109 = tpu.memref_slice %arg14[%dma_wait3A_107, %dma_wait3A_108] : memref<10112x16xf32, #tpu.memory_space<vmem_shared>> -> memref<10112x16xf32, #tpu.memory_space<vmem_shared>>
        tpu.wait_indirect_dma semaphore(%run_scoped3A : memref<!tpu.dma_semaphore, #tpu.memory_space<semaphore_mem>>) src(%dma_wait3A_103 : memref<128x16xf32, #tpu.memory_space<vmem>>) dst(%dma_wait3A_109 : memref<10112x16xf32, #tpu.memory_space<vmem_shared>>)
        tpu.yield
      }) : () -> ()
      %scan3A_89 = arith.constant 0 : i32
      scf.yield %scan3A_89 : i32
    }
    %scan3A_37 = arith.constant 41 : i32
    %barrier3A_38 = arith.constant 0 : index
    tpu.barrier barrier_id(%barrier3A_38)
    "tpu.region"() ({
      %run_scoped3A = tpu.sem_alloc : memref<!tpu.dma_semaphore, #tpu.memory_space<semaphore_mem>>
      %dma_start3A_46 = arith.constant 0 : i32
      %dma_start3A_47 = tpu.memref_slice %arg14[%mul3A_2, %dma_start3A_46] : memref<10112x16xf32, #tpu.memory_space<vmem_shared>> -> memref<632x16xf32, #tpu.memory_space<vmem_shared>>
      %dma_start3A_48 = arith.constant 0 : i32
      %dma_start3A_49 = tpu.memref_slice %arg14[%mul3A_2, %dma_start3A_48] : memref<10112x16xf32, #tpu.memory_space<vmem_shared>> -> memref<632x16xf32, #tpu.memory_space<vmem_shared>>
      tpu.enqueue_dma source(%dma_start3A_49 : memref<632x16xf32, #tpu.memory_space<vmem_shared>>) target(%arg11 : memref<632x16xf32, #tpu.memory_space<vmem>>) target_semaphore(%run_scoped3A : memref<!tpu.dma_semaphore, #tpu.memory_space<semaphore_mem>>)
      %dma_wait3A = arith.constant 0 : i32
      %dma_wait3A_50 = tpu.memref_slice %arg14[%mul3A_2, %dma_wait3A] : memref<10112x16xf32, #tpu.memory_space<vmem_shared>> -> memref<632x16xf32, #tpu.memory_space<vmem_shared>>
      %dma_wait3A_51 = arith.constant 0 : i32
      %dma_wait3A_52 = tpu.memref_slice %arg14[%mul3A_2, %dma_wait3A_51] : memref<10112x16xf32, #tpu.memory_space<vmem_shared>> -> memref<632x16xf32, #tpu.memory_space<vmem_shared>>
      tpu.wait_dma2 semaphore(%run_scoped3A : memref<!tpu.dma_semaphore, #tpu.memory_space<semaphore_mem>>) src(%dma_wait3A_52 : memref<632x16xf32, #tpu.memory_space<vmem_shared>>) dst(%arg11 : memref<632x16xf32, #tpu.memory_space<vmem>>)
      tpu.yield
    }) : () -> ()
    %scan3A_39 = arith.constant 0 : i32
    %scan3A_40 = arith.constant 0 : i32
    %scan3A_41 = arith.constant 632 : i32
    %scan3A_42 = arith.addi %scan3A_40, %scan3A_41 : i32
    %scan3A_43 = arith.constant 1 : i32
    %scan3A_44 = scf.for %scan3A_46 = %scan3A_40 to %scan3A_42 step %scan3A_43 iter_args(%scan3A_47 = %scan3A_39) -> (i32)  : i32 {
      %get3A = arith.index_cast %scan3A_46 : i32 to index
      %get3A_48 = arith.constant 0 : index
      %get3A_49 = tpu.vector_load %arg11[%get3A, %get3A_48] {strides = array<i32>} : memref<632x16xf32, #tpu.memory_space<vmem>>, vector<1x16xf32>,
      %get3A_50 = vector.shape_cast %get3A_49 : vector<1x16xf32> to vector<16xf32>
      %get3A_51 = arith.index_cast %scan3A_46 : i32 to index
      %get3A_52 = arith.constant 0 : index
      %get3A_53 = tpu.vector_load %arg10[%get3A_51, %get3A_52] {strides = array<i32>} : memref<632x16xf32, #tpu.memory_space<vmem>>, vector<1x16xf32>,
      %get3A_54 = vector.shape_cast %get3A_53 : vector<1x16xf32> to vector<16xf32>
      %mul3A_55 = arith.mulf %get3A_50, %get3A_54 : vector<16xf32>
      %swap3A = arith.index_cast %scan3A_46 : i32 to index
      %swap3A_56 = arith.constant 0 : index
      %swap3A_57 = tpu.vector_load %arg11[%swap3A, %swap3A_56] {strides = array<i32>} : memref<632x16xf32, #tpu.memory_space<vmem>>, vector<1x16xf32>,
      %swap3A_58 = vector.shape_cast %swap3A_57 : vector<1x16xf32> to vector<16xf32>
      %swap3A_59 = vector.shape_cast %mul3A_55 : vector<16xf32> to vector<1x16xf32>
      tpu.vector_store %arg11[%swap3A, %swap3A_56], %swap3A_59 {strides = array<i32>} : memref<632x16xf32, #tpu.memory_space<vmem>>, vector<1x16xf32>,
      %scan3A_60 = arith.constant 0 : i32
      scf.yield %scan3A_60 : i32
    }
    %scan3A_45 = arith.constant 632 : i32
    "tpu.region"() ({
      %run_scoped3A = tpu.sem_alloc : memref<!tpu.dma_semaphore, #tpu.memory_space<semaphore_mem>>
      %dma_start3A_46 = arith.constant 0 : i32
      %dma_start3A_47 = arith.constant 0 : i32
      %dma_start3A_48 = tpu.memref_slice %arg6[%arg0, %dma_start3A_46, %dma_start3A_47] : memref<2x10112x16xf32, #tpu.memory_space<hbm>> -> memref<1x10112x16xf32, #tpu.memory_space<hbm>>
      %dma_start3A_49 = tpu.memref_squeeze %dma_start3A_48 : memref<1x10112x16xf32, #tpu.memory_space<hbm>> -> memref<10112x16xf32, #tpu.memory_space<hbm>>
      %dma_start3A_50 = arith.constant 0 : i32
      %dma_start3A_51 = tpu.memref_slice %dma_start3A_49[%mul3A_2, %dma_start3A_50] : memref<10112x16xf32, #tpu.memory_space<hbm>> -> memref<632x16xf32, #tpu.memory_space<hbm>>
      %dma_start3A_52 = arith.constant 0 : i32
      %dma_start3A_53 = arith.constant 0 : i32
      %dma_start3A_54 = tpu.memref_slice %arg6[%arg0, %dma_start3A_52, %dma_start3A_53] : memref<2x10112x16xf32, #tpu.memory_space<hbm>> -> memref<1x10112x16xf32, #tpu.memory_space<hbm>>
      %dma_start3A_55 = tpu.memref_squeeze %dma_start3A_54 : memref<1x10112x16xf32, #tpu.memory_space<hbm>> -> memref<10112x16xf32, #tpu.memory_space<hbm>>
      %dma_start3A_56 = arith.constant 0 : i32
      %dma_start3A_57 = tpu.memref_slice %dma_start3A_55[%mul3A_2, %dma_start3A_56] : memref<10112x16xf32, #tpu.memory_space<hbm>> -> memref<632x16xf32, #tpu.memory_space<hbm>>
      tpu.enqueue_dma source(%arg11 : memref<632x16xf32, #tpu.memory_space<vmem>>) target(%dma_start3A_57 : memref<632x16xf32, #tpu.memory_space<hbm>>) target_semaphore(%run_scoped3A : memref<!tpu.dma_semaphore, #tpu.memory_space<semaphore_mem>>)
      %dma_wait3A = arith.constant 0 : i32
      %dma_wait3A_58 = arith.constant 0 : i32
      %dma_wait3A_59 = tpu.memref_slice %arg6[%arg0, %dma_wait3A, %dma_wait3A_58] : memref<2x10112x16xf32, #tpu.memory_space<hbm>> -> memref<1x10112x16xf32, #tpu.memory_space<hbm>>
      %dma_wait3A_60 = tpu.memref_squeeze %dma_wait3A_59 : memref<1x10112x16xf32, #tpu.memory_space<hbm>> -> memref<10112x16xf32, #tpu.memory_space<hbm>>
      %dma_wait3A_61 = arith.constant 0 : i32
      %dma_wait3A_62 = tpu.memref_slice %dma_wait3A_60[%mul3A_2, %dma_wait3A_61] : memref<10112x16xf32, #tpu.memory_space<hbm>> -> memref<632x16xf32, #tpu.memory_space<hbm>>
      %dma_wait3A_63 = arith.constant 0 : i32
      %dma_wait3A_64 = arith.constant 0 : i32
      %dma_wait3A_65 = tpu.memref_slice %arg6[%arg0, %dma_wait3A_63, %dma_wait3A_64] : memref<2x10112x16xf32, #tpu.memory_space<hbm>> -> memref<1x10112x16xf32, #tpu.memory_space<hbm>>
      %dma_wait3A_66 = tpu.memref_squeeze %dma_wait3A_65 : memref<1x10112x16xf32, #tpu.memory_space<hbm>> -> memref<10112x16xf32, #tpu.memory_space<hbm>>
      %dma_wait3A_67 = arith.constant 0 : i32
      %dma_wait3A_68 = tpu.memref_slice %dma_wait3A_66[%mul3A_2, %dma_wait3A_67] : memref<10112x16xf32, #tpu.memory_space<hbm>> -> memref<632x16xf32, #tpu.memory_space<hbm>>
      tpu.wait_dma2 semaphore(%run_scoped3A : memref<!tpu.dma_semaphore, #tpu.memory_space<semaphore_mem>>) src(%arg11 : memref<632x16xf32, #tpu.memory_space<vmem>>) dst(%dma_wait3A_68 : memref<632x16xf32, #tpu.memory_space<hbm>>)
      tpu.yield
    }) : () -> ()
    return
  }
}

module attributes {stable_mosaic.version = 14 : i64} {
  func.func @body(%arg0: memref<10112x128xf32, #tpu.memory_space<vmem>>, %arg1: memref<16x128xf32, #tpu.memory_space<vmem>>, %arg2: memref<10112x16xf32, #tpu.memory_space<vmem>>) attributes {dimension_semantics = [], scalar_prefetch = 0 : i64, scratch_operands = 0 : i64, tpu.core_type = #tpu.core_type<tc>} {
    %get3A = arith.constant 0 : index
    %get3A_0 = arith.constant 0 : index
    %get3A_1 = vector.load %arg0[%get3A, %get3A_0] : memref<10112x128xf32, #tpu.memory_space<vmem>>, vector<10112x128xf32>
    %get3A_2 = arith.constant 0 : index
    %get3A_3 = arith.constant 0 : index
    %get3A_4 = vector.load %arg1[%get3A_2, %get3A_3] : memref<16x128xf32, #tpu.memory_space<vmem>>, vector<16x128xf32>
    %dot_general3A = arith.constant dense<0.000000e+00> : vector<10112x16xf32>
    %dot_general3A_5 = tpu.matmul %get3A_1, %get3A_4, %dot_general3A {dimension_numbers = #tpu.dot_dimension_numbers<[1], [1], [0], [0], [0, 0, 1, 0], [], []>, transpose_lhs_hint = false} : vector<10112x128xf32>, vector<16x128xf32>, vector<10112x16xf32> -> vector<10112x16xf32>
    %swap3A = arith.constant 0 : index
    %swap3A_6 = arith.constant 0 : index
    %swap3A_7 = vector.load %arg2[%swap3A, %swap3A_6] : memref<10112x16xf32, #tpu.memory_space<vmem>>, vector<10112x16xf32>
    tpu.vector_store %arg2[%swap3A, %swap3A_6], %dot_general3A_5 {strides = array<i32>} : memref<10112x16xf32, #tpu.memory_space<vmem>>, vector<10112x16xf32>,
    return
  }
}

module attributes {stable_mosaic.version = 14 : i64} {
  func.func @body(%arg0: memref<2x10112x16xf32, #tpu.memory_space<vmem>>, %arg1: memref<1x16xf32, #tpu.memory_space<vmem>>, %arg2: memref<16x16xf32, #tpu.memory_space<vmem>>, %arg3: memref<10112x16xf32, #tpu.memory_space<vmem>>, %arg4: memref<10112x16xf32, #tpu.memory_space<vmem>>) attributes {dimension_semantics = [], scalar_prefetch = 0 : i64, scratch_operands = 0 : i64, tpu.core_type = #tpu.core_type<tc>} {
    %get3A = arith.constant 0 : index
    %get3A_0 = arith.constant 0 : index
    %get3A_1 = arith.constant 0 : index
    %get3A_2 = vector.load %arg0[%get3A, %get3A_0, %get3A_1] : memref<2x10112x16xf32, #tpu.memory_space<vmem>>, vector<1x10112x16xf32>
    %get3A_3 = vector.shape_cast %get3A_2 : vector<1x10112x16xf32> to vector<10112x16xf32>
    %get3A_4 = arith.constant 1 : index
    %get3A_5 = arith.constant 0 : index
    %get3A_6 = arith.constant 0 : index
    %get3A_7 = vector.load %arg0[%get3A_4, %get3A_5, %get3A_6] : memref<2x10112x16xf32, #tpu.memory_space<vmem>>, vector<1x10112x16xf32>
    %get3A_8 = vector.shape_cast %get3A_7 : vector<1x10112x16xf32> to vector<10112x16xf32>
    %add3A = arith.addf %get3A_3, %get3A_8 : vector<10112x16xf32>
    %get3A_9 = arith.constant 0 : index
    %get3A_10 = arith.constant 0 : index
    %get3A_11 = vector.load %arg1[%get3A_9, %get3A_10] : memref<1x16xf32, #tpu.memory_space<vmem>>, vector<1x16xf32>
    %add3A_12 = vector.broadcast %get3A_11 : vector<1x16xf32> to vector<10112x16xf32>
    %add3A_13 = arith.addf %add3A, %add3A_12 : vector<10112x16xf32>
    %max3A = arith.constant 0.000000e+00 : f32
    %max3A_14 = vector.broadcast %max3A : f32 to vector<10112x16xf32>
    %max3A_15 = arith.maximumf %add3A_13, %max3A_14 : vector<10112x16xf32>
    %swap3A = arith.constant 0 : index
    %swap3A_16 = arith.constant 0 : index
    %swap3A_17 = vector.load %arg3[%swap3A, %swap3A_16] : memref<10112x16xf32, #tpu.memory_space<vmem>>, vector<10112x16xf32>
    tpu.vector_store %arg3[%swap3A, %swap3A_16], %max3A_15 {strides = array<i32>} : memref<10112x16xf32, #tpu.memory_space<vmem>>, vector<10112x16xf32>,
    %get3A_18 = arith.constant 0 : index
    %get3A_19 = arith.constant 0 : index
    %get3A_20 = vector.load %arg2[%get3A_18, %get3A_19] : memref<16x16xf32, #tpu.memory_space<vmem>>, vector<16x16xf32>
    %dot_general3A = arith.constant dense<0.000000e+00> : vector<10112x16xf32>
    %dot_general3A_21 = tpu.matmul %max3A_15, %get3A_20, %dot_general3A {dimension_numbers = #tpu.dot_dimension_numbers<[1], [1], [0], [0], [0, 0, 1, 0], [], []>, transpose_lhs_hint = false} : vector<10112x16xf32>, vector<16x16xf32>, vector<10112x16xf32> -> vector<10112x16xf32>
    %swap3A_22 = arith.constant 0 : index
    %swap3A_23 = arith.constant 0 : index
    %swap3A_24 = vector.load %arg4[%swap3A_22, %swap3A_23] : memref<10112x16xf32, #tpu.memory_space<vmem>>, vector<10112x16xf32>
    tpu.vector_store %arg4[%swap3A_22, %swap3A_23], %dot_general3A_21 {strides = array<i32>} : memref<10112x16xf32, #tpu.memory_space<vmem>>, vector<10112x16xf32>,
    return
  }
}

module attributes {stable_mosaic.version = 14 : i64} {
  func.func @body(%arg0: i32, %arg1: memref<2x1264x16xf32, #tpu.memory_space<vmem>>, %arg2: memref<1x16xf32, #tpu.memory_space<vmem>>, %arg3: memref<1264x16xf32, #tpu.memory_space<vmem>>, %arg4: memref<128x16xf32, #tpu.memory_space<vmem>>, %arg5: memref<128x32xf32, #tpu.memory_space<vmem>>, %arg6: memref<1x128xf32, #tpu.memory_space<vmem>>, %arg7: memref<1x128xf32, #tpu.memory_space<vmem>>, %arg8: memref<128x16xf32, #tpu.memory_space<vmem>>, %arg9: memref<128x32xf32, #tpu.memory_space<vmem>>, %arg10: memref<1x128xf32, #tpu.memory_space<vmem>>, %arg11: memref<1x128xf32, #tpu.memory_space<vmem>>, %arg12: memref<1x64xf32, #tpu.memory_space<vmem>>, %arg13: memref<1x1xf32, #tpu.memory_space<vmem>>, %arg14: memref<1264x16xf32, #tpu.memory_space<vmem>>) attributes {dimension_semantics = [#tpu.dimension_semantics<arbitrary>], iteration_bounds = array<i64: 8>, scalar_prefetch = 0 : i64, scratch_operands = 0 : i64, tpu.core_type = #tpu.core_type<tc>, window_params = [{transform_indices = @transform_0, window_bounds = array<i64: 2, 1264, 16>}, {pipeline_mode = #tpu.pipeline_mode<synchronous>, transform_indices = @transform_1, window_bounds = array<i64: 1, 16>}, {transform_indices = @transform_2, window_bounds = array<i64: 1264, 16>}, {pipeline_mode = #tpu.pipeline_mode<synchronous>, transform_indices = @transform_3, window_bounds = array<i64: 128, 16>}, {pipeline_mode = #tpu.pipeline_mode<synchronous>, transform_indices = @transform_4, window_bounds = array<i64: 128, 32>}, {pipeline_mode = #tpu.pipeline_mode<synchronous>, transform_indices = @transform_5, window_bounds = array<i64: 1, 128>}, {pipeline_mode = #tpu.pipeline_mode<synchronous>, transform_indices = @transform_6, window_bounds = array<i64: 1, 128>}, {pipeline_mode = #tpu.pipeline_mode<synchronous>, transform_indices = @transform_7, window_bounds = array<i64: 128, 16>}, {pipeline_mode = #tpu.pipeline_mode<synchronous>, transform_indices = @transform_8, window_bounds = array<i64: 128, 32>}, {pipeline_mode = #tpu.pipeline_mode<synchronous>, transform_indices = @transform_9, window_bounds = array<i64: 1, 128>}, {pipeline_mode = #tpu.pipeline_mode<synchronous>, transform_indices = @transform_10, window_bounds = array<i64: 1, 128>}, {pipeline_mode = #tpu.pipeline_mode<synchronous>, transform_indices = @transform_11, window_bounds = array<i64: 1, 64>}, {pipeline_mode = #tpu.pipeline_mode<synchronous>, transform_indices = @transform_12, window_bounds = array<i64: 1, 1>}, {transform_indices = @transform_13, window_bounds = array<i64: 1264, 16>}]} {
    %get3A = arith.constant 0 : index
    %get3A_0 = arith.constant 0 : index
    %get3A_1 = vector.load %arg3[%get3A, %get3A_0] : memref<1264x16xf32, #tpu.memory_space<vmem>>, vector<1264x16xf32>
    %get3A_2 = arith.constant 0 : index
    %get3A_3 = arith.constant 0 : index
    %get3A_4 = arith.constant 0 : index
    %get3A_5 = vector.load %arg1[%get3A_2, %get3A_3, %get3A_4] : memref<2x1264x16xf32, #tpu.memory_space<vmem>>, vector<1x1264x16xf32>
    %get3A_6 = vector.shape_cast %get3A_5 : vector<1x1264x16xf32> to vector<1264x16xf32>
    %get3A_7 = arith.constant 1 : index
    %get3A_8 = arith.constant 0 : index
    %get3A_9 = arith.constant 0 : index
    %get3A_10 = vector.load %arg1[%get3A_7, %get3A_8, %get3A_9] : memref<2x1264x16xf32, #tpu.memory_space<vmem>>, vector<1x1264x16xf32>
    %get3A_11 = vector.shape_cast %get3A_10 : vector<1x1264x16xf32> to vector<1264x16xf32>
    %add3A = arith.addf %get3A_6, %get3A_11 : vector<1264x16xf32>
    %get3A_12 = arith.constant 0 : index
    %get3A_13 = arith.constant 0 : index
    %get3A_14 = vector.load %arg2[%get3A_12, %get3A_13] : memref<1x16xf32, #tpu.memory_space<vmem>>, vector<1x16xf32>
    %add3A_15 = vector.broadcast %get3A_14 : vector<1x16xf32> to vector<1264x16xf32>
    %add3A_16 = arith.addf %add3A, %add3A_15 : vector<1264x16xf32>
    %max3A = arith.constant 0.000000e+00 : f32
    %max3A_17 = vector.broadcast %max3A : f32 to vector<1264x16xf32>
    %max3A_18 = arith.maximumf %add3A_16, %max3A_17 : vector<1264x16xf32>
    %get3A_19 = arith.constant 0 : index
    %get3A_20 = arith.constant 0 : index
    %get3A_21 = vector.load %arg4[%get3A_19, %get3A_20] : memref<128x16xf32, #tpu.memory_space<vmem>>, vector<128x16xf32>
    %get3A_22 = arith.constant 0 : index
    %get3A_23 = arith.constant 0 : index
    %get3A_24 = vector.load %arg5[%get3A_22, %get3A_23] : memref<128x32xf32, #tpu.memory_space<vmem>>, vector<128x32xf32>
    %get3A_25 = arith.constant 0 : index
    %get3A_26 = arith.constant 0 : index
    %get3A_27 = vector.load %arg6[%get3A_25, %get3A_26] : memref<1x128xf32, #tpu.memory_space<vmem>>, vector<1x128xf32>
    %get3A_28 = arith.constant 0 : index
    %get3A_29 = arith.constant 0 : index
    %get3A_30 = vector.load %arg7[%get3A_28, %get3A_29] : memref<1x128xf32, #tpu.memory_space<vmem>>, vector<1x128xf32>
    %get3A_31 = arith.constant 0 : index
    %get3A_32 = arith.constant 0 : index
    %get3A_33 = vector.load %arg8[%get3A_31, %get3A_32] : memref<128x16xf32, #tpu.memory_space<vmem>>, vector<128x16xf32>
    %get3A_34 = arith.constant 0 : index
    %get3A_35 = arith.constant 0 : index
    %get3A_36 = vector.load %arg9[%get3A_34, %get3A_35] : memref<128x32xf32, #tpu.memory_space<vmem>>, vector<128x32xf32>
    %get3A_37 = arith.constant 0 : index
    %get3A_38 = arith.constant 0 : index
    %get3A_39 = vector.load %arg10[%get3A_37, %get3A_38] : memref<1x128xf32, #tpu.memory_space<vmem>>, vector<1x128xf32>
    %get3A_40 = arith.constant 0 : index
    %get3A_41 = arith.constant 0 : index
    %get3A_42 = vector.load %arg11[%get3A_40, %get3A_41] : memref<1x128xf32, #tpu.memory_space<vmem>>, vector<1x128xf32>
    %dot_general3A = arith.constant dense<0.000000e+00> : vector<1264x128xf32>
    %dot_general3A_43 = tpu.matmul %get3A_1, %get3A_21, %dot_general3A {dimension_numbers = #tpu.dot_dimension_numbers<[1], [1], [0], [0], [0, 0, 1, 0], [], []>, transpose_lhs_hint = false} : vector<1264x16xf32>, vector<128x16xf32>, vector<1264x128xf32> -> vector<1264x128xf32>
    %add3A_44 = vector.broadcast %get3A_27 : vector<1x128xf32> to vector<1264x128xf32>
    %add3A_45 = arith.addf %dot_general3A_43, %add3A_44 : vector<1264x128xf32>
    %add3A_46 = vector.broadcast %get3A_30 : vector<1x128xf32> to vector<1264x128xf32>
    %add3A_47 = arith.addf %add3A_45, %add3A_46 : vector<1264x128xf32>
    %slice3A = vector.extract_strided_slice %add3A_47 {offsets = [0, 0], sizes = [1264, 32], strides = [1, 1]} : vector<1264x128xf32> to vector<1264x32xf32>
    %logistic3A = arith.negf %slice3A : vector<1264x32xf32>
    %logistic3A_48 = math.exp %logistic3A : vector<1264x32xf32>
    %logistic3A_49 = arith.constant 1.000000e+00 : f32
    %logistic3A_50 = vector.broadcast %logistic3A_49 : f32 to vector<1264x32xf32>
    %logistic3A_51 = arith.addf %logistic3A_50, %logistic3A_48 : vector<1264x32xf32>
    %logistic3A_52 = arith.divf %logistic3A_50, %logistic3A_51 : vector<1264x32xf32>
    %slice3A_53 = vector.extract_strided_slice %add3A_47 {offsets = [0, 64], sizes = [1264, 32], strides = [1, 1]} : vector<1264x128xf32> to vector<1264x32xf32>
    %tanh3A = math.tanh %slice3A_53 : vector<1264x32xf32>
    %slice3A_54 = vector.extract_strided_slice %add3A_47 {offsets = [0, 96], sizes = [1264, 32], strides = [1, 1]} : vector<1264x128xf32> to vector<1264x32xf32>
    %logistic3A_55 = arith.negf %slice3A_54 : vector<1264x32xf32>
    %logistic3A_56 = math.exp %logistic3A_55 : vector<1264x32xf32>
    %logistic3A_57 = arith.constant 1.000000e+00 : f32
    %logistic3A_58 = vector.broadcast %logistic3A_57 : f32 to vector<1264x32xf32>
    %logistic3A_59 = arith.addf %logistic3A_58, %logistic3A_56 : vector<1264x32xf32>
    %logistic3A_60 = arith.divf %logistic3A_58, %logistic3A_59 : vector<1264x32xf32>
    %mul3A = arith.mulf %logistic3A_52, %tanh3A : vector<1264x32xf32>
    %add3A_61 = arith.constant 0.000000e+00 : f32
    %add3A_62 = vector.broadcast %add3A_61 : f32 to vector<1264x32xf32>
    %add3A_63 = arith.addf %add3A_62, %mul3A : vector<1264x32xf32>
    %tanh3A_64 = math.tanh %add3A_63 : vector<1264x32xf32>
    %mul3A_65 = arith.mulf %logistic3A_60, %tanh3A_64 : vector<1264x32xf32>
    %dot_general3A_66 = arith.constant dense<0.000000e+00> : vector<1264x128xf32>
    %dot_general3A_67 = tpu.matmul %max3A_18, %get3A_21, %dot_general3A_66 {dimension_numbers = #tpu.dot_dimension_numbers<[1], [1], [0], [0], [0, 0, 1, 0], [], []>, transpose_lhs_hint = false} : vector<1264x16xf32>, vector<128x16xf32>, vector<1264x128xf32> -> vector<1264x128xf32>
    %add3A_68 = vector.broadcast %get3A_27 : vector<1x128xf32> to vector<1264x128xf32>
    %add3A_69 = arith.addf %dot_general3A_67, %add3A_68 : vector<1264x128xf32>
    %dot_general3A_70 = arith.constant dense<0.000000e+00> : vector<1264x128xf32>
    %dot_general3A_71 = tpu.matmul %mul3A_65, %get3A_24, %dot_general3A_70 {dimension_numbers = #tpu.dot_dimension_numbers<[1], [1], [0], [0], [0, 0, 1, 0], [], []>, transpose_lhs_hint = false} : vector<1264x32xf32>, vector<128x32xf32>, vector<1264x128xf32> -> vector<1264x128xf32>
    %add3A_72 = arith.addf %add3A_69, %dot_general3A_71 : vector<1264x128xf32>
    %add3A_73 = vector.broadcast %get3A_30 : vector<1x128xf32> to vector<1264x128xf32>
    %add3A_74 = arith.addf %add3A_72, %add3A_73 : vector<1264x128xf32>
    %slice3A_75 = vector.extract_strided_slice %add3A_74 {offsets = [0, 0], sizes = [1264, 32], strides = [1, 1]} : vector<1264x128xf32> to vector<1264x32xf32>
    %logistic3A_76 = arith.negf %slice3A_75 : vector<1264x32xf32>
    %logistic3A_77 = math.exp %logistic3A_76 : vector<1264x32xf32>
    %logistic3A_78 = arith.constant 1.000000e+00 : f32
    %logistic3A_79 = vector.broadcast %logistic3A_78 : f32 to vector<1264x32xf32>
    %logistic3A_80 = arith.addf %logistic3A_79, %logistic3A_77 : vector<1264x32xf32>
    %logistic3A_81 = arith.divf %logistic3A_79, %logistic3A_80 : vector<1264x32xf32>
    %slice3A_82 = vector.extract_strided_slice %add3A_74 {offsets = [0, 32], sizes = [1264, 32], strides = [1, 1]} : vector<1264x128xf32> to vector<1264x32xf32>
    %logistic3A_83 = arith.negf %slice3A_82 : vector<1264x32xf32>
    %logistic3A_84 = math.exp %logistic3A_83 : vector<1264x32xf32>
    %logistic3A_85 = arith.constant 1.000000e+00 : f32
    %logistic3A_86 = vector.broadcast %logistic3A_85 : f32 to vector<1264x32xf32>
    %logistic3A_87 = arith.addf %logistic3A_86, %logistic3A_84 : vector<1264x32xf32>
    %logistic3A_88 = arith.divf %logistic3A_86, %logistic3A_87 : vector<1264x32xf32>
    %slice3A_89 = vector.extract_strided_slice %add3A_74 {offsets = [0, 64], sizes = [1264, 32], strides = [1, 1]} : vector<1264x128xf32> to vector<1264x32xf32>
    %tanh3A_90 = math.tanh %slice3A_89 : vector<1264x32xf32>
    %slice3A_91 = vector.extract_strided_slice %add3A_74 {offsets = [0, 96], sizes = [1264, 32], strides = [1, 1]} : vector<1264x128xf32> to vector<1264x32xf32>
    %logistic3A_92 = arith.negf %slice3A_91 : vector<1264x32xf32>
    %logistic3A_93 = math.exp %logistic3A_92 : vector<1264x32xf32>
    %logistic3A_94 = arith.constant 1.000000e+00 : f32
    %logistic3A_95 = vector.broadcast %logistic3A_94 : f32 to vector<1264x32xf32>
    %logistic3A_96 = arith.addf %logistic3A_95, %logistic3A_93 : vector<1264x32xf32>
    %logistic3A_97 = arith.divf %logistic3A_95, %logistic3A_96 : vector<1264x32xf32>
    %mul3A_98 = arith.mulf %logistic3A_88, %add3A_63 : vector<1264x32xf32>
    %mul3A_99 = arith.mulf %logistic3A_81, %tanh3A_90 : vector<1264x32xf32>
    %add3A_100 = arith.addf %mul3A_98, %mul3A_99 : vector<1264x32xf32>
    %tanh3A_101 = math.tanh %add3A_100 : vector<1264x32xf32>
    %mul3A_102 = arith.mulf %logistic3A_97, %tanh3A_101 : vector<1264x32xf32>
    %dot_general3A_103 = arith.constant dense<0.000000e+00> : vector<1264x128xf32>
    %dot_general3A_104 = tpu.matmul %max3A_18, %get3A_33, %dot_general3A_103 {dimension_numbers = #tpu.dot_dimension_numbers<[1], [1], [0], [0], [0, 0, 1, 0], [], []>, transpose_lhs_hint = false} : vector<1264x16xf32>, vector<128x16xf32>, vector<1264x128xf32> -> vector<1264x128xf32>
    %add3A_105 = vector.broadcast %get3A_39 : vector<1x128xf32> to vector<1264x128xf32>
    %add3A_106 = arith.addf %dot_general3A_104, %add3A_105 : vector<1264x128xf32>
    %add3A_107 = vector.broadcast %get3A_42 : vector<1x128xf32> to vector<1264x128xf32>
    %add3A_108 = arith.addf %add3A_106, %add3A_107 : vector<1264x128xf32>
    %slice3A_109 = vector.extract_strided_slice %add3A_108 {offsets = [0, 0], sizes = [1264, 32], strides = [1, 1]} : vector<1264x128xf32> to vector<1264x32xf32>
    %logistic3A_110 = arith.negf %slice3A_109 : vector<1264x32xf32>
    %logistic3A_111 = math.exp %logistic3A_110 : vector<1264x32xf32>
    %logistic3A_112 = arith.constant 1.000000e+00 : f32
    %logistic3A_113 = vector.broadcast %logistic3A_112 : f32 to vector<1264x32xf32>
    %logistic3A_114 = arith.addf %logistic3A_113, %logistic3A_111 : vector<1264x32xf32>
    %logistic3A_115 = arith.divf %logistic3A_113, %logistic3A_114 : vector<1264x32xf32>
    %slice3A_116 = vector.extract_strided_slice %add3A_108 {offsets = [0, 64], sizes = [1264, 32], strides = [1, 1]} : vector<1264x128xf32> to vector<1264x32xf32>
    %tanh3A_117 = math.tanh %slice3A_116 : vector<1264x32xf32>
    %slice3A_118 = vector.extract_strided_slice %add3A_108 {offsets = [0, 96], sizes = [1264, 32], strides = [1, 1]} : vector<1264x128xf32> to vector<1264x32xf32>
    %logistic3A_119 = arith.negf %slice3A_118 : vector<1264x32xf32>
    %logistic3A_120 = math.exp %logistic3A_119 : vector<1264x32xf32>
    %logistic3A_121 = arith.constant 1.000000e+00 : f32
    %logistic3A_122 = vector.broadcast %logistic3A_121 : f32 to vector<1264x32xf32>
    %logistic3A_123 = arith.addf %logistic3A_122, %logistic3A_120 : vector<1264x32xf32>
    %logistic3A_124 = arith.divf %logistic3A_122, %logistic3A_123 : vector<1264x32xf32>
    %mul3A_125 = arith.mulf %logistic3A_115, %tanh3A_117 : vector<1264x32xf32>
    %add3A_126 = arith.constant 0.000000e+00 : f32
    %add3A_127 = vector.broadcast %add3A_126 : f32 to vector<1264x32xf32>
    %add3A_128 = arith.addf %add3A_127, %mul3A_125 : vector<1264x32xf32>
    %tanh3A_129 = math.tanh %add3A_128 : vector<1264x32xf32>
    %mul3A_130 = arith.mulf %logistic3A_124, %tanh3A_129 : vector<1264x32xf32>
    %dot_general3A_131 = arith.constant dense<0.000000e+00> : vector<1264x128xf32>
    %dot_general3A_132 = tpu.matmul %get3A_1, %get3A_33, %dot_general3A_131 {dimension_numbers = #tpu.dot_dimension_numbers<[1], [1], [0], [0], [0, 0, 1, 0], [], []>, transpose_lhs_hint = false} : vector<1264x16xf32>, vector<128x16xf32>, vector<1264x128xf32> -> vector<1264x128xf32>
    %add3A_133 = vector.broadcast %get3A_39 : vector<1x128xf32> to vector<1264x128xf32>
    %add3A_134 = arith.addf %dot_general3A_132, %add3A_133 : vector<1264x128xf32>
    %dot_general3A_135 = arith.constant dense<0.000000e+00> : vector<1264x128xf32>
    %dot_general3A_136 = tpu.matmul %mul3A_130, %get3A_36, %dot_general3A_135 {dimension_numbers = #tpu.dot_dimension_numbers<[1], [1], [0], [0], [0, 0, 1, 0], [], []>, transpose_lhs_hint = false} : vector<1264x32xf32>, vector<128x32xf32>, vector<1264x128xf32> -> vector<1264x128xf32>
    %add3A_137 = arith.addf %add3A_134, %dot_general3A_136 : vector<1264x128xf32>
    %add3A_138 = vector.broadcast %get3A_42 : vector<1x128xf32> to vector<1264x128xf32>
    %add3A_139 = arith.addf %add3A_137, %add3A_138 : vector<1264x128xf32>
    %slice3A_140 = vector.extract_strided_slice %add3A_139 {offsets = [0, 0], sizes = [1264, 32], strides = [1, 1]} : vector<1264x128xf32> to vector<1264x32xf32>
    %logistic3A_141 = arith.negf %slice3A_140 : vector<1264x32xf32>
    %logistic3A_142 = math.exp %logistic3A_141 : vector<1264x32xf32>
    %logistic3A_143 = arith.constant 1.000000e+00 : f32
    %logistic3A_144 = vector.broadcast %logistic3A_143 : f32 to vector<1264x32xf32>
    %logistic3A_145 = arith.addf %logistic3A_144, %logistic3A_142 : vector<1264x32xf32>
    %logistic3A_146 = arith.divf %logistic3A_144, %logistic3A_145 : vector<1264x32xf32>
    %slice3A_147 = vector.extract_strided_slice %add3A_139 {offsets = [0, 32], sizes = [1264, 32], strides = [1, 1]} : vector<1264x128xf32> to vector<1264x32xf32>
    %logistic3A_148 = arith.negf %slice3A_147 : vector<1264x32xf32>
    %logistic3A_149 = math.exp %logistic3A_148 : vector<1264x32xf32>
    %logistic3A_150 = arith.constant 1.000000e+00 : f32
    %logistic3A_151 = vector.broadcast %logistic3A_150 : f32 to vector<1264x32xf32>
    %logistic3A_152 = arith.addf %logistic3A_151, %logistic3A_149 : vector<1264x32xf32>
    %logistic3A_153 = arith.divf %logistic3A_151, %logistic3A_152 : vector<1264x32xf32>
    %slice3A_154 = vector.extract_strided_slice %add3A_139 {offsets = [0, 64], sizes = [1264, 32], strides = [1, 1]} : vector<1264x128xf32> to vector<1264x32xf32>
    %tanh3A_155 = math.tanh %slice3A_154 : vector<1264x32xf32>
    %slice3A_156 = vector.extract_strided_slice %add3A_139 {offsets = [0, 96], sizes = [1264, 32], strides = [1, 1]} : vector<1264x128xf32> to vector<1264x32xf32>
    %logistic3A_157 = arith.negf %slice3A_156 : vector<1264x32xf32>
    %logistic3A_158 = math.exp %logistic3A_157 : vector<1264x32xf32>
    %logistic3A_159 = arith.constant 1.000000e+00 : f32
    %logistic3A_160 = vector.broadcast %logistic3A_159 : f32 to vector<1264x32xf32>
    %logistic3A_161 = arith.addf %logistic3A_160, %logistic3A_158 : vector<1264x32xf32>
    %logistic3A_162 = arith.divf %logistic3A_160, %logistic3A_161 : vector<1264x32xf32>
    %mul3A_163 = arith.mulf %logistic3A_153, %add3A_128 : vector<1264x32xf32>
    %mul3A_164 = arith.mulf %logistic3A_146, %tanh3A_155 : vector<1264x32xf32>
    %add3A_165 = arith.addf %mul3A_163, %mul3A_164 : vector<1264x32xf32>
    %tanh3A_166 = math.tanh %add3A_165 : vector<1264x32xf32>
    %mul3A_167 = arith.mulf %logistic3A_162, %tanh3A_166 : vector<1264x32xf32>
    %get3A_168 = arith.constant 0 : index
    %get3A_169 = arith.constant 0 : index
    %get3A_170 = vector.load %arg12[%get3A_168, %get3A_169] : memref<1x64xf32, #tpu.memory_space<vmem>>, vector<1x64xf32>
    %slice3A_171 = vector.extract_strided_slice %get3A_170 {offsets = [0, 0], sizes = [1, 32], strides = [1, 1]} : vector<1x64xf32> to vector<1x32xf32>
    %slice3A_172 = vector.extract_strided_slice %get3A_170 {offsets = [0, 32], sizes = [1, 32], strides = [1, 1]} : vector<1x64xf32> to vector<1x32xf32>
    %get3A_173 = arith.constant 0 : index
    %get3A_174 = arith.constant 0 : index
    %get3A_175 = vector.load %arg13[%get3A_173, %get3A_174] : memref<1x1xf32, #tpu.memory_space<vmem>>, vector<1x1xf32>
    %get3A_176 = vector.extract %get3A_175[0, 0] : f32 from vector<1x1xf32>
    %mul3A_177 = vector.broadcast %slice3A_171 : vector<1x32xf32> to vector<1264x32xf32>
    %mul3A_178 = arith.mulf %mul3A_65, %mul3A_177 : vector<1264x32xf32>
    %reduce_sum3A = arith.constant dense<0.000000e+00> : vector<1264xf32>
    %reduce_sum3A_179 = vector.multi_reduction <add>, %mul3A_178, %reduce_sum3A [1] : vector<1264x32xf32> to vector<1264xf32>
    %mul3A_180 = vector.broadcast %slice3A_172 : vector<1x32xf32> to vector<1264x32xf32>
    %mul3A_181 = arith.mulf %mul3A_167, %mul3A_180 : vector<1264x32xf32>
    %reduce_sum3A_182 = arith.constant dense<0.000000e+00> : vector<1264xf32>
    %reduce_sum3A_183 = vector.multi_reduction <add>, %mul3A_181, %reduce_sum3A_182 [1] : vector<1264x32xf32> to vector<1264xf32>
    %add3A_184 = arith.addf %reduce_sum3A_179, %reduce_sum3A_183 : vector<1264xf32>
    %add3A_185 = vector.broadcast %get3A_176 : f32 to vector<1264xf32>
    %add3A_186 = arith.addf %add3A_184, %add3A_185 : vector<1264xf32>
    %mul3A_187 = vector.broadcast %slice3A_171 : vector<1x32xf32> to vector<1264x32xf32>
    %mul3A_188 = arith.mulf %mul3A_102, %mul3A_187 : vector<1264x32xf32>
    %reduce_sum3A_189 = arith.constant dense<0.000000e+00> : vector<1264xf32>
    %reduce_sum3A_190 = vector.multi_reduction <add>, %mul3A_188, %reduce_sum3A_189 [1] : vector<1264x32xf32> to vector<1264xf32>
    %mul3A_191 = vector.broadcast %slice3A_172 : vector<1x32xf32> to vector<1264x32xf32>
    %mul3A_192 = arith.mulf %mul3A_130, %mul3A_191 : vector<1264x32xf32>
    %reduce_sum3A_193 = arith.constant dense<0.000000e+00> : vector<1264xf32>
    %reduce_sum3A_194 = vector.multi_reduction <add>, %mul3A_192, %reduce_sum3A_193 [1] : vector<1264x32xf32> to vector<1264xf32>
    %add3A_195 = arith.addf %reduce_sum3A_190, %reduce_sum3A_194 : vector<1264xf32>
    %add3A_196 = vector.broadcast %get3A_176 : f32 to vector<1264xf32>
    %add3A_197 = arith.addf %add3A_195, %add3A_196 : vector<1264xf32>
    %max3A_198 = arith.maximumf %add3A_186, %add3A_197 : vector<1264xf32>
    %sub3A = arith.subf %add3A_186, %max3A_198 : vector<1264xf32>
    %exp3A = math.exp %sub3A : vector<1264xf32>
    %sub3A_199 = arith.subf %add3A_197, %max3A_198 : vector<1264xf32>
    %exp3A_200 = math.exp %sub3A_199 : vector<1264xf32>
    %add3A_201 = arith.addf %exp3A, %exp3A_200 : vector<1264xf32>
    %div3A = arith.divf %exp3A, %add3A_201 : vector<1264xf32>
    %broadcast_in_dim3A = vector.shape_cast %div3A : vector<1264xf32> to vector<1264x1xf32>
    %mul3A_202 = vector.broadcast %broadcast_in_dim3A : vector<1264x1xf32> to vector<1264x16xf32>
    %mul3A_203 = arith.mulf %mul3A_202, %get3A_1 : vector<1264x16xf32>
    %div3A_204 = arith.divf %exp3A_200, %add3A_201 : vector<1264xf32>
    %broadcast_in_dim3A_205 = vector.shape_cast %div3A_204 : vector<1264xf32> to vector<1264x1xf32>
    %mul3A_206 = vector.broadcast %broadcast_in_dim3A_205 : vector<1264x1xf32> to vector<1264x16xf32>
    %mul3A_207 = arith.mulf %mul3A_206, %max3A_18 : vector<1264x16xf32>
    %add3A_208 = arith.addf %mul3A_203, %mul3A_207 : vector<1264x16xf32>
    %swap3A = arith.constant 0 : index
    %swap3A_209 = arith.constant 0 : index
    %swap3A_210 = vector.load %arg14[%swap3A, %swap3A_209] : memref<1264x16xf32, #tpu.memory_space<vmem>>, vector<1264x16xf32>
    tpu.vector_store %arg14[%swap3A, %swap3A_209], %add3A_208 {strides = array<i32>} : memref<1264x16xf32, #tpu.memory_space<vmem>>, vector<1264x16xf32>,
    return
  }
  func.func @transform_0(%arg0: i32) -> (i32, i32, i32) {
    %c0_i32 = arith.constant 0 : i32
    %c0_i32_0 = arith.constant 0 : i32
    %c0_i32_1 = arith.constant 0 : i32
    return %c0_i32, %arg0, %c0_i32_0 : i32, i32, i32
  }
  func.func @transform_1(%arg0: i32) -> (i32, i32) {
    %c0_i32 = arith.constant 0 : i32
    %c0_i32_0 = arith.constant 0 : i32
    %c0_i32_1 = arith.constant 0 : i32
    return %c0_i32, %c0_i32_0 : i32, i32
  }
  func.func @transform_2(%arg0: i32) -> (i32, i32) {
    %c0_i32 = arith.constant 0 : i32
    %c0_i32_0 = arith.constant 0 : i32
    return %arg0, %c0_i32 : i32, i32
  }
  func.func @transform_3(%arg0: i32) -> (i32, i32) {
    %c0_i32 = arith.constant 0 : i32
    %c0_i32_0 = arith.constant 0 : i32
    %c0_i32_1 = arith.constant 0 : i32
    return %c0_i32, %c0_i32_0 : i32, i32
  }
  func.func @transform_4(%arg0: i32) -> (i32, i32) {
    %c0_i32 = arith.constant 0 : i32
    %c0_i32_0 = arith.constant 0 : i32
    %c0_i32_1 = arith.constant 0 : i32
    return %c0_i32, %c0_i32_0 : i32, i32
  }
  func.func @transform_5(%arg0: i32) -> (i32, i32) {
    %c0_i32 = arith.constant 0 : i32
    %c0_i32_0 = arith.constant 0 : i32
    %c0_i32_1 = arith.constant 0 : i32
    return %c0_i32, %c0_i32_0 : i32, i32
  }
  func.func @transform_6(%arg0: i32) -> (i32, i32) {
    %c0_i32 = arith.constant 0 : i32
    %c0_i32_0 = arith.constant 0 : i32
    %c0_i32_1 = arith.constant 0 : i32
    return %c0_i32, %c0_i32_0 : i32, i32
  }
  func.func @transform_7(%arg0: i32) -> (i32, i32) {
    %c0_i32 = arith.constant 0 : i32
    %c0_i32_0 = arith.constant 0 : i32
    %c0_i32_1 = arith.constant 0 : i32
    return %c0_i32, %c0_i32_0 : i32, i32
  }
  func.func @transform_8(%arg0: i32) -> (i32, i32) {
    %c0_i32 = arith.constant 0 : i32
    %c0_i32_0 = arith.constant 0 : i32
    %c0_i32_1 = arith.constant 0 : i32
    return %c0_i32, %c0_i32_0 : i32, i32
  }
  func.func @transform_9(%arg0: i32) -> (i32, i32) {
    %c0_i32 = arith.constant 0 : i32
    %c0_i32_0 = arith.constant 0 : i32
    %c0_i32_1 = arith.constant 0 : i32
    return %c0_i32, %c0_i32_0 : i32, i32
  }
  func.func @transform_10(%arg0: i32) -> (i32, i32) {
    %c0_i32 = arith.constant 0 : i32
    %c0_i32_0 = arith.constant 0 : i32
    %c0_i32_1 = arith.constant 0 : i32
    return %c0_i32, %c0_i32_0 : i32, i32
  }
  func.func @transform_11(%arg0: i32) -> (i32, i32) {
    %c0_i32 = arith.constant 0 : i32
    %c0_i32_0 = arith.constant 0 : i32
    %c0_i32_1 = arith.constant 0 : i32
    return %c0_i32, %c0_i32_0 : i32, i32
  }
  func.func @transform_12(%arg0: i32) -> (i32, i32) {
    %c0_i32 = arith.constant 0 : i32
    %c0_i32_0 = arith.constant 0 : i32
    %c0_i32_1 = arith.constant 0 : i32
    return %c0_i32, %c0_i32_0 : i32, i32
  }
  func.func @transform_13(%arg0: i32) -> (i32, i32) {
    %c0_i32 = arith.constant 0 : i32
    %c0_i32_0 = arith.constant 0 : i32
    return %arg0, %c0_i32 : i32, i32
  }
}

module attributes {stable_mosaic.version = 14 : i64} {
  func.func @body(%arg0: memref<2x10112x16xf32, #tpu.memory_space<vmem>>, %arg1: memref<40x16xf32, #tpu.memory_space<vmem>>, %arg2: memref<1x40xf32, #tpu.memory_space<vmem>>, %arg3: memref<10112x40xf32, #tpu.memory_space<vmem>>) attributes {dimension_semantics = [], scalar_prefetch = 0 : i64, scratch_operands = 0 : i64, tpu.core_type = #tpu.core_type<tc>} {
    %get3A = arith.constant 0 : index
    %get3A_0 = arith.constant 0 : index
    %get3A_1 = arith.constant 0 : index
    %get3A_2 = vector.load %arg0[%get3A, %get3A_0, %get3A_1] : memref<2x10112x16xf32, #tpu.memory_space<vmem>>, vector<1x10112x16xf32>
    %get3A_3 = vector.shape_cast %get3A_2 : vector<1x10112x16xf32> to vector<10112x16xf32>
    %get3A_4 = arith.constant 1 : index
    %get3A_5 = arith.constant 0 : index
    %get3A_6 = arith.constant 0 : index
    %get3A_7 = vector.load %arg0[%get3A_4, %get3A_5, %get3A_6] : memref<2x10112x16xf32, #tpu.memory_space<vmem>>, vector<1x10112x16xf32>
    %get3A_8 = vector.shape_cast %get3A_7 : vector<1x10112x16xf32> to vector<10112x16xf32>
    %add3A = arith.addf %get3A_3, %get3A_8 : vector<10112x16xf32>
    %get3A_9 = arith.constant 0 : index
    %get3A_10 = arith.constant 0 : index
    %get3A_11 = vector.load %arg1[%get3A_9, %get3A_10] : memref<40x16xf32, #tpu.memory_space<vmem>>, vector<40x16xf32>
    %dot_general3A = arith.constant dense<0.000000e+00> : vector<10112x40xf32>
    %dot_general3A_12 = tpu.matmul %add3A, %get3A_11, %dot_general3A {dimension_numbers = #tpu.dot_dimension_numbers<[1], [1], [0], [0], [0, 0, 1, 0], [], []>, transpose_lhs_hint = false} : vector<10112x16xf32>, vector<40x16xf32>, vector<10112x40xf32> -> vector<10112x40xf32>
    %get3A_13 = arith.constant 0 : index
    %get3A_14 = arith.constant 0 : index
    %get3A_15 = vector.load %arg2[%get3A_13, %get3A_14] : memref<1x40xf32, #tpu.memory_space<vmem>>, vector<1x40xf32>
    %add3A_16 = vector.broadcast %get3A_15 : vector<1x40xf32> to vector<10112x40xf32>
    %add3A_17 = arith.addf %dot_general3A_12, %add3A_16 : vector<10112x40xf32>
    %reduce_max3A = arith.constant dense<0xFF800000> : vector<10112xf32>
    %reduce_max3A_18 = vector.multi_reduction <maximumf>, %add3A_17, %reduce_max3A [1] : vector<10112x40xf32> to vector<10112xf32>
    %broadcast_in_dim3A = vector.shape_cast %reduce_max3A_18 : vector<10112xf32> to vector<10112x1xf32>
    %sub3A = vector.broadcast %broadcast_in_dim3A : vector<10112x1xf32> to vector<10112x40xf32>
    %sub3A_19 = arith.subf %add3A_17, %sub3A : vector<10112x40xf32>
    %exp3A = math.exp %sub3A_19 : vector<10112x40xf32>
    %reduce_sum3A = arith.constant dense<0.000000e+00> : vector<10112xf32>
    %reduce_sum3A_20 = vector.multi_reduction <add>, %exp3A, %reduce_sum3A [1] : vector<10112x40xf32> to vector<10112xf32>
    %broadcast_in_dim3A_21 = vector.shape_cast %reduce_sum3A_20 : vector<10112xf32> to vector<10112x1xf32>
    %log3A = math.log %broadcast_in_dim3A_21 : vector<10112x1xf32>
    %sub3A_22 = vector.broadcast %log3A : vector<10112x1xf32> to vector<10112x40xf32>
    %sub3A_23 = arith.subf %sub3A_19, %sub3A_22 : vector<10112x40xf32>
    %swap3A = arith.constant 0 : index
    %swap3A_24 = arith.constant 0 : index
    %swap3A_25 = vector.load %arg3[%swap3A, %swap3A_24] : memref<10112x40xf32, #tpu.memory_space<vmem>>, vector<10112x40xf32>
    tpu.vector_store %arg3[%swap3A, %swap3A_24], %sub3A_23 {strides = array<i32>} : memref<10112x40xf32, #tpu.memory_space<vmem>>, vector<10112x40xf32>,
    return
  }
}

</mosaic_0001>

<sc_bundles>
// kernel: kernel.12.cloned.1.call-start
scs
__scs_entry_jumppad:
0x0: {  	(pc) =	sbr.rel $0x88, $3  }
0x1: {  	(tag) =	ssettag $0x0;
	lr =	simm.s32 $0x1  }
0x2: {  	[smem:$0x3F8F] =	sst lr;
	_ =	strace $0xD0000000  }
0x3: {  	_ = 	snop  }
0x4: {  	_ = 	snop  }
0x5: {  	_ = 	snop  }
0x6: {  	_ = 	snop  }
0x7: {  	_ = 	snop  }
__scs_overlays_trampoline_lowered:
0x8: {  	[smem:$0x3F9E] =	sst s0  }
0x9: {  	[smem:$0x3F9F] =	sst s1  }
0xa: {  	[smem:$0x3FA0] =	sst s2  }
0xb: {  	[smem:$0x3FA1] =	sst s3  }
0xc: {  	[smem:$0x3FA2] =	sst s4  }
0xd: {  	[smem:$0x3FA3] =	sst s5  }
0xe: {  	[smem:$0x3FA4] =	sst s6  }
0xf: {  	[smem:$0x3FA5] =	sst s7  }
0x10: {  	[smem:$0x3FA6] =	sst s8  }
0x11: {  	[smem:$0x3FA7] =	sst s9;
	s0 =	simm.s32 @!p0 $0x0  }
0x12: {  	s1 =	sld [smem:$0x3F8D];
	s0 =	simm.s32 @p0 $0x1  }
0x13: {  	[smem:$0x3FA8] =	sst s0;
	s0 =	simm.s32 @!p1 $0x0  }
0x14: {  	s2 =	sld [smem:$0x3F8C];
	s0 =	simm.s32 @p1 $0x1  }
0x15: {  	[smem:$0x3FA9] =	sst s0;
	s0 =	simm.s32 @!p2 $0x0  }
0x16: {  	s3 =	sld [smem:$0x3FDB];
	s0 =	simm.s32 @p2 $0x1  }
0x17: {  	s4 =	simm.s32 $0x1BF5;
	[smem:$0x3FAB] =	sst s0  }
0x18: {  	s0 =	sld [smem:$0x3F8E];
	_ =	swait.ge [sflag:s4], $0x0  }
0x19: {  	s7 =	sld [smem:$0x3F8F]  }
0x1a: {  	s8 =	sadd.s32 $0xFFFFE003, lr  }
0x1b: {  	s9 =	sadd.s32 $0xFFFFFEF7, lr;
	s5 =	simm.s32 $0xFFFFFFFF;
	p2 =	slt.u32 s8, $0xFFFFF086  }
0x1c: {  	p1 =	slt.u32 s9, $0xF7A;
	s5 =	simm.s32 @!p2 $0x0  }
0x1d: {  	s5 =	simm.s32 @p1 $0x1;
	p0 =	seq.s32 s7, s2  }
0x1e: {  	s7 =	smul.u32 @!p0 $0xF7A, s2;
	p2 =	seq.s32 @!p0 s5, $0x0  }
0x1f: {  	s9 =	smul.u32 $0xF7A, s1;
	s8 =	simm.s32 @!p0 $0x1BF5;
	p2 =	por !p2, p0  }
0x20: {  	[sflag:s8] =	ssyncset.s32 @!p0 $0xFFFFF086;
	s6 =	sadd.s32 @!p0 s3, s7;
	s7 =	simm.s32 @!p0 $0x108  }
0x21: {  	s3 =	sadd.s32 s3, s9;
	s6 =	sadd.s32 @!p0 $0x88, s6;
	s7 =	simm.s32 @p2 $0x1082  }
0x22: {  	[simem:s7], [sflag:s8] =	dma.local @!p0 [hbm:s6], $0xF7A  }
0x23: {  	s9 =	sor.u32 $0xD0000000, s2;
	s6 =	simm.s32 $0x108;
	_ =	swait.ge @!p0 [sflag:s8], $0x0  }
0x24: {  	s3 =	sadd.s32 $0x88, s3;
	s6 =	simm.s32 @!p1 $0x1082;
	[sflag:s4] =	ssyncset.s32 $0xFFFFF086  }
0x25: {  	[simem:s6], [sflag:s4] =	dma.local [hbm:s3], $0xF7A  }
0x26: {  	[smem:$0x3F8F] =	sst s1;
	(tag) =	ssettag s2;
	_ =	strace s9  }
0x27: {  	s1 =	sld [smem:$0x3F9F]  }
0x28: {  	s2 =	sld [smem:$0x3FA0]  }
0x29: {  	s4 =	sld [smem:$0x3FA2]  }
0x2a: {  	p0 =	seq.s32 s5, $0x0;
	s5 =	sld [smem:$0x3FA3]  }
0x2b: {  	s6 =	sld [smem:$0x3FA4]  }
0x2c: {  	s7 =	sld [smem:$0x3FA5]  }
0x2d: {  	s3 =	simm.s32 $0x108;
	s8 =	sld [smem:$0x3FA6]  }
0x2e: {  	s3 =	simm.s32 @!p0 $0x1082;
	s9 =	sld [smem:$0x3FA7]  }
0x2f: {  	lr =	sadd.s32 s0, s3;
	s0 =	sld [smem:$0x3F9E]  }
0x30: {  	s3 =	sld [smem:$0x3FA1]  }
0x31: {  	[smem:$0x3FAA] =	sst s10  }
0x32: {  	s10 =	sld [smem:$0x3FA8];
	_ =	sdelay $0x3  }
0x33: {  	p0 =	seq.s32 s10, $0x1;
	s10 =	sld [smem:$0x3FAA];
	_ =	sdelay $0x3  }
0x34: {  	[smem:$0x3FAA] =	sst s10  }
0x35: {  	s10 =	sld [smem:$0x3FA9];
	_ =	sdelay $0x3  }
0x36: {  	p1 =	seq.s32 s10, $0x1;
	s10 =	sld [smem:$0x3FAA];
	_ =	sdelay $0x3  }
0x37: {  	[smem:$0x3FAA] =	sst s10  }
0x38: {  	s10 =	sld [smem:$0x3FAB]  }
0x39: {  	_ = 	snop;
	(pc) =	sbr.ind lr, $3  }
0x3a: {  	_ = 	snop  }
0x3b: {  	_ = 	snop  }
0x3c: {  	p2 =	seq.s32 s10, $0x1;
	s10 =	sld [smem:$0x3FAA]  }
0x3d: {  	_ =	shalt  }
0x3e: {  	_ =	shalt  }
0x3f: {  	_ =	shalt  }
0x40: {  	_ =	shalt  }
0x41: {  	_ =	shalt  }
0x42: {  	_ =	shalt  }
0x43: {  	_ =	shalt  }
0x44: {  	_ =	shalt  }
0x45: {  	_ =	shalt  }
0x46: {  	_ =	shalt  }
0x47: {  	_ =	shalt  }
0x48: {  	_ =	shalt  }
0x49: {  	_ =	shalt  }
0x4a: {  	_ =	shalt  }
0x4b: {  	_ =	shalt  }
0x4c: {  	_ =	shalt  }
0x4d: {  	_ =	shalt  }
0x4e: {  	_ =	shalt  }
0x4f: {  	_ =	shalt  }
0x50: {  	_ =	shalt  }
0x51: {  	_ =	shalt  }
0x52: {  	_ =	shalt  }
0x53: {  	_ =	shalt  }
0x54: {  	_ =	shalt  }
0x55: {  	_ =	shalt  }
0x56: {  	_ =	shalt  }
0x57: {  	_ =	shalt  }
0x58: {  	_ =	shalt  }
0x59: {  	_ =	shalt  }
0x5a: {  	_ =	shalt  }
0x5b: {  	_ =	shalt  }
0x5c: {  	_ =	shalt  }
0x5d: {  	_ =	shalt  }
0x5e: {  	_ =	shalt  }
0x5f: {  	_ =	shalt  }
0x60: {  	_ =	shalt  }
0x61: {  	_ =	shalt  }
0x62: {  	_ =	shalt  }
0x63: {  	_ =	shalt  }
0x64: {  	_ =	shalt  }
0x65: {  	_ =	shalt  }
0x66: {  	_ =	shalt  }
0x67: {  	_ =	shalt  }
0x68: {  	_ =	shalt  }
0x69: {  	_ =	shalt  }
0x6a: {  	_ =	shalt  }
0x6b: {  	_ =	shalt  }
0x6c: {  	_ =	shalt  }
0x6d: {  	_ =	shalt  }
0x6e: {  	_ =	shalt  }
0x6f: {  	_ =	shalt  }
0x70: {  	_ =	shalt  }
0x71: {  	_ =	shalt  }
0x72: {  	_ =	shalt  }
0x73: {  	_ =	shalt  }
0x74: {  	_ =	shalt  }
0x75: {  	_ =	shalt  }
0x76: {  	_ =	shalt  }
0x77: {  	_ =	shalt  }
0x78: {  	_ =	shalt  }
0x79: {  	_ =	shalt  }
0x7a: {  	_ =	shalt  }
0x7b: {  	_ =	shalt  }
0x7c: {  	_ =	shalt  }
0x7d: {  	_ =	shalt  }
0x7e: {  	_ =	shalt  }
0x7f: {  	_ =	shalt  }
0x80: {  	_ =	shalt  }
0x81: {  	_ =	shalt  }
0x82: {  	_ =	shalt  }
0x83: {  	_ =	shalt  }
0x84: {  	_ =	shalt  }
0x85: {  	_ =	shalt  }
0x86: {  	_ =	shalt  }
0x87: {  	_ =	shalt  }
.Lfunc_end0:
.L_simem_size_0:
called_computation.1_lowered:
.L_overlay_start_0:
0x88: {  	s2 =	sld [smem:$0x3FD9]  }
0x89: {  	s3 =	sld [smem:$0x3FFE];
	_ =	sdelay $0x1  }
0x8a: {  	s1 =	srdreg.scid  }
0x8b: {  	s0 =	sand.u32 $0x1, s1  }
0x8c: {  	s17 =	sshll.u32 s0, $0xA;
	s2 =	sadd.s32 s3, s2  }
0x8d: {  	s2 =	sadd.s32 s2, s17  }
0x8e: {  	[smem:$0x3FB6] =	sst s2  }
0x8f: {  	_ = 	snop  }
0x90: {  	s2 =	sld [smem:$0x3FD0];
	(tm) =	ssettm $0x1  }
0x91: {  	s18 =	sld [smem:$0x3FFB];
	_ =	sdelay $0x3  }
0x92: {  	_ =	strace s18  }
0x93: {  	s3 =	sld [smem:$0x3FFC];
	_ =	sdelay $0x3  }
0x94: {  	_ =	strace s3  }
0x95: {  	s3 =	sld [smem:$0x3FFD];
	_ =	sdelay $0x3  }
0x96: {  	_ =	strace s3  }
0x97: {  	_ =	strace $0x8FFFFFFF  }
0x98: {  	s19 =	sld [smem:$0x3FDB];
	_ =	sdelay $0x1  }
0x99: {  	s4 =	simm.s32 $_scs_section_size  }
0x9a: {  	s5 =	simm.s32 $_size__tile_overlayer_lowered;
	s6 =	simm.s32 $_tile_overlayer_lowered  }
0x9b: {  	s22 =	simm.s32 $0x1BFF;
	s21 =	sshll.u32 s6, $0x1;
	s3 =	sadd.s32 s4, s19  }
0x9c: {  	s7 =	simm.s32 $0x0;
	s20 =	sshll.u32 s5, $0x1;
	s5 =	sadd.s32 s21, s3  }
0x9d: {  	[timem:s7], [sflag:s22] =	dma.local [hbm:s5], s20  }
0x9e: {  	_ =	swait.ge [sflag:s22], s20  }
0x9f: {  	s4 =	ssub.s32 $0x0, s20;
	[sflag:s22] =	ssyncset.done $0x0  }
0xa0: {  	[sflag:s22] =	ssyncadd.s32 s4;
	_ =	sdelay $0x1  }
0xa1: {  	s23 =	simm.s32 $0x1B8B  }
0xa2: {  	_ =	swait.ge [sflag:s23], $0x1  }
0xa3: {  	[sflag:s23] =	ssyncset.done $0x0  }
0xa4: {  	s25 =	simm.s32 $0x1B8E;
	s24 =	sld [smem:$0x3FFE];
	[sflag:s23] =	ssyncadd.s32 $0xFFFFFFFF  }
0xa5: {  	s26 =	simm.s32 $execute0_lowered;
	[smem:$0x3FD2] =	sst s25  }
0xa6: {  	s5 =	sshll.u32 s26, $0x1;
	_ =	strace $0x80000049;
	[dreg:$0x1] =	wrdreg $0xFFFFFFFF  }
0xa7: {  	s28 =	simm.s32 $_size_execute0_lowered;
	s3 =	sadd.s32 s3, s5;
	[dreg:$0x0] =	wrdreg $0x0  }
0xa8: {  	s5 =	sshll.u32 s28, $0x1;
	[dreg:$0x2] =	wrdreg s3  }
0xa9: {  	[dreg:$0x3] =	wrdreg s5  }
0xaa: {  	[dreg:$0x4] =	wrdreg $0xC0  }
0xab: {  	_ =	task [dreg:s7], $0x5FFFF  }
0xac: {  	[dreg:$0x1] =	wrdreg $0xFFFFFFFF  }
0xad: {  	[dreg:$0x0] =	wrdreg $0x60  }
0xae: {  	[dreg:$0x2] =	wrdreg s2  }
0xaf: {  	[dreg:$0x3] =	wrdreg s24  }
0xb0: {  	[dreg:$0x4] =	wrdreg $0xD8800  }
0xb1: {  	[dreg:$0x5] =	wrdreg $0x100000  }
0xb2: {  	[dreg:$0x6] =	wrdreg $0x9  }
0xb3: {  	_ =	task.clear_ibuf [dreg:s7], $0x7FFFF;
	_ =	strace $0x90000049  }
0xb4: {  	s29 =	simm.s32 $0x9;
	_ =	strace $0x8000004B  }
0xb5: {  	_ =	swait.ge [sflag:s29], $0x1  }
0xb6: {  	[sflag:s29] =	ssyncadd.s32 $0xFFFFFFFF  }
0xb7: {  	_ =	strace $0x9000004B  }
0xb8: {  	_ =	sfence  }
0xb9: {  	s30 =	sld [smem:$0x0];
	_ =	sdelay $0x2  }
0xba: {  	s31 =	sshll.u32 s1, $0xD;
	s1 =	sshrl.u32 s1, $0x2  }
0xbb: {  	s3 =	sand.u32 $0x4000, s31;
	s1 =	sadd.s32 s1, s30  }
0xbc: {  	s0 =	sor.u32 s3, s0;
	s1 =	sshll.u32 s1, $0x11  }
0xbd: {  	s0 =	sor.u32 s1, s0  }
0xbe: {  	s0 =	sadd.s32 $0x8F2B, s0  }
0xbf: {  	[sflag:s0] =	ssyncadd.remote.s32 $0x1  }
0xc0: {  	_ =	sfence.sel $0xFFFF  }
0xc1: {  	[dreg:$0x0] =	wrdreg $0xFFFFFFFF;
	(pc) =	sbr.abs _section_cstart, $3  }
0xc2: {  	[dreg:$0x1] =	wrdreg $0xFFFFFFFF  }
0xc3: {  	_ =	task.clear_ibuf [dreg:s7], $0x2FFFF;
	_ =	strace $0x9FFFFFFF  }
0xc4: {  	(tm) =	ssettm $0x7FFFFFFF  }
0xc5: {  	_ =	shalt  }
tec
execute0_lowered:
.L_overlay_start_1:
0x0: {  	(tag) =	ssettag $0x1  }
0x1: {  	s9 =	rddreg [dreg:$0x0]  }
0x2: {  	s5 =	rddreg [dreg:$0x1]  }
0x3: {  	s1 =	srdreg.scid;
	s2 =	rddreg [dreg:$0x2]  }
0x4: {  	s0 =	stileid.u32;
	s3 =	rddreg [dreg:$0x3];
	s4 =	simm.s32 $0x0  }
0x5: {  	s15 =	simm.s32 $0xB100;
	s16 =	simm.s32 $0x2900;
	s17 =	simm.s32 $0x80  }
0x6: {  	s18 =	simm.s32 $0x5200;
	s19 =	simm.s32 $0x1;
	s20 =	simm.s32 $0x5A00  }
0x7: {  	s21 =	simm.s32 $0x2;
	s22 =	simm.s32 $0x2880;
	s23 =	simm.s32 $0x5100  }
0x8: {  	s26 =	simm.s32 $0x0;
	s6 =	sand.u32 $0x1, s1;
	s1 =	rddreg [dreg:$0x4]  }
0x9: {  	s29 =	sshll.u32 s0, $0x1;
	[smem:$0x7FF] =	sst s4;
	s8 =	smul.u32 $0x2780, s0  }
0xa: {  	s7 =	sor.u32 s6, s29;
	_ =	strace $0x8000004A;
	s30 =	smul.u32 $0x4F00, s6  }
0xb: {  	s6 =	ssub.s32 $0x2, s6;
	s10 =	smul.u32 $0x520, s7;
	s24 =	sshrl.u32 s8, $0x3  }
0xc: {  	s31 =	sshrl.u32 s6, $0x1;
	s7 =	sadd.s32 s8, s2;
	s8 =	sadd.s32 s8, s3  }
0xd: {  	s12 =	sadd.s32 s24, s5;
	s13 =	sadd.s32 s30, s5;
	s14 =	ssub.s32 s6, s31  }
0xe: {  	s11 =	sadd.s32 s10, s5;
	s5 =	sadd.s32 $0x1BC00, s12;
	s6 =	sadd.s32 $0x2A00, s12  }
0xf: {  	s9 =	sadd.s32 s9, s10;
	s25 =	sadd.s32 $0x11E00, s13;
	s12 =	simm.s32 $0x6200  }
0x10: {  	s13 =	simm.s32 $0x3;
	s10 =	sadd.s32 $0x7A00, s11;
	s11 =	smax.u32 s14, $0x1  }
0x11: {  	v0 =	vimm.f32 $0.0e+00;
	s14 =	simm.s32 $0x8980;
	s24 =	sadd.s32 s24, s25;
	s25 =	simm.s32 $0x5180  }
.LBB2_1:
0x12: {  	s28 =	simm.s32 $0x40;
	s29 =	simm.s32 $0x0  }
.LBB2_2:
0x13: {  	p0 =	sne.s32 s28, $0x9DC0;
	[tilespmem:s29+$0xB100] =	vst v0;
	s29 =	smov.u32 s28;
	s28 =	sadd.s32 $0x40, s28  }
.Ltmp0:
0x14: {  	(pc) =	sbr.rel @p0 .LBB2_2-.Ltmp0, $2  }
0x15: {  	_ =	sdelay $0x2  }
0x16: {  	s29 =	sshra.s32 s29, $0x2  }
0x17: {  	[tilespmem:s29+$0xB100] =	vst v0;
	s28 =	simm.s32 $0x0  }
0x18: {  	[tilespmem:s12], [sflag:$0x3] =	stream.linear.gather [hbm4b:s5+s28], $0x2780, $0x38;
	[tilespmem:$0x12780] =	vst v63  }
0x19: {  	_ =	swait.ge [sflag:s13], $0x2780  }
0x1a: {  	[sflag:s13] =	ssyncset.done $0x0  }
0x1b: {  	[sflag:s13] =	ssyncadd.s32 $0xFFFFD880  }
0x1c: {  	[tilespmem:s14], [sflag:$0x3] =	stream.linear.gather [hbm4b:s6+s28], $0x2780, $0x38;
	[tilespmem:$0x12780] =	vst v63  }
0x1d: {  	_ =	swait.ge [sflag:s13], $0x2780  }
0x1e: {  	[sflag:s13] =	ssyncset.done $0x0  }
0x1f: {  	s28 =	simm.s32 $0x0;
	[sflag:s13] =	ssyncadd.s32 $0xFFFFD880  }
0x20: {  	s29 =	simm.s32 $0x40;
	v1 =	vld [tilespmem:s28+$0x6200]  }
.LBB2_4:
0x21: {  	p0 =	sne.s32 s29, $0x9DC0;
	v2 =	vld [tilespmem:s28+$0x8980];
	_ =	sdelay $0x2  }
.Ltmp1:
0x22: {  	(pc) =	sbr.rel @p0 .LBB2_4-.Ltmp1, $4  }
0x23: {  	_ = 	snop  }
0x24: {  	v2 =	vmul.f32 v1, v2  }
0x25: {  	s30 =	sshra.s32 s29, $0x2  }
0x26: {  	s29 =	sadd.s32 $0x40, s29;
	v1 =	vld [tilespmem:s30+$0x6200];
	[tilespmem:s28+$0x8980] =	vst v2;
	s28 =	smov.u32 s30  }
0x27: {  	v2 =	vld [tilespmem:s28+$0x8980];
	_ =	sdelay $0x4  }
0x28: {  	v1 =	vmul.f32 v1, v2;
	_ =	sdelay $0x1  }
0x29: {  	[tilespmem:s28+$0x8980] =	vst v1  }
0x2a: {  	[spmem:s7] =	stream.linear.scatter [tilespmem:s14], [sflag:$0x3], $0x2780, $0x38;
	[tilespmem:$0x12780] =	vst v63  }
0x2b: {  	_ =	swait.ge [sflag:s13], $0x2780  }
0x2c: {  	[sflag:s13] =	ssyncset.done $0x0  }
0x2d: {  	[sflag:s13] =	ssyncadd.s32 $0xFFFFD880  }
0x2e: {  	[spmem:s8] =	stream.linear.scatter [tilespmem:s15], [sflag:$0x3], $0x2780, $0x38;
	[tilespmem:$0x12780] =	vst v63  }
0x2f: {  	_ =	swait.ge [sflag:s13], $0x2780  }
0x30: {  	[sflag:s13] =	ssyncset.done $0x0  }
0x31: {  	[sflag:s13] =	ssyncadd.s32 $0xFFFFD880  }
0x32: {  	s28 =	simm.s32 $0x0;
	[bflag:$0x0] =	sbarrier.arrive $0xFFFF  }
0x33: {  	[tilespmem:s28], [sflag:$0x3] =	stream.linear.gather [hbm4b:s9+s28], $0x2900, $0x38;
	[tilespmem:$0x12780] =	vst v63  }
0x34: {  	_ =	swait.ge [sflag:s13], $0x2900  }
0x35: {  	[sflag:s13] =	ssyncset.done $0x0  }
0x36: {  	[sflag:s13] =	ssyncadd.s32 $0xFFFFD700  }
0x37: {  	[tilespmem:s16], [sflag:$0x3] =	stream.linear.gather [hbm4b:s10+s28], $0x2900, $0x38;
	[tilespmem:$0x12780] =	vst v63  }
0x38: {  	_ =	swait.ge [sflag:s13], $0x2900  }
0x39: {  	[sflag:s13] =	ssyncset.done $0x0  }
0x3a: {  	[sflag:s13] =	ssyncadd.s32 $0xFFFFD700  }
0x3b: {  	[tilespmem:s18], [sflag:$0x1] =	stream.indirect.gather [spmem:s2], $0x10, s28, s17, $0xb8;
	[tilespmem:$0x12780] =	vst v63  }
0x3c: {  	_ =	swait.ge [sflag:s19], $0x800  }
0x3d: {  	[sflag:s19] =	ssyncset.done $0x0  }
0x3e: {  	s28 =	simm.s32 $0x80;
	[sflag:s19] =	ssyncadd.s32 $0xFFFFF800  }
0x3f: {  	[tilespmem:s20], [sflag:$0x2] =	stream.indirect.gather [spmem:s2], $0x10, s28, s17, $0xb8;
	[tilespmem:$0x12780] =	vst v63  }
0x40: {  	s28 =	simm.s32 $0x2900  }
0x41: {  	[spmem:s3] =	stream.indirect.scatter.add.f32 [tilespmem:s18], [sflag:$0x3], $0x10, s28, s17, $0xb8;
	[tilespmem:$0x12780] =	vst v63  }
0x42: {  	_ =	swait.ge [sflag:s13], $0x800  }
0x43: {  	[sflag:s13] =	ssyncset.done $0x0  }
0x44: {  	[sflag:s13] =	ssyncadd.s32 $0xFFFFF800  }
0x45: {  	_ =	swait.ge [sflag:s21], $0x800  }
0x46: {  	[sflag:s21] =	ssyncset.done $0x0  }
0x47: {  	s28 =	simm.s32 $0x100;
	[sflag:s21] =	ssyncadd.s32 $0xFFFFF800  }
0x48: {  	[tilespmem:s18], [sflag:$0x1] =	stream.indirect.gather [spmem:s2], $0x10, s28, s17, $0xb8;
	[tilespmem:$0x12780] =	vst v63  }
0x49: {  	s28 =	simm.s32 $0x2980  }
0x4a: {  	[spmem:s3] =	stream.indirect.scatter.add.f32 [tilespmem:s20], [sflag:$0x3], $0x10, s28, s17, $0xb8;
	[tilespmem:$0x12780] =	vst v63  }
0x4b: {  	_ =	swait.ge [sflag:s13], $0x800  }
0x4c: {  	s28 =	simm.s32 $0x400;
	[sflag:s13] =	ssyncset.done $0x0  }
.LBB2_6:
0x4d: {  	p0 =	sne.s32 s28, $0x9C00  }
0x4e: {  	[sflag:s13] =	ssyncadd.s32 $0xFFFFF800;
	s29 =	smov.u32 s28;
	s28 =	sadd.s32 $0x400, s28  }
0x4f: {  	_ = 	snop  }
0x50: {  	_ =	swait.ge [sflag:s19], $0x800  }
0x51: {  	s29 =	sshra.s32 s29, $0x2;
	[sflag:s19] =	ssyncset.done $0x0  }
0x52: {  	s30 =	sadd.s32 $0x80, s29;
	[sflag:s19] =	ssyncadd.s32 $0xFFFFF800  }
0x53: {  	[tilespmem:s20], [sflag:$0x2] =	stream.indirect.gather [spmem:s2], $0x10, s30, s17, $0xb8;
	[tilespmem:$0x12780] =	vst v63  }
0x54: {  	s30 =	sadd.s32 $0x2900, s29  }
0x55: {  	[spmem:s3] =	stream.indirect.scatter.add.f32 [tilespmem:s18], [sflag:$0x3], $0x10, s30, s17, $0xb8;
	[tilespmem:$0x12780] =	vst v63  }
0x56: {  	_ =	swait.ge [sflag:s13], $0x800  }
0x57: {  	[sflag:s13] =	ssyncset.done $0x0  }
0x58: {  	[sflag:s13] =	ssyncadd.s32 $0xFFFFF800  }
0x59: {  	_ =	swait.ge [sflag:s21], $0x800  }
0x5a: {  	[sflag:s21] =	ssyncset.done $0x0  }
0x5b: {  	s30 =	sadd.s32 $0x100, s29;
	[sflag:s21] =	ssyncadd.s32 $0xFFFFF800  }
0x5c: {  	[tilespmem:s18], [sflag:$0x1] =	stream.indirect.gather [spmem:s2], $0x10, s30, s17, $0xb8;
	[tilespmem:$0x12780] =	vst v63  }
.Ltmp2:
0x5d: {  	_ = 	snop;
	(pc) =	sbr.rel @p0 .LBB2_6-.Ltmp2, $4  }
0x5e: {  	s29 =	sadd.s32 $0x2980, s29  }
0x5f: {  	[spmem:s3] =	stream.indirect.scatter.add.f32 [tilespmem:s20], [sflag:$0x3], $0x10, s29, s17, $0xb8;
	[tilespmem:$0x12780] =	vst v63  }
0x60: {  	_ =	swait.ge [sflag:s13], $0x800  }
0x61: {  	[sflag:s13] =	ssyncset.done $0x0  }
0x62: {  	[sflag:s13] =	ssyncadd.s32 $0xFFFFF800  }
0x63: {  	_ =	swait.ge [sflag:s19], $0x800  }
0x64: {  	[sflag:s19] =	ssyncset.done $0x0  }
0x65: {  	[sflag:s19] =	ssyncadd.s32 $0xFFFFF800  }
0x66: {  	[tilespmem:s20], [sflag:$0x2] =	stream.indirect.gather [spmem:s2], $0x10, s22, s17, $0xb8;
	[tilespmem:$0x12780] =	vst v63  }
0x67: {  	_ = 	snop  }
0x68: {  	[spmem:s3] =	stream.indirect.scatter.add.f32 [tilespmem:s18], [sflag:$0x3], $0x10, s23, s17, $0xb8;
	[tilespmem:$0x12780] =	vst v63  }
0x69: {  	_ =	swait.ge [sflag:s13], $0x800  }
0x6a: {  	[sflag:s13] =	ssyncset.done $0x0  }
0x6b: {  	[sflag:s13] =	ssyncadd.s32 $0xFFFFF800  }
0x6c: {  	_ =	swait.ge [sflag:s21], $0x800  }
0x6d: {  	[sflag:s21] =	ssyncset.done $0x0  }
0x6e: {  	[sflag:s21] =	ssyncadd.s32 $0xFFFFF800  }
0x6f: {  	[spmem:s3] =	stream.indirect.scatter.add.f32 [tilespmem:s20], [sflag:$0x3], $0x10, s25, s17, $0xb8;
	[tilespmem:$0x12780] =	vst v63  }
0x70: {  	_ =	swait.ge [sflag:s13], $0x800  }
0x71: {  	[sflag:s13] =	ssyncset.done $0x0  }
0x72: {  	[sflag:s13] =	ssyncadd.s32 $0xFFFFF800  }
0x73: {  	[bflag:$0x0] =	sbarrier.arrive $0xFFFF  }
0x74: {  	[tilespmem:s14], [sflag:$0x3] =	stream.linear.gather [spmem:s8], $0x2780, $0x38;
	[tilespmem:$0x12780] =	vst v63  }
0x75: {  	_ =	swait.ge [sflag:s13], $0x2780  }
0x76: {  	[sflag:s13] =	ssyncset.done $0x0  }
0x77: {  	s28 =	simm.s32 $0x0;
	[sflag:s13] =	ssyncadd.s32 $0xFFFFD880  }
0x78: {  	s29 =	simm.s32 $0x40;
	v1 =	vld [tilespmem:s28+$0x6200]  }
.LBB2_8:
0x79: {  	p0 =	sne.s32 s29, $0x9DC0;
	v2 =	vld [tilespmem:s28+$0x8980];
	_ =	sdelay $0x2  }
.Ltmp3:
0x7a: {  	(pc) =	sbr.rel @p0 .LBB2_8-.Ltmp3, $4  }
0x7b: {  	_ = 	snop  }
0x7c: {  	v2 =	vmul.f32 v1, v2  }
0x7d: {  	s30 =	sshra.s32 s29, $0x2  }
0x7e: {  	s29 =	sadd.s32 $0x40, s29;
	v1 =	vld [tilespmem:s30+$0x6200];
	[tilespmem:s28+$0x8980] =	vst v2;
	s28 =	smov.u32 s30  }
0x7f: {  	v2 =	vld [tilespmem:s28+$0x8980];
	_ =	sdelay $0x4  }
0x80: {  	s26 =	sadd.s32 $0x1, s26;
	v1 =	vmul.f32 v1, v2  }
0x81: {  	p0 =	sne.s32 s26, s11  }
.Ltmp4:
0x82: {  	[tilespmem:s28+$0x8980] =	vst v1;
	(pc) =	sbr.rel @p0 .LBB2_1-.Ltmp4, $4  }
0x83: {  	[hbm4b:s24+s4] =	stream.linear.scatter [tilespmem:s14], [sflag:$0x3], $0x2780, $0x38;
	[tilespmem:$0x12780] =	vst v63  }
0x84: {  	_ =	swait.ge [sflag:s13], $0x2780  }
0x85: {  	[sflag:s13] =	ssyncset.done $0x0  }
0x86: {  	[sflag:s13] =	ssyncadd.s32 $0xFFFFD880  }
0x87: {  	_ =	sfence.sel $0x180000  }
0x88: {  	[bflag:$0x0] =	sbarrier.arrive $0xFFFF  }
0x89: {  	p0 =	sne.s32 s0, $0x0;
	_ =	strace $0x9000004A  }
0x8a: {  	s0 =	sadd.s32 @!p0 $0x100000, s1;
	[bflag:$0x2] =	sbarrier.arrive $0xFFFF  }
0x8b: {  	[sflag:s0] =	ssyncadd.tile.s32 @!p0 $0x1;
	_ =	shalt  }
.Lfunc_end2:
_tile_overlayer_lowered:
.L_overlay_start_2:
0x8c: {  	(tag) =	ssettag $0x2  }
0x8d: {  	s0 =	rddreg [dreg:$0x0];
	s2 =	stileid.u32  }
0x8e: {  	s1 =	rddreg [dreg:$0x1];
	p0 =	sne.s32 s2, $0x0  }
0x8f: {  	s3 =	rddreg [dreg:$0x2];
	[bflag:$0x3] =	sbarrier.arrive $0xFFFF;
	s2 =	simm.s32 @!p0 $0x1C03  }
0x90: {  	[timem:s3], [sflag:s2] =	dma.local @!p0 [hbm:s0], s1  }
0x91: {  	s0 =	simm.s32 @!p0 $0x3  }
0x92: {  	_ =	swait.ge @!p0 [sflag:s0], s1  }
0x93: {  	s1 =	ssub.s32 @!p0 $0x0, s1;
	[sflag:s0] =	ssyncset.done @!p0 $0x0  }
0x94: {  	[sflag:s0] =	ssyncadd.s32 @!p0 s1  }
0x95: {  	[bflag:$0x3] =	sbarrier.arrive $0xFFFF  }
0x96: {  	_ =	shalt  }

// kernel: kernel.15.cloned.1.call-start
scs
__scs_entry_jumppad:
0x0: {  	(pc) =	sbr.rel $0x88, $3  }
0x1: {  	(tag) =	ssettag $0x0;
	lr =	simm.s32 $0x1  }
0x2: {  	[smem:$0x3F8F] =	sst lr;
	_ =	strace $0xD0000000  }
0x3: {  	_ = 	snop  }
0x4: {  	_ = 	snop  }
0x5: {  	_ = 	snop  }
0x6: {  	_ = 	snop  }
0x7: {  	_ = 	snop  }
__scs_overlays_trampoline_lowered:
0x8: {  	[smem:$0x3F9E] =	sst s0  }
0x9: {  	[smem:$0x3F9F] =	sst s1  }
0xa: {  	[smem:$0x3FA0] =	sst s2  }
0xb: {  	[smem:$0x3FA1] =	sst s3  }
0xc: {  	[smem:$0x3FA2] =	sst s4  }
0xd: {  	[smem:$0x3FA3] =	sst s5  }
0xe: {  	[smem:$0x3FA4] =	sst s6  }
0xf: {  	[smem:$0x3FA5] =	sst s7  }
0x10: {  	[smem:$0x3FA6] =	sst s8  }
0x11: {  	[smem:$0x3FA7] =	sst s9;
	s0 =	simm.s32 @!p0 $0x0  }
0x12: {  	s1 =	sld [smem:$0x3F8D];
	s0 =	simm.s32 @p0 $0x1  }
0x13: {  	[smem:$0x3FA8] =	sst s0;
	s0 =	simm.s32 @!p1 $0x0  }
0x14: {  	s2 =	sld [smem:$0x3F8C];
	s0 =	simm.s32 @p1 $0x1  }
0x15: {  	[smem:$0x3FA9] =	sst s0;
	s0 =	simm.s32 @!p2 $0x0  }
0x16: {  	s3 =	sld [smem:$0x3FDB];
	s0 =	simm.s32 @p2 $0x1  }
0x17: {  	s4 =	simm.s32 $0x1BF5;
	[smem:$0x3FAB] =	sst s0  }
0x18: {  	s0 =	sld [smem:$0x3F8E];
	_ =	swait.ge [sflag:s4], $0x0  }
0x19: {  	s7 =	sld [smem:$0x3F8F]  }
0x1a: {  	s8 =	sadd.s32 $0xFFFFE003, lr  }
0x1b: {  	s9 =	sadd.s32 $0xFFFFFEF7, lr;
	s5 =	simm.s32 $0xFFFFFFFF;
	p2 =	slt.u32 s8, $0xFFFFF086  }
0x1c: {  	p1 =	slt.u32 s9, $0xF7A;
	s5 =	simm.s32 @!p2 $0x0  }
0x1d: {  	s5 =	simm.s32 @p1 $0x1;
	p0 =	seq.s32 s7, s2  }
0x1e: {  	s7 =	smul.u32 @!p0 $0xF7A, s2;
	p2 =	seq.s32 @!p0 s5, $0x0  }
0x1f: {  	s9 =	smul.u32 $0xF7A, s1;
	s8 =	simm.s32 @!p0 $0x1BF5;
	p2 =	por !p2, p0  }
0x20: {  	[sflag:s8] =	ssyncset.s32 @!p0 $0xFFFFF086;
	s6 =	sadd.s32 @!p0 s3, s7;
	s7 =	simm.s32 @!p0 $0x108  }
0x21: {  	s3 =	sadd.s32 s3, s9;
	s6 =	sadd.s32 @!p0 $0x88, s6;
	s7 =	simm.s32 @p2 $0x1082  }
0x22: {  	[simem:s7], [sflag:s8] =	dma.local @!p0 [hbm:s6], $0xF7A  }
0x23: {  	s9 =	sor.u32 $0xD0000000, s2;
	s6 =	simm.s32 $0x108;
	_ =	swait.ge @!p0 [sflag:s8], $0x0  }
0x24: {  	s3 =	sadd.s32 $0x88, s3;
	s6 =	simm.s32 @!p1 $0x1082;
	[sflag:s4] =	ssyncset.s32 $0xFFFFF086  }
0x25: {  	[simem:s6], [sflag:s4] =	dma.local [hbm:s3], $0xF7A  }
0x26: {  	[smem:$0x3F8F] =	sst s1;
	(tag) =	ssettag s2;
	_ =	strace s9  }
0x27: {  	s1 =	sld [smem:$0x3F9F]  }
0x28: {  	s2 =	sld [smem:$0x3FA0]  }
0x29: {  	s4 =	sld [smem:$0x3FA2]  }
0x2a: {  	p0 =	seq.s32 s5, $0x0;
	s5 =	sld [smem:$0x3FA3]  }
0x2b: {  	s6 =	sld [smem:$0x3FA4]  }
0x2c: {  	s7 =	sld [smem:$0x3FA5]  }
0x2d: {  	s3 =	simm.s32 $0x108;
	s8 =	sld [smem:$0x3FA6]  }
0x2e: {  	s3 =	simm.s32 @!p0 $0x1082;
	s9 =	sld [smem:$0x3FA7]  }
0x2f: {  	lr =	sadd.s32 s0, s3;
	s0 =	sld [smem:$0x3F9E]  }
0x30: {  	s3 =	sld [smem:$0x3FA1]  }
0x31: {  	[smem:$0x3FAA] =	sst s10  }
0x32: {  	s10 =	sld [smem:$0x3FA8];
	_ =	sdelay $0x3  }
0x33: {  	p0 =	seq.s32 s10, $0x1;
	s10 =	sld [smem:$0x3FAA];
	_ =	sdelay $0x3  }
0x34: {  	[smem:$0x3FAA] =	sst s10  }
0x35: {  	s10 =	sld [smem:$0x3FA9];
	_ =	sdelay $0x3  }
0x36: {  	p1 =	seq.s32 s10, $0x1;
	s10 =	sld [smem:$0x3FAA];
	_ =	sdelay $0x3  }
0x37: {  	[smem:$0x3FAA] =	sst s10  }
0x38: {  	s10 =	sld [smem:$0x3FAB]  }
0x39: {  	_ = 	snop;
	(pc) =	sbr.ind lr, $3  }
0x3a: {  	_ = 	snop  }
0x3b: {  	_ = 	snop  }
0x3c: {  	p2 =	seq.s32 s10, $0x1;
	s10 =	sld [smem:$0x3FAA]  }
0x3d: {  	_ =	shalt  }
0x3e: {  	_ =	shalt  }
0x3f: {  	_ =	shalt  }
0x40: {  	_ =	shalt  }
0x41: {  	_ =	shalt  }
0x42: {  	_ =	shalt  }
0x43: {  	_ =	shalt  }
0x44: {  	_ =	shalt  }
0x45: {  	_ =	shalt  }
0x46: {  	_ =	shalt  }
0x47: {  	_ =	shalt  }
0x48: {  	_ =	shalt  }
0x49: {  	_ =	shalt  }
0x4a: {  	_ =	shalt  }
0x4b: {  	_ =	shalt  }
0x4c: {  	_ =	shalt  }
0x4d: {  	_ =	shalt  }
0x4e: {  	_ =	shalt  }
0x4f: {  	_ =	shalt  }
0x50: {  	_ =	shalt  }
0x51: {  	_ =	shalt  }
0x52: {  	_ =	shalt  }
0x53: {  	_ =	shalt  }
0x54: {  	_ =	shalt  }
0x55: {  	_ =	shalt  }
0x56: {  	_ =	shalt  }
0x57: {  	_ =	shalt  }
0x58: {  	_ =	shalt  }
0x59: {  	_ =	shalt  }
0x5a: {  	_ =	shalt  }
0x5b: {  	_ =	shalt  }
0x5c: {  	_ =	shalt  }
0x5d: {  	_ =	shalt  }
0x5e: {  	_ =	shalt  }
0x5f: {  	_ =	shalt  }
0x60: {  	_ =	shalt  }
0x61: {  	_ =	shalt  }
0x62: {  	_ =	shalt  }
0x63: {  	_ =	shalt  }
0x64: {  	_ =	shalt  }
0x65: {  	_ =	shalt  }
0x66: {  	_ =	shalt  }
0x67: {  	_ =	shalt  }
0x68: {  	_ =	shalt  }
0x69: {  	_ =	shalt  }
0x6a: {  	_ =	shalt  }
0x6b: {  	_ =	shalt  }
0x6c: {  	_ =	shalt  }
0x6d: {  	_ =	shalt  }
0x6e: {  	_ =	shalt  }
0x6f: {  	_ =	shalt  }
0x70: {  	_ =	shalt  }
0x71: {  	_ =	shalt  }
0x72: {  	_ =	shalt  }
0x73: {  	_ =	shalt  }
0x74: {  	_ =	shalt  }
0x75: {  	_ =	shalt  }
0x76: {  	_ =	shalt  }
0x77: {  	_ =	shalt  }
0x78: {  	_ =	shalt  }
0x79: {  	_ =	shalt  }
0x7a: {  	_ =	shalt  }
0x7b: {  	_ =	shalt  }
0x7c: {  	_ =	shalt  }
0x7d: {  	_ =	shalt  }
0x7e: {  	_ =	shalt  }
0x7f: {  	_ =	shalt  }
0x80: {  	_ =	shalt  }
0x81: {  	_ =	shalt  }
0x82: {  	_ =	shalt  }
0x83: {  	_ =	shalt  }
0x84: {  	_ =	shalt  }
0x85: {  	_ =	shalt  }
0x86: {  	_ =	shalt  }
0x87: {  	_ =	shalt  }
.Lfunc_end0:
.L_simem_size_0:
called_computation.2_lowered:
.L_overlay_start_0:
0x88: {  	s2 =	sld [smem:$0x3FD9]  }
0x89: {  	s3 =	sld [smem:$0x3FFE];
	_ =	sdelay $0x1  }
0x8a: {  	s1 =	srdreg.scid  }
0x8b: {  	s0 =	sand.u32 $0x1, s1  }
0x8c: {  	s17 =	sshll.u32 s0, $0xA;
	s2 =	sadd.s32 s3, s2  }
0x8d: {  	s2 =	sadd.s32 s2, s17  }
0x8e: {  	[smem:$0x3FB6] =	sst s2  }
0x8f: {  	_ = 	snop  }
0x90: {  	s2 =	sld [smem:$0x3FD0];
	(tm) =	ssettm $0x1  }
0x91: {  	s18 =	sld [smem:$0x3FFB];
	_ =	sdelay $0x3  }
0x92: {  	_ =	strace s18  }
0x93: {  	s3 =	sld [smem:$0x3FFC];
	_ =	sdelay $0x3  }
0x94: {  	_ =	strace s3  }
0x95: {  	s3 =	sld [smem:$0x3FFD];
	_ =	sdelay $0x3  }
0x96: {  	_ =	strace s3  }
0x97: {  	_ =	strace $0x8FFFFFFF  }
0x98: {  	s19 =	sld [smem:$0x3FDB];
	_ =	sdelay $0x1  }
0x99: {  	s4 =	simm.s32 $_scs_section_size  }
0x9a: {  	s5 =	simm.s32 $_size__tile_overlayer_lowered;
	s6 =	simm.s32 $_tile_overlayer_lowered  }
0x9b: {  	s22 =	simm.s32 $0x1BFF;
	s21 =	sshll.u32 s6, $0x1;
	s3 =	sadd.s32 s4, s19  }
0x9c: {  	s7 =	simm.s32 $0x0;
	s20 =	sshll.u32 s5, $0x1;
	s5 =	sadd.s32 s21, s3  }
0x9d: {  	[timem:s7], [sflag:s22] =	dma.local [hbm:s5], s20  }
0x9e: {  	_ =	swait.ge [sflag:s22], s20  }
0x9f: {  	s4 =	ssub.s32 $0x0, s20;
	[sflag:s22] =	ssyncset.done $0x0  }
0xa0: {  	[sflag:s22] =	ssyncadd.s32 s4;
	_ =	sdelay $0x1  }
0xa1: {  	s23 =	simm.s32 $0x1B8B  }
0xa2: {  	_ =	swait.ge [sflag:s23], $0x1  }
0xa3: {  	[sflag:s23] =	ssyncset.done $0x0  }
0xa4: {  	s25 =	simm.s32 $0x1B8E;
	s24 =	sld [smem:$0x3FFE];
	[sflag:s23] =	ssyncadd.s32 $0xFFFFFFFF  }
0xa5: {  	s26 =	simm.s32 $execute0_lowered;
	[smem:$0x3FD2] =	sst s25  }
0xa6: {  	s5 =	sshll.u32 s26, $0x1;
	_ =	strace $0x8000004C;
	[dreg:$0x1] =	wrdreg $0xFFFFFFFF  }
0xa7: {  	s28 =	simm.s32 $_size_execute0_lowered;
	s3 =	sadd.s32 s3, s5;
	[dreg:$0x0] =	wrdreg $0x0  }
0xa8: {  	s5 =	sshll.u32 s28, $0x1;
	[dreg:$0x2] =	wrdreg s3  }
0xa9: {  	[dreg:$0x3] =	wrdreg s5  }
0xaa: {  	[dreg:$0x4] =	wrdreg $0xC0  }
0xab: {  	_ =	task [dreg:s7], $0x5FFFF  }
0xac: {  	[dreg:$0x1] =	wrdreg $0xFFFFFFFF  }
0xad: {  	[dreg:$0x0] =	wrdreg $0x60  }
0xae: {  	[dreg:$0x2] =	wrdreg s2  }
0xaf: {  	[dreg:$0x3] =	wrdreg s24  }
0xb0: {  	[dreg:$0x4] =	wrdreg $0xD8800  }
0xb1: {  	[dreg:$0x5] =	wrdreg $0x100000  }
0xb2: {  	[dreg:$0x6] =	wrdreg $0x9  }
0xb3: {  	_ =	task.clear_ibuf [dreg:s7], $0x7FFFF;
	_ =	strace $0x9000004C  }
0xb4: {  	s29 =	simm.s32 $0x9;
	_ =	strace $0x8000004E  }
0xb5: {  	_ =	swait.ge [sflag:s29], $0x1  }
0xb6: {  	[sflag:s29] =	ssyncadd.s32 $0xFFFFFFFF  }
0xb7: {  	_ =	strace $0x9000004E  }
0xb8: {  	_ =	sfence  }
0xb9: {  	s30 =	sld [smem:$0x0];
	_ =	sdelay $0x2  }
0xba: {  	s31 =	sshll.u32 s1, $0xD;
	s1 =	sshrl.u32 s1, $0x2  }
0xbb: {  	s3 =	sand.u32 $0x4000, s31;
	s1 =	sadd.s32 s1, s30  }
0xbc: {  	s0 =	sor.u32 s3, s0;
	s1 =	sshll.u32 s1, $0x11  }
0xbd: {  	s0 =	sor.u32 s1, s0  }
0xbe: {  	s0 =	sadd.s32 $0x8F2B, s0  }
0xbf: {  	[sflag:s0] =	ssyncadd.remote.s32 $0x1  }
0xc0: {  	_ =	sfence.sel $0xFFFF  }
0xc1: {  	[dreg:$0x0] =	wrdreg $0xFFFFFFFF;
	(pc) =	sbr.abs _section_cstart, $3  }
0xc2: {  	[dreg:$0x1] =	wrdreg $0xFFFFFFFF  }
0xc3: {  	_ =	task.clear_ibuf [dreg:s7], $0x2FFFF;
	_ =	strace $0x9FFFFFFF  }
0xc4: {  	(tm) =	ssettm $0x7FFFFFFF  }
0xc5: {  	_ =	shalt  }
tec
execute0_lowered:
.L_overlay_start_1:
0x0: {  	(tag) =	ssettag $0x1  }
0x1: {  	s9 =	rddreg [dreg:$0x0]  }
0x2: {  	s5 =	rddreg [dreg:$0x1]  }
0x3: {  	s1 =	srdreg.scid;
	s2 =	rddreg [dreg:$0x2]  }
0x4: {  	s0 =	stileid.u32;
	s3 =	rddreg [dreg:$0x3];
	s4 =	simm.s32 $0x0  }
0x5: {  	s15 =	simm.s32 $0xB100;
	s16 =	simm.s32 $0x2900;
	s17 =	simm.s32 $0x80  }
0x6: {  	s18 =	simm.s32 $0x5200;
	s19 =	simm.s32 $0x1;
	s20 =	simm.s32 $0x5A00  }
0x7: {  	s21 =	simm.s32 $0x2;
	s22 =	simm.s32 $0x2880;
	s23 =	simm.s32 $0x5100  }
0x8: {  	s26 =	simm.s32 $0x0;
	s6 =	sand.u32 $0x1, s1;
	s1 =	rddreg [dreg:$0x4]  }
0x9: {  	s29 =	sshll.u32 s0, $0x1;
	[smem:$0x7FF] =	sst s4;
	s8 =	smul.u32 $0x2780, s0  }
0xa: {  	s7 =	sor.u32 s6, s29;
	_ =	strace $0x8000004D;
	s30 =	smul.u32 $0x4F00, s6  }
0xb: {  	s6 =	ssub.s32 $0x2, s6;
	s10 =	smul.u32 $0x520, s7;
	s24 =	sshrl.u32 s8, $0x3  }
0xc: {  	s31 =	sshrl.u32 s6, $0x1;
	s7 =	sadd.s32 s8, s2;
	s8 =	sadd.s32 s8, s3  }
0xd: {  	s12 =	sadd.s32 s24, s5;
	s13 =	sadd.s32 s30, s5;
	s14 =	ssub.s32 s6, s31  }
0xe: {  	s11 =	sadd.s32 s10, s5;
	s5 =	sadd.s32 $0x1BC00, s12;
	s6 =	sadd.s32 $0x2A00, s12  }
0xf: {  	s9 =	sadd.s32 s9, s10;
	s25 =	sadd.s32 $0x11E00, s13;
	s12 =	simm.s32 $0x6200  }
0x10: {  	s13 =	simm.s32 $0x3;
	s10 =	sadd.s32 $0x7A00, s11;
	s11 =	smax.u32 s14, $0x1  }
0x11: {  	v0 =	vimm.f32 $0.0e+00;
	s14 =	simm.s32 $0x8980;
	s24 =	sadd.s32 s24, s25;
	s25 =	simm.s32 $0x5180  }
.LBB2_1:
0x12: {  	s28 =	simm.s32 $0x40;
	s29 =	simm.s32 $0x0  }
.LBB2_2:
0x13: {  	p0 =	sne.s32 s28, $0x9DC0;
	[tilespmem:s29+$0xB100] =	vst v0;
	s29 =	smov.u32 s28;
	s28 =	sadd.s32 $0x40, s28  }
.Ltmp0:
0x14: {  	(pc) =	sbr.rel @p0 .LBB2_2-.Ltmp0, $2  }
0x15: {  	_ =	sdelay $0x2  }
0x16: {  	s29 =	sshra.s32 s29, $0x2  }
0x17: {  	[tilespmem:s29+$0xB100] =	vst v0;
	s28 =	simm.s32 $0x0  }
0x18: {  	[tilespmem:s12], [sflag:$0x3] =	stream.linear.gather [hbm4b:s5+s28], $0x2780, $0x38;
	[tilespmem:$0x12780] =	vst v63  }
0x19: {  	_ =	swait.ge [sflag:s13], $0x2780  }
0x1a: {  	[sflag:s13] =	ssyncset.done $0x0  }
0x1b: {  	[sflag:s13] =	ssyncadd.s32 $0xFFFFD880  }
0x1c: {  	[tilespmem:s14], [sflag:$0x3] =	stream.linear.gather [hbm4b:s6+s28], $0x2780, $0x38;
	[tilespmem:$0x12780] =	vst v63  }
0x1d: {  	_ =	swait.ge [sflag:s13], $0x2780  }
0x1e: {  	[sflag:s13] =	ssyncset.done $0x0  }
0x1f: {  	s28 =	simm.s32 $0x0;
	[sflag:s13] =	ssyncadd.s32 $0xFFFFD880  }
0x20: {  	s29 =	simm.s32 $0x40;
	v1 =	vld [tilespmem:s28+$0x6200]  }
.LBB2_4:
0x21: {  	p0 =	sne.s32 s29, $0x9DC0;
	v2 =	vld [tilespmem:s28+$0x8980];
	_ =	sdelay $0x2  }
.Ltmp1:
0x22: {  	(pc) =	sbr.rel @p0 .LBB2_4-.Ltmp1, $4  }
0x23: {  	_ = 	snop  }
0x24: {  	v2 =	vmul.f32 v1, v2  }
0x25: {  	s30 =	sshra.s32 s29, $0x2  }
0x26: {  	s29 =	sadd.s32 $0x40, s29;
	v1 =	vld [tilespmem:s30+$0x6200];
	[tilespmem:s28+$0x8980] =	vst v2;
	s28 =	smov.u32 s30  }
0x27: {  	v2 =	vld [tilespmem:s28+$0x8980];
	_ =	sdelay $0x4  }
0x28: {  	v1 =	vmul.f32 v1, v2;
	_ =	sdelay $0x1  }
0x29: {  	[tilespmem:s28+$0x8980] =	vst v1  }
0x2a: {  	[spmem:s7] =	stream.linear.scatter [tilespmem:s14], [sflag:$0x3], $0x2780, $0x38;
	[tilespmem:$0x12780] =	vst v63  }
0x2b: {  	_ =	swait.ge [sflag:s13], $0x2780  }
0x2c: {  	[sflag:s13] =	ssyncset.done $0x0  }
0x2d: {  	[sflag:s13] =	ssyncadd.s32 $0xFFFFD880  }
0x2e: {  	[spmem:s8] =	stream.linear.scatter [tilespmem:s15], [sflag:$0x3], $0x2780, $0x38;
	[tilespmem:$0x12780] =	vst v63  }
0x2f: {  	_ =	swait.ge [sflag:s13], $0x2780  }
0x30: {  	[sflag:s13] =	ssyncset.done $0x0  }
0x31: {  	[sflag:s13] =	ssyncadd.s32 $0xFFFFD880  }
0x32: {  	s28 =	simm.s32 $0x0;
	[bflag:$0x0] =	sbarrier.arrive $0xFFFF  }
0x33: {  	[tilespmem:s28], [sflag:$0x3] =	stream.linear.gather [hbm4b:s9+s28], $0x2900, $0x38;
	[tilespmem:$0x12780] =	vst v63  }
0x34: {  	_ =	swait.ge [sflag:s13], $0x2900  }
0x35: {  	[sflag:s13] =	ssyncset.done $0x0  }
0x36: {  	[sflag:s13] =	ssyncadd.s32 $0xFFFFD700  }
0x37: {  	[tilespmem:s16], [sflag:$0x3] =	stream.linear.gather [hbm4b:s10+s28], $0x2900, $0x38;
	[tilespmem:$0x12780] =	vst v63  }
0x38: {  	_ =	swait.ge [sflag:s13], $0x2900  }
0x39: {  	[sflag:s13] =	ssyncset.done $0x0  }
0x3a: {  	[sflag:s13] =	ssyncadd.s32 $0xFFFFD700  }
0x3b: {  	[tilespmem:s18], [sflag:$0x1] =	stream.indirect.gather [spmem:s2], $0x10, s28, s17, $0xb8;
	[tilespmem:$0x12780] =	vst v63  }
0x3c: {  	_ =	swait.ge [sflag:s19], $0x800  }
0x3d: {  	[sflag:s19] =	ssyncset.done $0x0  }
0x3e: {  	s28 =	simm.s32 $0x80;
	[sflag:s19] =	ssyncadd.s32 $0xFFFFF800  }
0x3f: {  	[tilespmem:s20], [sflag:$0x2] =	stream.indirect.gather [spmem:s2], $0x10, s28, s17, $0xb8;
	[tilespmem:$0x12780] =	vst v63  }
0x40: {  	s28 =	simm.s32 $0x2900  }
0x41: {  	[spmem:s3] =	stream.indirect.scatter.add.f32 [tilespmem:s18], [sflag:$0x3], $0x10, s28, s17, $0xb8;
	[tilespmem:$0x12780] =	vst v63  }
0x42: {  	_ =	swait.ge [sflag:s13], $0x800  }
0x43: {  	[sflag:s13] =	ssyncset.done $0x0  }
0x44: {  	[sflag:s13] =	ssyncadd.s32 $0xFFFFF800  }
0x45: {  	_ =	swait.ge [sflag:s21], $0x800  }
0x46: {  	[sflag:s21] =	ssyncset.done $0x0  }
0x47: {  	s28 =	simm.s32 $0x100;
	[sflag:s21] =	ssyncadd.s32 $0xFFFFF800  }
0x48: {  	[tilespmem:s18], [sflag:$0x1] =	stream.indirect.gather [spmem:s2], $0x10, s28, s17, $0xb8;
	[tilespmem:$0x12780] =	vst v63  }
0x49: {  	s28 =	simm.s32 $0x2980  }
0x4a: {  	[spmem:s3] =	stream.indirect.scatter.add.f32 [tilespmem:s20], [sflag:$0x3], $0x10, s28, s17, $0xb8;
	[tilespmem:$0x12780] =	vst v63  }
0x4b: {  	_ =	swait.ge [sflag:s13], $0x800  }
0x4c: {  	s28 =	simm.s32 $0x400;
	[sflag:s13] =	ssyncset.done $0x0  }
.LBB2_6:
0x4d: {  	p0 =	sne.s32 s28, $0x9C00  }
0x4e: {  	[sflag:s13] =	ssyncadd.s32 $0xFFFFF800;
	s29 =	smov.u32 s28;
	s28 =	sadd.s32 $0x400, s28  }
0x4f: {  	_ = 	snop  }
0x50: {  	_ =	swait.ge [sflag:s19], $0x800  }
0x51: {  	s29 =	sshra.s32 s29, $0x2;
	[sflag:s19] =	ssyncset.done $0x0  }
0x52: {  	s30 =	sadd.s32 $0x80, s29;
	[sflag:s19] =	ssyncadd.s32 $0xFFFFF800  }
0x53: {  	[tilespmem:s20], [sflag:$0x2] =	stream.indirect.gather [spmem:s2], $0x10, s30, s17, $0xb8;
	[tilespmem:$0x12780] =	vst v63  }
0x54: {  	s30 =	sadd.s32 $0x2900, s29  }
0x55: {  	[spmem:s3] =	stream.indirect.scatter.add.f32 [tilespmem:s18], [sflag:$0x3], $0x10, s30, s17, $0xb8;
	[tilespmem:$0x12780] =	vst v63  }
0x56: {  	_ =	swait.ge [sflag:s13], $0x800  }
0x57: {  	[sflag:s13] =	ssyncset.done $0x0  }
0x58: {  	[sflag:s13] =	ssyncadd.s32 $0xFFFFF800  }
0x59: {  	_ =	swait.ge [sflag:s21], $0x800  }
0x5a: {  	[sflag:s21] =	ssyncset.done $0x0  }
0x5b: {  	s30 =	sadd.s32 $0x100, s29;
	[sflag:s21] =	ssyncadd.s32 $0xFFFFF800  }
0x5c: {  	[tilespmem:s18], [sflag:$0x1] =	stream.indirect.gather [spmem:s2], $0x10, s30, s17, $0xb8;
	[tilespmem:$0x12780] =	vst v63  }
.Ltmp2:
0x5d: {  	_ = 	snop;
	(pc) =	sbr.rel @p0 .LBB2_6-.Ltmp2, $4  }
0x5e: {  	s29 =	sadd.s32 $0x2980, s29  }
0x5f: {  	[spmem:s3] =	stream.indirect.scatter.add.f32 [tilespmem:s20], [sflag:$0x3], $0x10, s29, s17, $0xb8;
	[tilespmem:$0x12780] =	vst v63  }
0x60: {  	_ =	swait.ge [sflag:s13], $0x800  }
0x61: {  	[sflag:s13] =	ssyncset.done $0x0  }
0x62: {  	[sflag:s13] =	ssyncadd.s32 $0xFFFFF800  }
0x63: {  	_ =	swait.ge [sflag:s19], $0x800  }
0x64: {  	[sflag:s19] =	ssyncset.done $0x0  }
0x65: {  	[sflag:s19] =	ssyncadd.s32 $0xFFFFF800  }
0x66: {  	[tilespmem:s20], [sflag:$0x2] =	stream.indirect.gather [spmem:s2], $0x10, s22, s17, $0xb8;
	[tilespmem:$0x12780] =	vst v63  }
0x67: {  	_ = 	snop  }
0x68: {  	[spmem:s3] =	stream.indirect.scatter.add.f32 [tilespmem:s18], [sflag:$0x3], $0x10, s23, s17, $0xb8;
	[tilespmem:$0x12780] =	vst v63  }
0x69: {  	_ =	swait.ge [sflag:s13], $0x800  }
0x6a: {  	[sflag:s13] =	ssyncset.done $0x0  }
0x6b: {  	[sflag:s13] =	ssyncadd.s32 $0xFFFFF800  }
0x6c: {  	_ =	swait.ge [sflag:s21], $0x800  }
0x6d: {  	[sflag:s21] =	ssyncset.done $0x0  }
0x6e: {  	[sflag:s21] =	ssyncadd.s32 $0xFFFFF800  }
0x6f: {  	[spmem:s3] =	stream.indirect.scatter.add.f32 [tilespmem:s20], [sflag:$0x3], $0x10, s25, s17, $0xb8;
	[tilespmem:$0x12780] =	vst v63  }
0x70: {  	_ =	swait.ge [sflag:s13], $0x800  }
0x71: {  	[sflag:s13] =	ssyncset.done $0x0  }
0x72: {  	[sflag:s13] =	ssyncadd.s32 $0xFFFFF800  }
0x73: {  	[bflag:$0x0] =	sbarrier.arrive $0xFFFF  }
0x74: {  	[tilespmem:s14], [sflag:$0x3] =	stream.linear.gather [spmem:s8], $0x2780, $0x38;
	[tilespmem:$0x12780] =	vst v63  }
0x75: {  	_ =	swait.ge [sflag:s13], $0x2780  }
0x76: {  	[sflag:s13] =	ssyncset.done $0x0  }
0x77: {  	s28 =	simm.s32 $0x0;
	[sflag:s13] =	ssyncadd.s32 $0xFFFFD880  }
0x78: {  	s29 =	simm.s32 $0x40;
	v1 =	vld [tilespmem:s28+$0x6200]  }
.LBB2_8:
0x79: {  	p0 =	sne.s32 s29, $0x9DC0;
	v2 =	vld [tilespmem:s28+$0x8980];
	_ =	sdelay $0x2  }
.Ltmp3:
0x7a: {  	(pc) =	sbr.rel @p0 .LBB2_8-.Ltmp3, $4  }
0x7b: {  	_ = 	snop  }
0x7c: {  	v2 =	vmul.f32 v1, v2  }
0x7d: {  	s30 =	sshra.s32 s29, $0x2  }
0x7e: {  	s29 =	sadd.s32 $0x40, s29;
	v1 =	vld [tilespmem:s30+$0x6200];
	[tilespmem:s28+$0x8980] =	vst v2;
	s28 =	smov.u32 s30  }
0x7f: {  	v2 =	vld [tilespmem:s28+$0x8980];
	_ =	sdelay $0x4  }
0x80: {  	s26 =	sadd.s32 $0x1, s26;
	v1 =	vmul.f32 v1, v2  }
0x81: {  	p0 =	sne.s32 s26, s11  }
.Ltmp4:
0x82: {  	[tilespmem:s28+$0x8980] =	vst v1;
	(pc) =	sbr.rel @p0 .LBB2_1-.Ltmp4, $4  }
0x83: {  	[hbm4b:s24+s4] =	stream.linear.scatter [tilespmem:s14], [sflag:$0x3], $0x2780, $0x38;
	[tilespmem:$0x12780] =	vst v63  }
0x84: {  	_ =	swait.ge [sflag:s13], $0x2780  }
0x85: {  	[sflag:s13] =	ssyncset.done $0x0  }
0x86: {  	[sflag:s13] =	ssyncadd.s32 $0xFFFFD880  }
0x87: {  	_ =	sfence.sel $0x180000  }
0x88: {  	[bflag:$0x0] =	sbarrier.arrive $0xFFFF  }
0x89: {  	p0 =	sne.s32 s0, $0x0;
	_ =	strace $0x9000004D  }
0x8a: {  	s0 =	sadd.s32 @!p0 $0x100000, s1;
	[bflag:$0x2] =	sbarrier.arrive $0xFFFF  }
0x8b: {  	[sflag:s0] =	ssyncadd.tile.s32 @!p0 $0x1;
	_ =	shalt  }
.Lfunc_end2:
_tile_overlayer_lowered:
.L_overlay_start_2:
0x8c: {  	(tag) =	ssettag $0x2  }
0x8d: {  	s0 =	rddreg [dreg:$0x0];
	s2 =	stileid.u32  }
0x8e: {  	s1 =	rddreg [dreg:$0x1];
	p0 =	sne.s32 s2, $0x0  }
0x8f: {  	s3 =	rddreg [dreg:$0x2];
	[bflag:$0x3] =	sbarrier.arrive $0xFFFF;
	s2 =	simm.s32 @!p0 $0x1C03  }
0x90: {  	[timem:s3], [sflag:s2] =	dma.local @!p0 [hbm:s0], s1  }
0x91: {  	s0 =	simm.s32 @!p0 $0x3  }
0x92: {  	_ =	swait.ge @!p0 [sflag:s0], s1  }
0x93: {  	s1 =	ssub.s32 @!p0 $0x0, s1;
	[sflag:s0] =	ssyncset.done @!p0 $0x0  }
0x94: {  	[sflag:s0] =	ssyncadd.s32 @!p0 s1  }
0x95: {  	[bflag:$0x3] =	sbarrier.arrive $0xFFFF  }
0x96: {  	_ =	shalt  }

// kernel: kernel.9.cloned.1.call-start
scs
__scs_entry_jumppad:
0x0: {  	(pc) =	sbr.rel $0x88, $3  }
0x1: {  	(tag) =	ssettag $0x0;
	lr =	simm.s32 $0x1  }
0x2: {  	[smem:$0x3F8F] =	sst lr;
	_ =	strace $0xD0000000  }
0x3: {  	_ = 	snop  }
0x4: {  	_ = 	snop  }
0x5: {  	_ = 	snop  }
0x6: {  	_ = 	snop  }
0x7: {  	_ = 	snop  }
__scs_overlays_trampoline_lowered:
0x8: {  	[smem:$0x3F9E] =	sst s0  }
0x9: {  	[smem:$0x3F9F] =	sst s1  }
0xa: {  	[smem:$0x3FA0] =	sst s2  }
0xb: {  	[smem:$0x3FA1] =	sst s3  }
0xc: {  	[smem:$0x3FA2] =	sst s4  }
0xd: {  	[smem:$0x3FA3] =	sst s5  }
0xe: {  	[smem:$0x3FA4] =	sst s6  }
0xf: {  	[smem:$0x3FA5] =	sst s7  }
0x10: {  	[smem:$0x3FA6] =	sst s8  }
0x11: {  	[smem:$0x3FA7] =	sst s9;
	s0 =	simm.s32 @!p0 $0x0  }
0x12: {  	s1 =	sld [smem:$0x3F8D];
	s0 =	simm.s32 @p0 $0x1  }
0x13: {  	[smem:$0x3FA8] =	sst s0;
	s0 =	simm.s32 @!p1 $0x0  }
0x14: {  	s2 =	sld [smem:$0x3F8C];
	s0 =	simm.s32 @p1 $0x1  }
0x15: {  	[smem:$0x3FA9] =	sst s0;
	s0 =	simm.s32 @!p2 $0x0  }
0x16: {  	s3 =	sld [smem:$0x3FDB];
	s0 =	simm.s32 @p2 $0x1  }
0x17: {  	s4 =	simm.s32 $0x1BF5;
	[smem:$0x3FAB] =	sst s0  }
0x18: {  	s0 =	sld [smem:$0x3F8E];
	_ =	swait.ge [sflag:s4], $0x0  }
0x19: {  	s7 =	sld [smem:$0x3F8F]  }
0x1a: {  	s8 =	sadd.s32 $0xFFFFE003, lr  }
0x1b: {  	s9 =	sadd.s32 $0xFFFFFEF7, lr;
	s5 =	simm.s32 $0xFFFFFFFF;
	p2 =	slt.u32 s8, $0xFFFFF086  }
0x1c: {  	p1 =	slt.u32 s9, $0xF7A;
	s5 =	simm.s32 @!p2 $0x0  }
0x1d: {  	s5 =	simm.s32 @p1 $0x1;
	p0 =	seq.s32 s7, s2  }
0x1e: {  	s7 =	smul.u32 @!p0 $0xF7A, s2;
	p2 =	seq.s32 @!p0 s5, $0x0  }
0x1f: {  	s9 =	smul.u32 $0xF7A, s1;
	s8 =	simm.s32 @!p0 $0x1BF5;
	p2 =	por !p2, p0  }
0x20: {  	[sflag:s8] =	ssyncset.s32 @!p0 $0xFFFFF086;
	s6 =	sadd.s32 @!p0 s3, s7;
	s7 =	simm.s32 @!p0 $0x108  }
0x21: {  	s3 =	sadd.s32 s3, s9;
	s6 =	sadd.s32 @!p0 $0x88, s6;
	s7 =	simm.s32 @p2 $0x1082  }
0x22: {  	[simem:s7], [sflag:s8] =	dma.local @!p0 [hbm:s6], $0xF7A  }
0x23: {  	s9 =	sor.u32 $0xD0000000, s2;
	s6 =	simm.s32 $0x108;
	_ =	swait.ge @!p0 [sflag:s8], $0x0  }
0x24: {  	s3 =	sadd.s32 $0x88, s3;
	s6 =	simm.s32 @!p1 $0x1082;
	[sflag:s4] =	ssyncset.s32 $0xFFFFF086  }
0x25: {  	[simem:s6], [sflag:s4] =	dma.local [hbm:s3], $0xF7A  }
0x26: {  	[smem:$0x3F8F] =	sst s1;
	(tag) =	ssettag s2;
	_ =	strace s9  }
0x27: {  	s1 =	sld [smem:$0x3F9F]  }
0x28: {  	s2 =	sld [smem:$0x3FA0]  }
0x29: {  	s4 =	sld [smem:$0x3FA2]  }
0x2a: {  	p0 =	seq.s32 s5, $0x0;
	s5 =	sld [smem:$0x3FA3]  }
0x2b: {  	s6 =	sld [smem:$0x3FA4]  }
0x2c: {  	s7 =	sld [smem:$0x3FA5]  }
0x2d: {  	s3 =	simm.s32 $0x108;
	s8 =	sld [smem:$0x3FA6]  }
0x2e: {  	s3 =	simm.s32 @!p0 $0x1082;
	s9 =	sld [smem:$0x3FA7]  }
0x2f: {  	lr =	sadd.s32 s0, s3;
	s0 =	sld [smem:$0x3F9E]  }
0x30: {  	s3 =	sld [smem:$0x3FA1]  }
0x31: {  	[smem:$0x3FAA] =	sst s10  }
0x32: {  	s10 =	sld [smem:$0x3FA8];
	_ =	sdelay $0x3  }
0x33: {  	p0 =	seq.s32 s10, $0x1;
	s10 =	sld [smem:$0x3FAA];
	_ =	sdelay $0x3  }
0x34: {  	[smem:$0x3FAA] =	sst s10  }
0x35: {  	s10 =	sld [smem:$0x3FA9];
	_ =	sdelay $0x3  }
0x36: {  	p1 =	seq.s32 s10, $0x1;
	s10 =	sld [smem:$0x3FAA];
	_ =	sdelay $0x3  }
0x37: {  	[smem:$0x3FAA] =	sst s10  }
0x38: {  	s10 =	sld [smem:$0x3FAB]  }
0x39: {  	_ = 	snop;
	(pc) =	sbr.ind lr, $3  }
0x3a: {  	_ = 	snop  }
0x3b: {  	_ = 	snop  }
0x3c: {  	p2 =	seq.s32 s10, $0x1;
	s10 =	sld [smem:$0x3FAA]  }
0x3d: {  	_ =	shalt  }
0x3e: {  	_ =	shalt  }
0x3f: {  	_ =	shalt  }
0x40: {  	_ =	shalt  }
0x41: {  	_ =	shalt  }
0x42: {  	_ =	shalt  }
0x43: {  	_ =	shalt  }
0x44: {  	_ =	shalt  }
0x45: {  	_ =	shalt  }
0x46: {  	_ =	shalt  }
0x47: {  	_ =	shalt  }
0x48: {  	_ =	shalt  }
0x49: {  	_ =	shalt  }
0x4a: {  	_ =	shalt  }
0x4b: {  	_ =	shalt  }
0x4c: {  	_ =	shalt  }
0x4d: {  	_ =	shalt  }
0x4e: {  	_ =	shalt  }
0x4f: {  	_ =	shalt  }
0x50: {  	_ =	shalt  }
0x51: {  	_ =	shalt  }
0x52: {  	_ =	shalt  }
0x53: {  	_ =	shalt  }
0x54: {  	_ =	shalt  }
0x55: {  	_ =	shalt  }
0x56: {  	_ =	shalt  }
0x57: {  	_ =	shalt  }
0x58: {  	_ =	shalt  }
0x59: {  	_ =	shalt  }
0x5a: {  	_ =	shalt  }
0x5b: {  	_ =	shalt  }
0x5c: {  	_ =	shalt  }
0x5d: {  	_ =	shalt  }
0x5e: {  	_ =	shalt  }
0x5f: {  	_ =	shalt  }
0x60: {  	_ =	shalt  }
0x61: {  	_ =	shalt  }
0x62: {  	_ =	shalt  }
0x63: {  	_ =	shalt  }
0x64: {  	_ =	shalt  }
0x65: {  	_ =	shalt  }
0x66: {  	_ =	shalt  }
0x67: {  	_ =	shalt  }
0x68: {  	_ =	shalt  }
0x69: {  	_ =	shalt  }
0x6a: {  	_ =	shalt  }
0x6b: {  	_ =	shalt  }
0x6c: {  	_ =	shalt  }
0x6d: {  	_ =	shalt  }
0x6e: {  	_ =	shalt  }
0x6f: {  	_ =	shalt  }
0x70: {  	_ =	shalt  }
0x71: {  	_ =	shalt  }
0x72: {  	_ =	shalt  }
0x73: {  	_ =	shalt  }
0x74: {  	_ =	shalt  }
0x75: {  	_ =	shalt  }
0x76: {  	_ =	shalt  }
0x77: {  	_ =	shalt  }
0x78: {  	_ =	shalt  }
0x79: {  	_ =	shalt  }
0x7a: {  	_ =	shalt  }
0x7b: {  	_ =	shalt  }
0x7c: {  	_ =	shalt  }
0x7d: {  	_ =	shalt  }
0x7e: {  	_ =	shalt  }
0x7f: {  	_ =	shalt  }
0x80: {  	_ =	shalt  }
0x81: {  	_ =	shalt  }
0x82: {  	_ =	shalt  }
0x83: {  	_ =	shalt  }
0x84: {  	_ =	shalt  }
0x85: {  	_ =	shalt  }
0x86: {  	_ =	shalt  }
0x87: {  	_ =	shalt  }
.Lfunc_end0:
.L_simem_size_0:
called_computation_lowered:
.L_overlay_start_0:
0x88: {  	s2 =	sld [smem:$0x3FD9]  }
0x89: {  	s3 =	sld [smem:$0x3FFE];
	_ =	sdelay $0x1  }
0x8a: {  	s1 =	srdreg.scid  }
0x8b: {  	s0 =	sand.u32 $0x1, s1  }
0x8c: {  	s17 =	sshll.u32 s0, $0xA;
	s2 =	sadd.s32 s3, s2  }
0x8d: {  	s2 =	sadd.s32 s2, s17  }
0x8e: {  	[smem:$0x3FB6] =	sst s2  }
0x8f: {  	_ = 	snop  }
0x90: {  	s2 =	sld [smem:$0x3FD0];
	(tm) =	ssettm $0x1  }
0x91: {  	s18 =	sld [smem:$0x3FFB];
	_ =	sdelay $0x3  }
0x92: {  	_ =	strace s18  }
0x93: {  	s3 =	sld [smem:$0x3FFC];
	_ =	sdelay $0x3  }
0x94: {  	_ =	strace s3  }
0x95: {  	s3 =	sld [smem:$0x3FFD];
	_ =	sdelay $0x3  }
0x96: {  	_ =	strace s3  }
0x97: {  	_ =	strace $0x8FFFFFFF  }
0x98: {  	s19 =	sld [smem:$0x3FDB];
	_ =	sdelay $0x1  }
0x99: {  	s4 =	simm.s32 $_scs_section_size  }
0x9a: {  	s5 =	simm.s32 $_size__tile_overlayer_lowered;
	s6 =	simm.s32 $_tile_overlayer_lowered  }
0x9b: {  	s22 =	simm.s32 $0x1BFF;
	s21 =	sshll.u32 s6, $0x1;
	s3 =	sadd.s32 s4, s19  }
0x9c: {  	s7 =	simm.s32 $0x0;
	s20 =	sshll.u32 s5, $0x1;
	s5 =	sadd.s32 s21, s3  }
0x9d: {  	[timem:s7], [sflag:s22] =	dma.local [hbm:s5], s20  }
0x9e: {  	_ =	swait.ge [sflag:s22], s20  }
0x9f: {  	s4 =	ssub.s32 $0x0, s20;
	[sflag:s22] =	ssyncset.done $0x0  }
0xa0: {  	[sflag:s22] =	ssyncadd.s32 s4;
	_ =	sdelay $0x1  }
0xa1: {  	s23 =	simm.s32 $0x1B8B  }
0xa2: {  	_ =	swait.ge [sflag:s23], $0x1  }
0xa3: {  	[sflag:s23] =	ssyncset.done $0x0  }
0xa4: {  	s25 =	simm.s32 $0x1B8E;
	s24 =	sld [smem:$0x3FFE];
	[sflag:s23] =	ssyncadd.s32 $0xFFFFFFFF  }
0xa5: {  	s26 =	simm.s32 $execute0_lowered;
	[smem:$0x3FD2] =	sst s25  }
0xa6: {  	s5 =	sshll.u32 s26, $0x1;
	_ =	strace $0x80000046;
	[dreg:$0x1] =	wrdreg $0xFFFFFFFF  }
0xa7: {  	s28 =	simm.s32 $_size_execute0_lowered;
	s3 =	sadd.s32 s3, s5;
	[dreg:$0x0] =	wrdreg $0x0  }
0xa8: {  	s5 =	sshll.u32 s28, $0x1;
	[dreg:$0x2] =	wrdreg s3  }
0xa9: {  	[dreg:$0x3] =	wrdreg s5  }
0xaa: {  	[dreg:$0x4] =	wrdreg $0xC0  }
0xab: {  	_ =	task [dreg:s7], $0x5FFFF  }
0xac: {  	[dreg:$0x1] =	wrdreg $0xFFFFFFFF  }
0xad: {  	[dreg:$0x0] =	wrdreg $0x60  }
0xae: {  	[dreg:$0x2] =	wrdreg s2  }
0xaf: {  	[dreg:$0x3] =	wrdreg s24  }
0xb0: {  	[dreg:$0x4] =	wrdreg $0x100000  }
0xb1: {  	[dreg:$0x5] =	wrdreg $0xD8800  }
0xb2: {  	[dreg:$0x6] =	wrdreg $0x9  }
0xb3: {  	_ =	task.clear_ibuf [dreg:s7], $0x7FFFF;
	_ =	strace $0x90000046  }
0xb4: {  	s29 =	simm.s32 $0x9;
	_ =	strace $0x80000048  }
0xb5: {  	_ =	swait.ge [sflag:s29], $0x1  }
0xb6: {  	[sflag:s29] =	ssyncadd.s32 $0xFFFFFFFF  }
0xb7: {  	_ =	strace $0x90000048  }
0xb8: {  	_ =	sfence  }
0xb9: {  	s30 =	sld [smem:$0x0];
	_ =	sdelay $0x2  }
0xba: {  	s31 =	sshll.u32 s1, $0xD;
	s1 =	sshrl.u32 s1, $0x2  }
0xbb: {  	s3 =	sand.u32 $0x4000, s31;
	s1 =	sadd.s32 s1, s30  }
0xbc: {  	s0 =	sor.u32 s3, s0;
	s1 =	sshll.u32 s1, $0x11  }
0xbd: {  	s0 =	sor.u32 s1, s0  }
0xbe: {  	s0 =	sadd.s32 $0x8F2B, s0  }
0xbf: {  	[sflag:s0] =	ssyncadd.remote.s32 $0x1  }
0xc0: {  	_ =	sfence.sel $0xFFFF  }
0xc1: {  	[dreg:$0x0] =	wrdreg $0xFFFFFFFF;
	(pc) =	sbr.abs _section_cstart, $3  }
0xc2: {  	[dreg:$0x1] =	wrdreg $0xFFFFFFFF  }
0xc3: {  	_ =	task.clear_ibuf [dreg:s7], $0x2FFFF;
	_ =	strace $0x9FFFFFFF  }
0xc4: {  	(tm) =	ssettm $0x7FFFFFFF  }
0xc5: {  	_ =	shalt  }
tec
execute0_lowered:
.L_overlay_start_1:
0x0: {  	(tag) =	ssettag $0x1  }
0x1: {  	s0 =	rddreg [dreg:$0x0]  }
0x2: {  	s5 =	rddreg [dreg:$0x1]  }
0x3: {  	s2 =	rddreg [dreg:$0x2]  }
0x4: {  	s3 =	rddreg [dreg:$0x3]  }
0x5: {  	s1 =	stileid.u32;
	s4 =	simm.s32 $0x0;
	s6 =	srdreg.scid  }
0x6: {  	s16 =	simm.s32 $0x80;
	s17 =	simm.s32 $0x8980;
	s18 =	simm.s32 $0x3  }
0x7: {  	s19 =	simm.s32 $0x6200;
	s21 =	simm.s32 $0x5200;
	s22 =	simm.s32 $0x1  }
0x8: {  	s23 =	simm.s32 $0x5A00;
	s25 =	simm.s32 $0x2;
	s26 =	simm.s32 $0x2880  }
0x9: {  	s28 =	simm.s32 $0x5100;
	s29 =	simm.s32 $0x5180;
	s30 =	simm.s32 $0x0  }
0xa: {  	s9 =	smul.u32 $0x2780, s1;
	[smem:$0x7FF] =	sst s4;
	s11 =	sadd.s32 $0x7A00, s5  }
0xb: {  	s20 =	sand.u32 $0x1, s6;
	s10 =	sshll.u32 s1, $0x1;
	s13 =	smul.u32 $0xA40, s1  }
0xc: {  	_ =	strace $0x80000047;
	s6 =	smul.u32 $0x4F00, s20;
	s7 =	ssub.s32 $0x2, s20  }
0xd: {  	s10 =	sor.u32 s20, s10;
	p0 =	sne.s32 s20, $0x0;
	s20 =	simm.s32 $0x2900  }
0xe: {  	s24 =	sshrl.u32 s9, $0x3;
	s12 =	sshrl.u32 s7, $0x1;
	s15 =	smul.u32 $0x520, s10  }
0xf: {  	s8 =	sadd.s32 s24, s5;
	s14 =	sadd.s32 s6, s5;
	s12 =	ssub.s32 s7, s12  }
0x10: {  	s5 =	sadd.s32 s9, s2;
	s6 =	sadd.s32 s11, s13;
	s9 =	sadd.s32 s9, s3  }
0x11: {  	s13 =	simm.s32 $0xB100;
	s7 =	sadd.s32 $0x1BC00, s8;
	s8 =	sadd.s32 $0x2A00, s8  }
0x12: {  	s10 =	sadd.s32 s0, s15;
	s11 =	sadd.s32 s11, s15;
	s31 =	sadd.s32 $0x11E00, s14  }
0x13: {  	v0 =	vimm.f32 $0.0e+00;
	v1 =	vimm.f32 $1.000000000e+00;
	s12 =	smax.u32 s12, $0x1;
	s14 =	simm.s32 $0x4;
	s24 =	sadd.s32 s24, s31  }
.LBB2_1:
0x14: {  	s0 =	simm.s32 $0x40;
	s31 =	simm.s32 $0x0  }
.LBB2_2:
0x15: {  	p1 =	sne.s32 s0, $0x9DC0;
	[tilespmem:s31+$0xB100] =	vst v0;
	s31 =	smov.u32 s0;
	s0 =	sadd.s32 $0x40, s0  }
.Ltmp0:
0x16: {  	(pc) =	sbr.rel @p1 .LBB2_2-.Ltmp0, $2  }
0x17: {  	_ =	sdelay $0x2  }
0x18: {  	s31 =	sshra.s32 s31, $0x2  }
0x19: {  	[tilespmem:s31+$0xB100] =	vst v0  }
0x1a: {  	[spmem:s5] =	stream.linear.scatter [tilespmem:s13], [sflag:$0x4], $0x2780, $0x38;
	[tilespmem:$0x17980] =	vst v63  }
0x1b: {  	_ =	swait.ge [sflag:s14], $0x2780  }
0x1c: {  	[sflag:s14] =	ssyncset.done $0x0  }
0x1d: {  	s0 =	simm.s32 $0x0;
	s1 =	simm.s32 $0x12780;
	[sflag:s14] =	ssyncadd.s32 $0xFFFFD880  }
0x1e: {  	[tilespmem:s1], [sflag:$0x4] =	stream.linear.gather [hbm4b:s6+s0], $0x5200, $0x38;
	[tilespmem:$0x17980] =	vst v63  }
0x1f: {  	_ =	swait.ge [sflag:s14], $0x5200  }
0x20: {  	[sflag:s14] =	ssyncset.done $0x0  }
0x21: {  	s31 =	simm.s32 $0x0;
	s0 =	simm.s32 $0x40;
	[sflag:s14] =	ssyncadd.s32 $0xFFFFAE00  }
.LBB2_4:
0x22: {  	p1 =	sne.s32 s0, $0x1FC0;
	[tilespmem:s31+$0x8980] =	vst v1;
	s31 =	smov.u32 s0;
	s0 =	sadd.s32 $0x40, s0  }
.Ltmp1:
0x23: {  	(pc) =	sbr.rel @p1 .LBB2_4-.Ltmp1, $2  }
0x24: {  	_ =	sdelay $0x2  }
0x25: {  	s31 =	sshra.s32 s31, $0x2  }
0x26: {  	[tilespmem:s31+$0x8980] =	vst v1  }
0x27: {  	s0 =	simm.s32 $0x12780;
	[bflag:$0x0] =	sbarrier.arrive $0xFFFF  }
0x28: {  	[spmem:s2] =	stream.indirect.scatter.add.f32 [tilespmem:s17], [sflag:$0x3], $0x10, s0, s16, $0xb8;
	[tilespmem:$0x17980] =	vst v63  }
0x29: {  	s1 =	simm.s32 $0x12800  }
0x2a: {  	[spmem:s2] =	stream.indirect.scatter.add.f32 [tilespmem:s17], [sflag:$0x3], $0x10, s1, s16, $0xb8;
	[tilespmem:$0x17980] =	vst v63  }
0x2b: {  	s4 =	simm.s32 $0x12880  }
0x2c: {  	[spmem:s2] =	stream.indirect.scatter.add.f32 [tilespmem:s17], [sflag:$0x3], $0x10, s4, s16, $0xb8;
	[tilespmem:$0x17980] =	vst v63  }
0x2d: {  	s15 =	simm.s32 $0x12900  }
0x2e: {  	[spmem:s2] =	stream.indirect.scatter.add.f32 [tilespmem:s17], [sflag:$0x3], $0x10, s15, s16, $0xb8;
	[tilespmem:$0x17980] =	vst v63  }
0x2f: {  	_ =	swait.ge [sflag:s18], $0x800  }
0x30: {  	[sflag:s18] =	ssyncset.done $0x0  }
0x31: {  	[sflag:s18] =	ssyncadd.s32 $0xFFFFF800  }
0x32: {  	_ =	swait.ge [sflag:s18], $0x800  }
0x33: {  	[sflag:s18] =	ssyncset.done $0x0  }
0x34: {  	[sflag:s18] =	ssyncadd.s32 $0xFFFFF800  }
0x35: {  	_ =	swait.ge [sflag:s18], $0x800  }
0x36: {  	[sflag:s18] =	ssyncset.done $0x0  }
0x37: {  	[sflag:s18] =	ssyncadd.s32 $0xFFFFF800  }
0x38: {  	_ =	swait.ge [sflag:s18], $0x800  }
0x39: {  	s31 =	simm.s32 $0x1000;
	s0 =	simm.s32 $0x200;
	[sflag:s18] =	ssyncset.done $0x0  }
.LBB2_6:
0x3a: {  	s1 =	sadd.s32 $0x12780, s0  }
0x3b: {  	[sflag:s18] =	ssyncadd.s32 $0xFFFFF800;
	s4 =	smov.u32 s31;
	s15 =	sadd.s32 $0x800, s31  }
0x3c: {  	[spmem:s2] =	stream.indirect.scatter.add.f32 [tilespmem:s17], [sflag:$0x3], $0x10, s1, s16, $0xb8;
	[tilespmem:$0x17980] =	vst v63  }
0x3d: {  	p1 =	sne.s32 s31, $0x14000;
	s1 =	sadd.s32 $0x12800, s0  }
0x3e: {  	[spmem:s2] =	stream.indirect.scatter.add.f32 [tilespmem:s17], [sflag:$0x3], $0x10, s1, s16, $0xb8;
	[tilespmem:$0x17980] =	vst v63  }
0x3f: {  	s1 =	sadd.s32 $0x12880, s0  }
0x40: {  	[spmem:s2] =	stream.indirect.scatter.add.f32 [tilespmem:s17], [sflag:$0x3], $0x10, s1, s16, $0xb8;
	[tilespmem:$0x17980] =	vst v63  }
0x41: {  	s0 =	sadd.s32 $0x12900, s0  }
0x42: {  	[spmem:s2] =	stream.indirect.scatter.add.f32 [tilespmem:s17], [sflag:$0x3], $0x10, s0, s16, $0xb8;
	[tilespmem:$0x17980] =	vst v63  }
0x43: {  	_ =	swait.ge [sflag:s18], $0x800  }
0x44: {  	[sflag:s18] =	ssyncset.done $0x0  }
0x45: {  	[sflag:s18] =	ssyncadd.s32 $0xFFFFF800  }
0x46: {  	_ =	swait.ge [sflag:s18], $0x800  }
0x47: {  	[sflag:s18] =	ssyncset.done $0x0  }
0x48: {  	[sflag:s18] =	ssyncadd.s32 $0xFFFFF800  }
.Ltmp2:
0x49: {  	_ =	swait.ge [sflag:s18], $0x800;
	(pc) =	sbr.rel @p1 .LBB2_6-.Ltmp2, $4  }
0x4a: {  	[sflag:s18] =	ssyncset.done $0x0  }
0x4b: {  	[sflag:s18] =	ssyncadd.s32 $0xFFFFF800  }
0x4c: {  	_ =	swait.ge [sflag:s18], $0x800  }
0x4d: {  	s31 =	smov.u32 s15;
	s0 =	sshra.s32 s4, $0x2;
	[sflag:s18] =	ssyncset.done $0x0  }
0x4e: {  	s1 =	sadd.s32 $0x12780, s0;
	[sflag:s18] =	ssyncadd.s32 $0xFFFFF800  }
0x4f: {  	[spmem:s2] =	stream.indirect.scatter.add.f32 [tilespmem:s17], [sflag:$0x3], $0x10, s1, s16, $0xb8;
	[tilespmem:$0x17980] =	vst v63  }
0x50: {  	s15 =	sadd.s32 $0x12800, s0  }
0x51: {  	[spmem:s2] =	stream.indirect.scatter.add.f32 [tilespmem:s17], [sflag:$0x3], $0x10, s15, s16, $0xb8;
	[tilespmem:$0x17980] =	vst v63  }
0x52: {  	s4 =	sadd.s32 $0x12880, s0  }
0x53: {  	[spmem:s2] =	stream.indirect.scatter.add.f32 [tilespmem:s17], [sflag:$0x3], $0x10, s4, s16, $0xb8;
	[tilespmem:$0x17980] =	vst v63  }
0x54: {  	s15 =	sadd.s32 $0x12900, s0  }
0x55: {  	[spmem:s2] =	stream.indirect.scatter.add.f32 [tilespmem:s17], [sflag:$0x3], $0x10, s15, s16, $0xb8;
	[tilespmem:$0x17980] =	vst v63  }
0x56: {  	_ =	swait.ge [sflag:s18], $0x800  }
0x57: {  	[sflag:s18] =	ssyncset.done $0x0  }
0x58: {  	[sflag:s18] =	ssyncadd.s32 $0xFFFFF800  }
0x59: {  	_ =	swait.ge [sflag:s18], $0x800  }
0x5a: {  	[sflag:s18] =	ssyncset.done $0x0  }
0x5b: {  	[sflag:s18] =	ssyncadd.s32 $0xFFFFF800  }
0x5c: {  	_ =	swait.ge [sflag:s18], $0x800  }
0x5d: {  	[sflag:s18] =	ssyncset.done $0x0  }
0x5e: {  	[sflag:s18] =	ssyncadd.s32 $0xFFFFF800  }
0x5f: {  	_ =	swait.ge [sflag:s18], $0x800  }
0x60: {  	[sflag:s18] =	ssyncset.done $0x0  }
0x61: {  	[sflag:s18] =	ssyncadd.s32 $0xFFFFF800  }
0x62: {  	[bflag:$0x0] =	sbarrier.arrive $0xFFFF  }
0x63: {  	[tilespmem:s19], [sflag:$0x4] =	stream.linear.gather [spmem:s5], $0x2780, $0x38;
	[tilespmem:$0x17980] =	vst v63  }
0x64: {  	_ =	swait.ge [sflag:s14], $0x2780  }
0x65: {  	[sflag:s14] =	ssyncset.done $0x0  }
0x66: {  	s31 =	simm.s32 $0x0;
	s0 =	simm.s32 $0x40;
	[sflag:s14] =	ssyncadd.s32 $0xFFFFD880  }
.LBB2_8:
0x67: {  	p1 =	sne.s32 s0, $0x9DC0;
	v2 =	vld [tilespmem:s31+$0x6200];
	_ =	sdelay $0x4  }
0x68: {  	v3 =	vshrl.u32 v2, $0x1;
	v2 =	vmul.f32 $5.000000000e-01, v2  }
0x69: {  	v3 =	vsub.s32 $0x5F3759DF, v3  }
0x6a: {  	v4 =	vmul.f32 v3, v2;
	_ =	sdelay $0x1  }
0x6b: {  	v4 =	vmul.f32 v3, v4;
	_ =	sdelay $0x1  }
0x6c: {  	v4 =	vsub.f32 $1.500000000e+00, v4;
	_ =	sdelay $0x1  }
0x6d: {  	v3 =	vmul.f32 v3, v4;
	_ =	sdelay $0x1  }
0x6e: {  	v4 =	vmul.f32 v3, v2;
	_ =	sdelay $0x1  }
0x6f: {  	v4 =	vmul.f32 v4, v3;
	_ =	sdelay $0x1  }
0x70: {  	v4 =	vsub.f32 $1.500000000e+00, v4;
	_ =	sdelay $0x1  }
0x71: {  	v3 =	vmul.f32 v4, v3;
	_ =	sdelay $0x1  }
0x72: {  	v2 =	vmul.f32 v3, v2;
	_ =	sdelay $0x1  }
0x73: {  	v2 =	vmul.f32 v2, v3;
	_ =	sdelay $0x1  }
.Ltmp3:
0x74: {  	v2 =	vsub.f32 $1.500000000e+00, v2;
	(pc) =	sbr.rel @p1 .LBB2_8-.Ltmp3, $3  }
0x75: {  	_ = 	snop  }
0x76: {  	v2 =	vmul.f32 v2, v3;
	_ =	sdelay $0x1  }
0x77: {  	[tilespmem:s31+$0x6200] =	vst v2;
	s31 =	sshra.s32 s0, $0x2;
	s0 =	sadd.s32 $0x40, s0  }
0x78: {  	v2 =	vld [tilespmem:s31+$0x6200];
	_ =	sdelay $0x4  }
0x79: {  	v3 =	vshrl.u32 v2, $0x1;
	v2 =	vmul.f32 $5.000000000e-01, v2  }
0x7a: {  	v3 =	vsub.s32 $0x5F3759DF, v3  }
0x7b: {  	v4 =	vmul.f32 v3, v2;
	_ =	sdelay $0x1  }
0x7c: {  	v4 =	vmul.f32 v3, v4;
	_ =	sdelay $0x1  }
0x7d: {  	v4 =	vsub.f32 $1.500000000e+00, v4;
	_ =	sdelay $0x1  }
0x7e: {  	v3 =	vmul.f32 v3, v4;
	_ =	sdelay $0x1  }
0x7f: {  	v4 =	vmul.f32 v3, v2;
	_ =	sdelay $0x1  }
0x80: {  	v4 =	vmul.f32 v4, v3;
	_ =	sdelay $0x1  }
0x81: {  	v4 =	vsub.f32 $1.500000000e+00, v4;
	_ =	sdelay $0x1  }
0x82: {  	v3 =	vmul.f32 v4, v3;
	_ =	sdelay $0x1  }
0x83: {  	v2 =	vmul.f32 v3, v2;
	_ =	sdelay $0x1  }
0x84: {  	v2 =	vmul.f32 v2, v3;
	_ =	sdelay $0x1  }
0x85: {  	v2 =	vsub.f32 $1.500000000e+00, v2;
	_ =	sdelay $0x1  }
0x86: {  	v2 =	vmul.f32 v2, v3;
	_ =	sdelay $0x1  }
0x87: {  	s0 =	simm.s32 @!p0 $0x0;
	s1 =	simm.s32 @!p0 $0x6200;
	[tilespmem:s31+$0x6200] =	vst v2  }
0x88: {  	[hbm4b:s7+s0] =	stream.linear.scatter @!p0 [tilespmem:s1], [sflag:$0x4], $0x2780, $0x38;
	[tilespmem:$0x17980] =	vst v63  }
0x89: {  	s0 =	simm.s32 @!p0 $0x4  }
0x8a: {  	_ =	swait.ge @!p0 [sflag:s0], $0x2780  }
0x8b: {  	[sflag:s0] =	ssyncset.done @!p0 $0x0  }
0x8c: {  	[sflag:s0] =	ssyncadd.s32 @!p0 $0xFFFFD880  }
0x8d: {  	s15 =	simm.s32 $0x0;
	[bflag:$0x0] =	sbarrier.arrive $0xFFFF  }
0x8e: {  	[tilespmem:s17], [sflag:$0x4] =	stream.linear.gather [hbm4b:s8+s15], $0x2780, $0x38;
	[tilespmem:$0x17980] =	vst v63  }
0x8f: {  	_ =	swait.ge [sflag:s14], $0x2780  }
0x90: {  	[sflag:s14] =	ssyncset.done $0x0  }
0x91: {  	s0 =	simm.s32 $0x0;
	[sflag:s14] =	ssyncadd.s32 $0xFFFFD880  }
0x92: {  	s31 =	simm.s32 $0x40;
	v2 =	vld [tilespmem:s0+$0x6200]  }
.LBB2_10:
0x93: {  	p1 =	sne.s32 s31, $0x9DC0;
	v3 =	vld [tilespmem:s0+$0x8980];
	_ =	sdelay $0x2  }
.Ltmp4:
0x94: {  	(pc) =	sbr.rel @p1 .LBB2_10-.Ltmp4, $4  }
0x95: {  	_ = 	snop  }
0x96: {  	v3 =	vmul.f32 v2, v3  }
0x97: {  	s1 =	sshra.s32 s31, $0x2  }
0x98: {  	s31 =	sadd.s32 $0x40, s31;
	v2 =	vld [tilespmem:s1+$0x6200];
	[tilespmem:s0+$0x8980] =	vst v3;
	s0 =	smov.u32 s1  }
0x99: {  	v3 =	vld [tilespmem:s0+$0x8980];
	_ =	sdelay $0x4  }
0x9a: {  	v2 =	vmul.f32 v2, v3;
	_ =	sdelay $0x1  }
0x9b: {  	[tilespmem:s0+$0x8980] =	vst v2  }
0x9c: {  	[spmem:s9] =	stream.linear.scatter [tilespmem:s17], [sflag:$0x4], $0x2780, $0x38;
	[tilespmem:$0x17980] =	vst v63  }
0x9d: {  	_ =	swait.ge [sflag:s14], $0x2780  }
0x9e: {  	[sflag:s14] =	ssyncset.done $0x0  }
0x9f: {  	[sflag:s14] =	ssyncadd.s32 $0xFFFFD880  }
0xa0: {  	[spmem:s5] =	stream.linear.scatter [tilespmem:s13], [sflag:$0x4], $0x2780, $0x38;
	[tilespmem:$0x17980] =	vst v63  }
0xa1: {  	_ =	swait.ge [sflag:s14], $0x2780  }
0xa2: {  	[sflag:s14] =	ssyncset.done $0x0  }
0xa3: {  	[sflag:s14] =	ssyncadd.s32 $0xFFFFD880  }
0xa4: {  	s31 =	simm.s32 $0x0;
	[bflag:$0x0] =	sbarrier.arrive $0xFFFF  }
0xa5: {  	[tilespmem:s31], [sflag:$0x4] =	stream.linear.gather [hbm4b:s10+s31], $0x2900, $0x38;
	[tilespmem:$0x17980] =	vst v63  }
0xa6: {  	_ =	swait.ge [sflag:s14], $0x2900  }
0xa7: {  	[sflag:s14] =	ssyncset.done $0x0  }
0xa8: {  	[sflag:s14] =	ssyncadd.s32 $0xFFFFD700  }
0xa9: {  	[tilespmem:s20], [sflag:$0x4] =	stream.linear.gather [hbm4b:s11+s31], $0x2900, $0x38;
	[tilespmem:$0x17980] =	vst v63  }
0xaa: {  	_ =	swait.ge [sflag:s14], $0x2900  }
0xab: {  	[sflag:s14] =	ssyncset.done $0x0  }
0xac: {  	[sflag:s14] =	ssyncadd.s32 $0xFFFFD700  }
0xad: {  	[tilespmem:s21], [sflag:$0x1] =	stream.indirect.gather [spmem:s3], $0x10, s31, s16, $0xb8;
	[tilespmem:$0x17980] =	vst v63  }
0xae: {  	_ =	swait.ge [sflag:s22], $0x800  }
0xaf: {  	[sflag:s22] =	ssyncset.done $0x0  }
0xb0: {  	s1 =	simm.s32 $0x80;
	[sflag:s22] =	ssyncadd.s32 $0xFFFFF800  }
0xb1: {  	[tilespmem:s23], [sflag:$0x2] =	stream.indirect.gather [spmem:s3], $0x10, s1, s16, $0xb8;
	[tilespmem:$0x17980] =	vst v63  }
0xb2: {  	s4 =	simm.s32 $0x2900  }
0xb3: {  	[spmem:s2] =	stream.indirect.scatter.add.f32 [tilespmem:s21], [sflag:$0x4], $0x10, s4, s16, $0xb8;
	[tilespmem:$0x17980] =	vst v63  }
0xb4: {  	_ =	swait.ge [sflag:s14], $0x800  }
0xb5: {  	[sflag:s14] =	ssyncset.done $0x0  }
0xb6: {  	[sflag:s14] =	ssyncadd.s32 $0xFFFFF800  }
0xb7: {  	_ =	swait.ge [sflag:s25], $0x800  }
0xb8: {  	[sflag:s25] =	ssyncset.done $0x0  }
0xb9: {  	s15 =	simm.s32 $0x100;
	[sflag:s25] =	ssyncadd.s32 $0xFFFFF800  }
0xba: {  	[tilespmem:s21], [sflag:$0x1] =	stream.indirect.gather [spmem:s3], $0x10, s15, s16, $0xb8;
	[tilespmem:$0x17980] =	vst v63  }
0xbb: {  	s31 =	simm.s32 $0x2980  }
0xbc: {  	[spmem:s2] =	stream.indirect.scatter.add.f32 [tilespmem:s23], [sflag:$0x4], $0x10, s31, s16, $0xb8;
	[tilespmem:$0x17980] =	vst v63  }
0xbd: {  	_ =	swait.ge [sflag:s14], $0x800  }
0xbe: {  	s0 =	simm.s32 $0x400;
	[sflag:s14] =	ssyncset.done $0x0  }
.LBB2_12:
0xbf: {  	p1 =	sne.s32 s0, $0x9C00  }
0xc0: {  	[sflag:s14] =	ssyncadd.s32 $0xFFFFF800;
	s1 =	smov.u32 s0;
	s0 =	sadd.s32 $0x400, s0  }
0xc1: {  	_ = 	snop  }
0xc2: {  	_ =	swait.ge [sflag:s22], $0x800  }
0xc3: {  	s1 =	sshra.s32 s1, $0x2;
	[sflag:s22] =	ssyncset.done $0x0  }
0xc4: {  	s4 =	sadd.s32 $0x80, s1;
	[sflag:s22] =	ssyncadd.s32 $0xFFFFF800  }
0xc5: {  	[tilespmem:s23], [sflag:$0x2] =	stream.indirect.gather [spmem:s3], $0x10, s4, s16, $0xb8;
	[tilespmem:$0x17980] =	vst v63  }
0xc6: {  	s4 =	sadd.s32 $0x2900, s1  }
0xc7: {  	[spmem:s2] =	stream.indirect.scatter.add.f32 [tilespmem:s21], [sflag:$0x4], $0x10, s4, s16, $0xb8;
	[tilespmem:$0x17980] =	vst v63  }
0xc8: {  	_ =	swait.ge [sflag:s14], $0x800  }
0xc9: {  	[sflag:s14] =	ssyncset.done $0x0  }
0xca: {  	[sflag:s14] =	ssyncadd.s32 $0xFFFFF800  }
0xcb: {  	_ =	swait.ge [sflag:s25], $0x800  }
0xcc: {  	[sflag:s25] =	ssyncset.done $0x0  }
0xcd: {  	s4 =	sadd.s32 $0x100, s1;
	[sflag:s25] =	ssyncadd.s32 $0xFFFFF800  }
0xce: {  	[tilespmem:s21], [sflag:$0x1] =	stream.indirect.gather [spmem:s3], $0x10, s4, s16, $0xb8;
	[tilespmem:$0x17980] =	vst v63  }
.Ltmp5:
0xcf: {  	_ = 	snop;
	(pc) =	sbr.rel @p1 .LBB2_12-.Ltmp5, $4  }
0xd0: {  	s1 =	sadd.s32 $0x2980, s1  }
0xd1: {  	[spmem:s2] =	stream.indirect.scatter.add.f32 [tilespmem:s23], [sflag:$0x4], $0x10, s1, s16, $0xb8;
	[tilespmem:$0x17980] =	vst v63  }
0xd2: {  	_ =	swait.ge [sflag:s14], $0x800  }
0xd3: {  	[sflag:s14] =	ssyncset.done $0x0  }
0xd4: {  	[sflag:s14] =	ssyncadd.s32 $0xFFFFF800  }
0xd5: {  	_ =	swait.ge [sflag:s22], $0x800  }
0xd6: {  	[sflag:s22] =	ssyncset.done $0x0  }
0xd7: {  	[sflag:s22] =	ssyncadd.s32 $0xFFFFF800  }
0xd8: {  	[tilespmem:s23], [sflag:$0x2] =	stream.indirect.gather [spmem:s3], $0x10, s26, s16, $0xb8;
	[tilespmem:$0x17980] =	vst v63  }
0xd9: {  	_ = 	snop  }
0xda: {  	[spmem:s2] =	stream.indirect.scatter.add.f32 [tilespmem:s21], [sflag:$0x4], $0x10, s28, s16, $0xb8;
	[tilespmem:$0x17980] =	vst v63  }
0xdb: {  	_ =	swait.ge [sflag:s14], $0x800  }
0xdc: {  	[sflag:s14] =	ssyncset.done $0x0  }
0xdd: {  	[sflag:s14] =	ssyncadd.s32 $0xFFFFF800  }
0xde: {  	_ =	swait.ge [sflag:s25], $0x800  }
0xdf: {  	[sflag:s25] =	ssyncset.done $0x0  }
0xe0: {  	[sflag:s25] =	ssyncadd.s32 $0xFFFFF800  }
0xe1: {  	[spmem:s2] =	stream.indirect.scatter.add.f32 [tilespmem:s23], [sflag:$0x4], $0x10, s29, s16, $0xb8;
	[tilespmem:$0x17980] =	vst v63  }
0xe2: {  	_ =	swait.ge [sflag:s14], $0x800  }
0xe3: {  	[sflag:s14] =	ssyncset.done $0x0  }
0xe4: {  	[sflag:s14] =	ssyncadd.s32 $0xFFFFF800  }
0xe5: {  	[bflag:$0x0] =	sbarrier.arrive $0xFFFF  }
0xe6: {  	[tilespmem:s17], [sflag:$0x4] =	stream.linear.gather [spmem:s5], $0x2780, $0x38;
	[tilespmem:$0x17980] =	vst v63  }
0xe7: {  	_ =	swait.ge [sflag:s14], $0x2780  }
0xe8: {  	[sflag:s14] =	ssyncset.done $0x0  }
0xe9: {  	s0 =	simm.s32 $0x0;
	[sflag:s14] =	ssyncadd.s32 $0xFFFFD880  }
0xea: {  	s31 =	simm.s32 $0x40;
	v2 =	vld [tilespmem:s0+$0x6200]  }
.LBB2_14:
0xeb: {  	p1 =	sne.s32 s31, $0x9DC0;
	v3 =	vld [tilespmem:s0+$0x8980];
	_ =	sdelay $0x2  }
.Ltmp6:
0xec: {  	(pc) =	sbr.rel @p1 .LBB2_14-.Ltmp6, $4  }
0xed: {  	_ = 	snop  }
0xee: {  	v3 =	vmul.f32 v2, v3  }
0xef: {  	s1 =	sshra.s32 s31, $0x2  }
0xf0: {  	s31 =	sadd.s32 $0x40, s31;
	v2 =	vld [tilespmem:s1+$0x6200];
	[tilespmem:s0+$0x8980] =	vst v3;
	s0 =	smov.u32 s1  }
0xf1: {  	v3 =	vld [tilespmem:s0+$0x8980];
	_ =	sdelay $0x4  }
0xf2: {  	s30 =	sadd.s32 $0x1, s30;
	v2 =	vmul.f32 v2, v3  }
0xf3: {  	p1 =	sne.s32 s30, s12  }
.Ltmp7:
0xf4: {  	s31 =	simm.s32 $0x0;
	[tilespmem:s0+$0x8980] =	vst v2;
	(pc) =	sbr.rel @p1 .LBB2_1-.Ltmp7, $4  }
0xf5: {  	[hbm4b:s24+s31] =	stream.linear.scatter [tilespmem:s17], [sflag:$0x4], $0x2780, $0x38;
	[tilespmem:$0x17980] =	vst v63  }
0xf6: {  	_ =	swait.ge [sflag:s14], $0x2780  }
0xf7: {  	[sflag:s14] =	ssyncset.done $0x0  }
0xf8: {  	[sflag:s14] =	ssyncadd.s32 $0xFFFFD880  }
0xf9: {  	_ =	sfence.sel $0x180000  }
0xfa: {  	[bflag:$0x0] =	sbarrier.arrive $0xFFFF  }
0xfb: {  	_ =	strace $0x90000047  }
0xfc: {  	s0 =	stileid.u32;
	[bflag:$0x2] =	sbarrier.arrive $0xFFFF  }
0xfd: {  	p0 =	sne.s32 s0, $0x0;
	s0 =	rddreg [dreg:$0x4]  }
0xfe: {  	s0 =	sadd.s32 @!p0 $0x100000, s0  }
0xff: {  	[sflag:s0] =	ssyncadd.tile.s32 @!p0 $0x1;
	_ =	shalt  }
.Lfunc_end2:
_tile_overlayer_lowered:
.L_overlay_start_2:
0x100: {  	(tag) =	ssettag $0x2  }
0x101: {  	s0 =	rddreg [dreg:$0x0];
	s2 =	stileid.u32  }
0x102: {  	s1 =	rddreg [dreg:$0x1];
	p0 =	sne.s32 s2, $0x0  }
0x103: {  	s3 =	rddreg [dreg:$0x2];
	[bflag:$0x3] =	sbarrier.arrive $0xFFFF;
	s2 =	simm.s32 @!p0 $0x1C04  }
0x104: {  	[timem:s3], [sflag:s2] =	dma.local @!p0 [hbm:s0], s1  }
0x105: {  	s0 =	simm.s32 @!p0 $0x4  }
0x106: {  	_ =	swait.ge @!p0 [sflag:s0], s1  }
0x107: {  	s1 =	ssub.s32 @!p0 $0x0, s1;
	[sflag:s0] =	ssyncset.done @!p0 $0x0  }
0x108: {  	[sflag:s0] =	ssyncadd.s32 @!p0 s1  }
0x109: {  	[bflag:$0x3] =	sbarrier.arrive $0xFFFF  }
0x10a: {  	_ =	shalt  }

</sc_bundles>
